<compile_context>
chip_gen: v7x
topology: tpu7x:2x2x1
jax: 0.10.2.dev20260603
libtpu: 0.0.44.dev20260713+nightly
codegen_flags: <defaults>
</compile_context>

<pallas_src>
import functools

import jax
import jax.numpy as jnp
from jax import lax
from jax.experimental import pallas as pl
from jax.experimental.pallas import tpu as pltpu
from jax.experimental.pallas import tpu_sc as plsc

_info = plsc.get_sparse_core_info()
_NC, _NS, _L = _info.num_cores, _info.num_subcores, _info.num_lanes
_NW = _NC * _NS
_NSLOT = 5


def _make_sc_kernel(V, D, E):
    assert E % _NW == 0
    e_w = E // _NW
    B = 80
    assert e_w % B == 0 and B % _L == 0 and D % (2 * _L) == 0
    n_chunks = e_w // B
    assert n_chunks % _NSLOT == 0
    groups = B // _L
    Dw = D // 2
    n_sl = Dw // _L

    mesh = plsc.VectorSubcoreMesh(core_axis_name="c", subcore_axis_name="s")

    @functools.partial(
        pl.kernel,
        mesh=mesh,
        compiler_params=pltpu.CompilerParams(
            needs_layout_passes=False, use_tc_tiling_on_sc=False),
        out_type=jax.ShapeDtypeStruct((E,), jnp.float32),
        scratch_types=(
            [pltpu.VMEM((B, Dw), jnp.int32)] * (2 * _NSLOT)
            + [
                pltpu.VMEM((e_w,), jnp.int32),
                pltpu.VMEM((e_w,), jnp.int32),
                pltpu.VMEM((D,), jnp.float32),
                pltpu.VMEM((e_w,), jnp.float32),
            ]
            + [pltpu.SemaphoreType.DMA] * (2 * _NSLOT)
        ),
    )
    def k(table_hbm, ridx_hbm, cidx_hbm, w_hbm, out_hbm, *rest):
        rbufs = rest[0:_NSLOT]
        cbufs = rest[_NSLOT:2 * _NSLOT]
        ridx_v, cidx_v, w_v, out_v = rest[2 * _NSLOT:2 * _NSLOT + 4]
        sems_r = rest[2 * _NSLOT + 4:3 * _NSLOT + 4]
        sems_c = rest[3 * _NSLOT + 4:4 * _NSLOT + 4]

        wid = lax.axis_index("s") * _NC + lax.axis_index("c")
        base = wid * e_w
        pltpu.sync_copy(ridx_hbm.at[pl.ds(base, e_w)], ridx_v)
        pltpu.sync_copy(cidx_hbm.at[pl.ds(base, e_w)], cidx_v)
        pltpu.sync_copy(w_hbm, w_v)

        lanes = lax.iota(jnp.int32, _L)
        zero = jnp.zeros((_L,), jnp.float32)

        def issue(ch, s):
            off = ch * B
            pltpu.async_copy(
                table_hbm.at[ridx_v.at[pl.ds(off, B)]], rbufs[s], sems_r[s])
            pltpu.async_copy(
                table_hbm.at[cidx_v.at[pl.ds(off, B)]], cbufs[s], sems_c[s])

        def wait(s):
            pltpu.make_async_copy(
                table_hbm.at[ridx_v.at[pl.ds(0, B)]],
                rbufs[s], sems_r[s]).wait()
            pltpu.make_async_copy(
                table_hbm.at[cidx_v.at[pl.ds(0, B)]],
                cbufs[s], sems_c[s]).wait()

        we_regs = [w_v[pl.ds(i * _L, _L)] for i in range(n_sl)]
        wo_regs = [w_v[pl.ds(Dw + i * _L, _L)] for i in range(n_sl)]

        def compute(ch, s):
            off = ch * B
            rbuf, cbuf = rbufs[s], cbufs[s]

            def group_body(eb, _):
                def quad_body(q, res):
                    for kk in range(4):
                        j = q * 4 + kk
                        e = eb * _L + j
                        acc_e = zero
                        acc_o = zero
                        for i in range(n_sl):
                            rv = plsc.bitcast(
                                rbuf[e, pl.ds(i * _L, _L)], jnp.bfloat16)
                            cv = plsc.bitcast(
                                cbuf[e, pl.ds(i * _L, _L)], jnp.bfloat16)
                            da, db = plsc.unpack(
                                jnp.abs(rv - cv),
                                format=plsc.PackFormat.INTERLEAVED)
                            acc_e = acc_e + da * we_regs[i]
                            acc_o = acc_o + db * wo_regs[i]
                        s_ = jnp.sum(acc_e + acc_o)
                        res = jnp.where(lanes == j, s_, res)
                    return res

                res = lax.fori_loop(0, 4, quad_body, zero)
                sig = 1.0 / (1.0 + jnp.exp(-res))
                out_v[pl.ds(off + eb * _L, _L)] = sig
                return 0

            lax.fori_loop(0, groups, group_body, 0)

        for s in range(_NSLOT - 1):
            issue(s, s)

        def body(p, _):
            for s in range(_NSLOT):
                ch = _NSLOT * p + s
                wait(s)
                nxt = ch + _NSLOT - 1

                @pl.when(nxt < n_chunks)
                def _():
                    issue(nxt, (s + _NSLOT - 1) % _NSLOT)

                compute(ch, s)
            return 0

        lax.fori_loop(0, n_chunks // _NSLOT, body, 0)
        pltpu.sync_copy(out_v, out_hbm.at[pl.ds(base, e_w)])

    return k


def kernel(inputs, r_indices, c_indices, weights):
    V, D = inputs.shape
    E = r_indices.shape[0]
    r32 = r_indices.astype(jnp.int32)
    c32 = c_indices.astype(jnp.int32)
    t16 = inputs.astype(jnp.bfloat16).reshape(V, D // 2, 2)
    t32 = jax.lax.bitcast_convert_type(t16, jnp.int32)
    w = weights.reshape(-1).astype(jnp.float32)
    w_de = jnp.concatenate([w[0::2], w[1::2]])
    k = _make_sc_kernel(V, D, E)
    return k(t32, r32, c32, w_de)

# --- scband reference (transcript-rebuilt; emitter-appended) ---
"""Pipeline reference for scband-mlpdecoder-88476326297882 (READ-ONLY COPY).

The authoritative reference and input builder live on the scoring server;
editing this copy changes nothing except your own understanding.
"""

import jax, jax.numpy as jnp
import numpy as np

N_NODES = 10000
N_EDGES = 320000
D_FEAT = 128
N_OUT = 1


def setup_inputs(seed: int = 0) -> dict:
    key = jax.random.key(seed)
    k1, k2, k3, k4 = jax.random.split(key, 4)
    inputs = jax.random.normal(k1, (N_NODES, D_FEAT), dtype=jnp.float32)
    r_indices = jax.random.randint(k2, (N_EDGES,), 0, N_NODES, dtype=jnp.int64)
    c_indices = jax.random.randint(k3, (N_EDGES,), 0, N_NODES, dtype=jnp.int64)
    # learned parameter: weights ~ uniform random (weight_variable_random_uniform)
    init_range = np.sqrt(6.0 / (D_FEAT + N_OUT))
    weights = jax.random.uniform(k4, (D_FEAT, N_OUT), dtype=jnp.float32,
                                 minval=-init_range, maxval=init_range)
    return {"inputs": inputs, "r_indices": r_indices, "c_indices": c_indices,
            "weights": weights}


def reference(inputs, r_indices, c_indices, weights):
    # dropout = 0.0 -> identity
    node_inputs = inputs
    # SparseCore-friendly gathers on node embedding table
    row_inputs = jnp.take(node_inputs, r_indices, axis=0)
    col_inputs = jnp.take(node_inputs, c_indices, axis=0)
    # option == 1: absolute difference
    diff = jnp.abs(row_inputs - col_inputs)
    attributes = diff @ weights  # [E, 1]
    sigmoid_attributes = jax.nn.sigmoid(attributes)
    # n_out == 1 branch: squeeze and return
    outputs = jnp.squeeze(sigmoid_attributes)
    return outputs

if __name__ == "__main__":
    import jax
    _d = setup_inputs()
    print(jax.jit(kernel)(*tuple(_d.values())))

</pallas_src>

<mosaic_0001>
#map = affine_map<(d0, d1) -> (0, 0)>
#map1 = affine_map<(d0, d1) -> (0)>
module attributes {stable_mosaic.version = 14 : i64} {
  func.func @k(%arg0: i32, %arg1: i32, %arg2: memref<10000x64xi32, #tpu.memory_space<hbm>>, %arg3: memref<320000xi32, #tpu.memory_space<hbm>>, %arg4: memref<320000xi32, #tpu.memory_space<hbm>>, %arg5: memref<128xf32, #tpu.memory_space<hbm>>, %arg6: memref<320000xf32, #tpu.memory_space<hbm>>, %arg7: memref<80x64xi32, #tpu.memory_space<vmem>>, %arg8: memref<80x64xi32, #tpu.memory_space<vmem>>, %arg9: memref<80x64xi32, #tpu.memory_space<vmem>>, %arg10: memref<80x64xi32, #tpu.memory_space<vmem>>, %arg11: memref<80x64xi32, #tpu.memory_space<vmem>>, %arg12: memref<80x64xi32, #tpu.memory_space<vmem>>, %arg13: memref<80x64xi32, #tpu.memory_space<vmem>>, %arg14: memref<80x64xi32, #tpu.memory_space<vmem>>, %arg15: memref<80x64xi32, #tpu.memory_space<vmem>>, %arg16: memref<80x64xi32, #tpu.memory_space<vmem>>, %arg17: memref<10000xi32, #tpu.memory_space<vmem>>, %arg18: memref<10000xi32, #tpu.memory_space<vmem>>, %arg19: memref<128xf32, #tpu.memory_space<vmem>>, %arg20: memref<10000xf32, #tpu.memory_space<vmem>>, %arg21: memref<!tpu.dma_semaphore, #tpu.memory_space<semaphore_mem>>, %arg22: memref<!tpu.dma_semaphore, #tpu.memory_space<semaphore_mem>>, %arg23: memref<!tpu.dma_semaphore, #tpu.memory_space<semaphore_mem>>, %arg24: memref<!tpu.dma_semaphore, #tpu.memory_space<semaphore_mem>>, %arg25: memref<!tpu.dma_semaphore, #tpu.memory_space<semaphore_mem>>, %arg26: memref<!tpu.dma_semaphore, #tpu.memory_space<semaphore_mem>>, %arg27: memref<!tpu.dma_semaphore, #tpu.memory_space<semaphore_mem>>, %arg28: memref<!tpu.dma_semaphore, #tpu.memory_space<semaphore_mem>>, %arg29: memref<!tpu.dma_semaphore, #tpu.memory_space<semaphore_mem>>, %arg30: memref<!tpu.dma_semaphore, #tpu.memory_space<semaphore_mem>>) attributes {dimension_semantics = [#tpu.dimension_semantics<core_parallel>, #tpu.dimension_semantics<subcore_parallel>], iteration_bounds = array<i64: 2, 16>, scalar_prefetch = 0 : i64, scratch_operands = 24 : i64, tpu.core_type = #tpu.core_type<sc_vector_subcore>, window_params = [{transform_indices = #map}, {transform_indices = #map1}, {transform_indices = #map1}, {transform_indices = #map1}, {transform_indices = #map1}]} {
    %mul3A = arith.constant 2 : i32
    %mul3A_0 = arith.muli %arg1, %mul3A : i32
    %add3A = arith.addi %mul3A_0, %arg0 : i32
    %mul3A_1 = arith.constant 10000 : i32
    %mul3A_2 = arith.muli %add3A, %mul3A_1 : i32
    "tpu.region"() ({
      %run_scoped3A = tpu.sem_alloc : memref<!tpu.dma_semaphore, #tpu.memory_space<semaphore_mem>>
      %dma_start3A_64 = tpu.memref_slice %arg3[%mul3A_2] : memref<320000xi32, #tpu.memory_space<hbm>> -> memref<10000xi32, #tpu.memory_space<hbm>>
      %dma_start3A_65 = tpu.memref_slice %arg3[%mul3A_2] : memref<320000xi32, #tpu.memory_space<hbm>> -> memref<10000xi32, #tpu.memory_space<hbm>>
      tpu.enqueue_dma source(%dma_start3A_65 : memref<10000xi32, #tpu.memory_space<hbm>>) target(%arg17 : memref<10000xi32, #tpu.memory_space<vmem>>) target_semaphore(%run_scoped3A : memref<!tpu.dma_semaphore, #tpu.memory_space<semaphore_mem>>)
      %dma_wait3A = tpu.memref_slice %arg3[%mul3A_2] : memref<320000xi32, #tpu.memory_space<hbm>> -> memref<10000xi32, #tpu.memory_space<hbm>>
      %dma_wait3A_66 = tpu.memref_slice %arg3[%mul3A_2] : memref<320000xi32, #tpu.memory_space<hbm>> -> memref<10000xi32, #tpu.memory_space<hbm>>
      tpu.wait_dma2 semaphore(%run_scoped3A : memref<!tpu.dma_semaphore, #tpu.memory_space<semaphore_mem>>) src(%dma_wait3A_66 : memref<10000xi32, #tpu.memory_space<hbm>>) dst(%arg17 : memref<10000xi32, #tpu.memory_space<vmem>>)
      tpu.yield
    }) : () -> ()
    "tpu.region"() ({
      %run_scoped3A = tpu.sem_alloc : memref<!tpu.dma_semaphore, #tpu.memory_space<semaphore_mem>>
      %dma_start3A_64 = tpu.memref_slice %arg4[%mul3A_2] : memref<320000xi32, #tpu.memory_space<hbm>> -> memref<10000xi32, #tpu.memory_space<hbm>>
      %dma_start3A_65 = tpu.memref_slice %arg4[%mul3A_2] : memref<320000xi32, #tpu.memory_space<hbm>> -> memref<10000xi32, #tpu.memory_space<hbm>>
      tpu.enqueue_dma source(%dma_start3A_65 : memref<10000xi32, #tpu.memory_space<hbm>>) target(%arg18 : memref<10000xi32, #tpu.memory_space<vmem>>) target_semaphore(%run_scoped3A : memref<!tpu.dma_semaphore, #tpu.memory_space<semaphore_mem>>)
      %dma_wait3A = tpu.memref_slice %arg4[%mul3A_2] : memref<320000xi32, #tpu.memory_space<hbm>> -> memref<10000xi32, #tpu.memory_space<hbm>>
      %dma_wait3A_66 = tpu.memref_slice %arg4[%mul3A_2] : memref<320000xi32, #tpu.memory_space<hbm>> -> memref<10000xi32, #tpu.memory_space<hbm>>
      tpu.wait_dma2 semaphore(%run_scoped3A : memref<!tpu.dma_semaphore, #tpu.memory_space<semaphore_mem>>) src(%dma_wait3A_66 : memref<10000xi32, #tpu.memory_space<hbm>>) dst(%arg18 : memref<10000xi32, #tpu.memory_space<vmem>>)
      tpu.yield
    }) : () -> ()
    "tpu.region"() ({
      %run_scoped3A = tpu.sem_alloc : memref<!tpu.dma_semaphore, #tpu.memory_space<semaphore_mem>>
      tpu.enqueue_dma source(%arg5 : memref<128xf32, #tpu.memory_space<hbm>>) target(%arg19 : memref<128xf32, #tpu.memory_space<vmem>>) target_semaphore(%run_scoped3A : memref<!tpu.dma_semaphore, #tpu.memory_space<semaphore_mem>>)
      tpu.wait_dma2 semaphore(%run_scoped3A : memref<!tpu.dma_semaphore, #tpu.memory_space<semaphore_mem>>) src(%arg5 : memref<128xf32, #tpu.memory_space<hbm>>) dst(%arg19 : memref<128xf32, #tpu.memory_space<vmem>>)
      tpu.yield
    }) : () -> ()
    %iota3A = tpu.iota {dimensions = array<i32: 0>} : vector<16xi32>
    %broadcast_in_dim3A = arith.constant 0.000000e+00 : f32
    %broadcast_in_dim3A_3 = vector.broadcast %broadcast_in_dim3A : f32 to vector<16xf32>
    %get3A = arith.constant 0 : index
    %get3A_4 = tpu.vector_load %arg19[%get3A] {strides = array<i32>} : memref<128xf32, #tpu.memory_space<vmem>>, vector<16xf32>,
    %get3A_5 = arith.constant 16 : index
    %get3A_6 = tpu.vector_load %arg19[%get3A_5] {strides = array<i32>} : memref<128xf32, #tpu.memory_space<vmem>>, vector<16xf32>,
    %get3A_7 = arith.constant 32 : index
    %get3A_8 = tpu.vector_load %arg19[%get3A_7] {strides = array<i32>} : memref<128xf32, #tpu.memory_space<vmem>>, vector<16xf32>,
    %get3A_9 = arith.constant 48 : index
    %get3A_10 = tpu.vector_load %arg19[%get3A_9] {strides = array<i32>} : memref<128xf32, #tpu.memory_space<vmem>>, vector<16xf32>,
    %get3A_11 = arith.constant 64 : index
    %get3A_12 = tpu.vector_load %arg19[%get3A_11] {strides = array<i32>} : memref<128xf32, #tpu.memory_space<vmem>>, vector<16xf32>,
    %get3A_13 = arith.constant 80 : index
    %get3A_14 = tpu.vector_load %arg19[%get3A_13] {strides = array<i32>} : memref<128xf32, #tpu.memory_space<vmem>>, vector<16xf32>,
    %get3A_15 = arith.constant 96 : index
    %get3A_16 = tpu.vector_load %arg19[%get3A_15] {strides = array<i32>} : memref<128xf32, #tpu.memory_space<vmem>>, vector<16xf32>,
    %get3A_17 = arith.constant 112 : index
    %get3A_18 = tpu.vector_load %arg19[%get3A_17] {strides = array<i32>} : memref<128xf32, #tpu.memory_space<vmem>>, vector<16xf32>,
    %dma_start3A = arith.constant 0 : i32
    %dma_start3A_19 = tpu.memref_slice %arg17[%dma_start3A] : memref<10000xi32, #tpu.memory_space<vmem>> -> memref<80xi32, #tpu.memory_space<vmem>>
    %dma_start3A_20 = arith.constant 0 : i32
    %dma_start3A_21 = arith.constant 0 : i32
    %dma_start3A_22 = tpu.memref_slice %arg2[%dma_start3A_20, %dma_start3A_21] : memref<10000x64xi32, #tpu.memory_space<hbm>> -> memref<10000x64xi32, #tpu.memory_space<hbm>>
    tpu.enqueue_indirect_dma source(%dma_start3A_22 : memref<10000x64xi32, #tpu.memory_space<hbm>>) target(%arg7 : memref<80x64xi32, #tpu.memory_space<vmem>>) offsets(%dma_start3A_19 : memref<80xi32, #tpu.memory_space<vmem>>) semaphore(%arg21 : memref<!tpu.dma_semaphore, #tpu.memory_space<semaphore_mem>>)
    %dma_start3A_23 = arith.constant 0 : i32
    %dma_start3A_24 = tpu.memref_slice %arg18[%dma_start3A_23] : memref<10000xi32, #tpu.memory_space<vmem>> -> memref<80xi32, #tpu.memory_space<vmem>>
    %dma_start3A_25 = arith.constant 0 : i32
    %dma_start3A_26 = arith.constant 0 : i32
    %dma_start3A_27 = tpu.memref_slice %arg2[%dma_start3A_25, %dma_start3A_26] : memref<10000x64xi32, #tpu.memory_space<hbm>> -> memref<10000x64xi32, #tpu.memory_space<hbm>>
    tpu.enqueue_indirect_dma source(%dma_start3A_27 : memref<10000x64xi32, #tpu.memory_space<hbm>>) target(%arg12 : memref<80x64xi32, #tpu.memory_space<vmem>>) offsets(%dma_start3A_24 : memref<80xi32, #tpu.memory_space<vmem>>) semaphore(%arg26 : memref<!tpu.dma_semaphore, #tpu.memory_space<semaphore_mem>>)
    %dma_start3A_28 = arith.constant 80 : i32
    %dma_start3A_29 = tpu.memref_slice %arg17[%dma_start3A_28] : memref<10000xi32, #tpu.memory_space<vmem>> -> memref<80xi32, #tpu.memory_space<vmem>>
    %dma_start3A_30 = arith.constant 0 : i32
    %dma_start3A_31 = arith.constant 0 : i32
    %dma_start3A_32 = tpu.memref_slice %arg2[%dma_start3A_30, %dma_start3A_31] : memref<10000x64xi32, #tpu.memory_space<hbm>> -> memref<10000x64xi32, #tpu.memory_space<hbm>>
    tpu.enqueue_indirect_dma source(%dma_start3A_32 : memref<10000x64xi32, #tpu.memory_space<hbm>>) target(%arg8 : memref<80x64xi32, #tpu.memory_space<vmem>>) offsets(%dma_start3A_29 : memref<80xi32, #tpu.memory_space<vmem>>) semaphore(%arg22 : memref<!tpu.dma_semaphore, #tpu.memory_space<semaphore_mem>>)
    %dma_start3A_33 = arith.constant 80 : i32
    %dma_start3A_34 = tpu.memref_slice %arg18[%dma_start3A_33] : memref<10000xi32, #tpu.memory_space<vmem>> -> memref<80xi32, #tpu.memory_space<vmem>>
    %dma_start3A_35 = arith.constant 0 : i32
    %dma_start3A_36 = arith.constant 0 : i32
    %dma_start3A_37 = tpu.memref_slice %arg2[%dma_start3A_35, %dma_start3A_36] : memref<10000x64xi32, #tpu.memory_space<hbm>> -> memref<10000x64xi32, #tpu.memory_space<hbm>>
    tpu.enqueue_indirect_dma source(%dma_start3A_37 : memref<10000x64xi32, #tpu.memory_space<hbm>>) target(%arg13 : memref<80x64xi32, #tpu.memory_space<vmem>>) offsets(%dma_start3A_34 : memref<80xi32, #tpu.memory_space<vmem>>) semaphore(%arg27 : memref<!tpu.dma_semaphore, #tpu.memory_space<semaphore_mem>>)
    %dma_start3A_38 = arith.constant 160 : i32
    %dma_start3A_39 = tpu.memref_slice %arg17[%dma_start3A_38] : memref<10000xi32, #tpu.memory_space<vmem>> -> memref<80xi32, #tpu.memory_space<vmem>>
    %dma_start3A_40 = arith.constant 0 : i32
    %dma_start3A_41 = arith.constant 0 : i32
    %dma_start3A_42 = tpu.memref_slice %arg2[%dma_start3A_40, %dma_start3A_41] : memref<10000x64xi32, #tpu.memory_space<hbm>> -> memref<10000x64xi32, #tpu.memory_space<hbm>>
    tpu.enqueue_indirect_dma source(%dma_start3A_42 : memref<10000x64xi32, #tpu.memory_space<hbm>>) target(%arg9 : memref<80x64xi32, #tpu.memory_space<vmem>>) offsets(%dma_start3A_39 : memref<80xi32, #tpu.memory_space<vmem>>) semaphore(%arg23 : memref<!tpu.dma_semaphore, #tpu.memory_space<semaphore_mem>>)
    %dma_start3A_43 = arith.constant 160 : i32
    %dma_start3A_44 = tpu.memref_slice %arg18[%dma_start3A_43] : memref<10000xi32, #tpu.memory_space<vmem>> -> memref<80xi32, #tpu.memory_space<vmem>>
    %dma_start3A_45 = arith.constant 0 : i32
    %dma_start3A_46 = arith.constant 0 : i32
    %dma_start3A_47 = tpu.memref_slice %arg2[%dma_start3A_45, %dma_start3A_46] : memref<10000x64xi32, #tpu.memory_space<hbm>> -> memref<10000x64xi32, #tpu.memory_space<hbm>>
    tpu.enqueue_indirect_dma source(%dma_start3A_47 : memref<10000x64xi32, #tpu.memory_space<hbm>>) target(%arg14 : memref<80x64xi32, #tpu.memory_space<vmem>>) offsets(%dma_start3A_44 : memref<80xi32, #tpu.memory_space<vmem>>) semaphore(%arg28 : memref<!tpu.dma_semaphore, #tpu.memory_space<semaphore_mem>>)
    %dma_start3A_48 = arith.constant 240 : i32
    %dma_start3A_49 = tpu.memref_slice %arg17[%dma_start3A_48] : memref<10000xi32, #tpu.memory_space<vmem>> -> memref<80xi32, #tpu.memory_space<vmem>>
    %dma_start3A_50 = arith.constant 0 : i32
    %dma_start3A_51 = arith.constant 0 : i32
    %dma_start3A_52 = tpu.memref_slice %arg2[%dma_start3A_50, %dma_start3A_51] : memref<10000x64xi32, #tpu.memory_space<hbm>> -> memref<10000x64xi32, #tpu.memory_space<hbm>>
    tpu.enqueue_indirect_dma source(%dma_start3A_52 : memref<10000x64xi32, #tpu.memory_space<hbm>>) target(%arg10 : memref<80x64xi32, #tpu.memory_space<vmem>>) offsets(%dma_start3A_49 : memref<80xi32, #tpu.memory_space<vmem>>) semaphore(%arg24 : memref<!tpu.dma_semaphore, #tpu.memory_space<semaphore_mem>>)
    %dma_start3A_53 = arith.constant 240 : i32
    %dma_start3A_54 = tpu.memref_slice %arg18[%dma_start3A_53] : memref<10000xi32, #tpu.memory_space<vmem>> -> memref<80xi32, #tpu.memory_space<vmem>>
    %dma_start3A_55 = arith.constant 0 : i32
    %dma_start3A_56 = arith.constant 0 : i32
    %dma_start3A_57 = tpu.memref_slice %arg2[%dma_start3A_55, %dma_start3A_56] : memref<10000x64xi32, #tpu.memory_space<hbm>> -> memref<10000x64xi32, #tpu.memory_space<hbm>>
    tpu.enqueue_indirect_dma source(%dma_start3A_57 : memref<10000x64xi32, #tpu.memory_space<hbm>>) target(%arg15 : memref<80x64xi32, #tpu.memory_space<vmem>>) offsets(%dma_start3A_54 : memref<80xi32, #tpu.memory_space<vmem>>) semaphore(%arg29 : memref<!tpu.dma_semaphore, #tpu.memory_space<semaphore_mem>>)
    %scan3A = arith.constant 0 : i32
    %scan3A_58 = arith.constant 0 : i32
    %scan3A_59 = arith.constant 25 : i32
    %scan3A_60 = arith.addi %scan3A_58, %scan3A_59 : i32
    %scan3A_61 = arith.constant 1 : i32
    %scan3A_62 = scf.for %scan3A_64 = %scan3A_58 to %scan3A_60 step %scan3A_61 iter_args(%scan3A_65 = %scan3A) -> (i32)  : i32 {
      %mul3A_66 = arith.constant 5 : i32
      %mul3A_67 = arith.muli %mul3A_66, %scan3A_64 : i32
      %add3A_68 = arith.constant 0 : i32
      %add3A_69 = arith.addi %mul3A_67, %add3A_68 : i32
      %dma_wait3A = arith.constant 0 : i32
      %dma_wait3A_70 = tpu.memref_slice %arg17[%dma_wait3A] : memref<10000xi32, #tpu.memory_space<vmem>> -> memref<80xi32, #tpu.memory_space<vmem>>
      %dma_wait3A_71 = arith.constant 0 : i32
      %dma_wait3A_72 = arith.constant 0 : i32
      %dma_wait3A_73 = tpu.memref_slice %arg2[%dma_wait3A_71, %dma_wait3A_72] : memref<10000x64xi32, #tpu.memory_space<hbm>> -> memref<10000x64xi32, #tpu.memory_space<hbm>>
      tpu.wait_indirect_dma semaphore(%arg21 : memref<!tpu.dma_semaphore, #tpu.memory_space<semaphore_mem>>) src(%dma_wait3A_73 : memref<10000x64xi32, #tpu.memory_space<hbm>>) dst(%arg7 : memref<80x64xi32, #tpu.memory_space<vmem>>)
      %dma_wait3A_74 = arith.constant 0 : i32
      %dma_wait3A_75 = tpu.memref_slice %arg18[%dma_wait3A_74] : memref<10000xi32, #tpu.memory_space<vmem>> -> memref<80xi32, #tpu.memory_space<vmem>>
      %dma_wait3A_76 = arith.constant 0 : i32
      %dma_wait3A_77 = arith.constant 0 : i32
      %dma_wait3A_78 = tpu.memref_slice %arg2[%dma_wait3A_76, %dma_wait3A_77] : memref<10000x64xi32, #tpu.memory_space<hbm>> -> memref<10000x64xi32, #tpu.memory_space<hbm>>
      tpu.wait_indirect_dma semaphore(%arg26 : memref<!tpu.dma_semaphore, #tpu.memory_space<semaphore_mem>>) src(%dma_wait3A_78 : memref<10000x64xi32, #tpu.memory_space<hbm>>) dst(%arg12 : memref<80x64xi32, #tpu.memory_space<vmem>>)
      %add3A_79 = arith.constant 5 : i32
      %add3A_80 = arith.addi %add3A_69, %add3A_79 : i32
      %sub3A = arith.constant 1 : i32
      %sub3A_81 = arith.subi %add3A_80, %sub3A : i32
      %lt3A = arith.constant 125 : i32
      %lt3A_82 = arith.cmpi slt, %sub3A_81, %lt3A : i32
      %convert_element_type3A = arith.extui %lt3A_82 : i1 to i32
      %cond3A = arith.constant 0 : i32
      %cond3A_83 = arith.cmpi ne, %convert_element_type3A, %cond3A : i32
      scf.if %cond3A_83 {
        %mul3A_222 = arith.constant 80 : i32
        %mul3A_223 = arith.muli %sub3A_81, %mul3A_222 : i32
        %dma_start3A_224 = tpu.memref_slice %arg17[%mul3A_223] : memref<10000xi32, #tpu.memory_space<vmem>> -> memref<80xi32, #tpu.memory_space<vmem>>
        %dma_start3A_225 = arith.constant 0 : i32
        %dma_start3A_226 = arith.constant 0 : i32
        %dma_start3A_227 = tpu.memref_slice %arg2[%dma_start3A_225, %dma_start3A_226] : memref<10000x64xi32, #tpu.memory_space<hbm>> -> memref<10000x64xi32, #tpu.memory_space<hbm>>
        tpu.enqueue_indirect_dma source(%dma_start3A_227 : memref<10000x64xi32, #tpu.memory_space<hbm>>) target(%arg11 : memref<80x64xi32, #tpu.memory_space<vmem>>) offsets(%dma_start3A_224 : memref<80xi32, #tpu.memory_space<vmem>>) semaphore(%arg25 : memref<!tpu.dma_semaphore, #tpu.memory_space<semaphore_mem>>)
        %dma_start3A_228 = tpu.memref_slice %arg18[%mul3A_223] : memref<10000xi32, #tpu.memory_space<vmem>> -> memref<80xi32, #tpu.memory_space<vmem>>
        %dma_start3A_229 = arith.constant 0 : i32
        %dma_start3A_230 = arith.constant 0 : i32
        %dma_start3A_231 = tpu.memref_slice %arg2[%dma_start3A_229, %dma_start3A_230] : memref<10000x64xi32, #tpu.memory_space<hbm>> -> memref<10000x64xi32, #tpu.memory_space<hbm>>
        tpu.enqueue_indirect_dma source(%dma_start3A_231 : memref<10000x64xi32, #tpu.memory_space<hbm>>) target(%arg16 : memref<80x64xi32, #tpu.memory_space<vmem>>) offsets(%dma_start3A_228 : memref<80xi32, #tpu.memory_space<vmem>>) semaphore(%arg30 : memref<!tpu.dma_semaphore, #tpu.memory_space<semaphore_mem>>)
      } else {
      }
      %mul3A_84 = arith.constant 80 : i32
      %mul3A_85 = arith.muli %add3A_69, %mul3A_84 : i32
      %scan3A_86 = arith.constant 0 : i32
      %scan3A_87 = arith.constant 0 : i32
      %scan3A_88 = arith.constant 5 : i32
      %scan3A_89 = arith.addi %scan3A_87, %scan3A_88 : i32
      %scan3A_90 = arith.constant 1 : i32
      %scan3A_91 = scf.for %scan3A_222 = %scan3A_87 to %scan3A_89 step %scan3A_90 iter_args(%scan3A_223 = %scan3A_86) -> (i32)  : i32 {
        %scan3A_224 = arith.constant 0 : i32
        %scan3A_225 = arith.constant 4 : i32
        %scan3A_226 = arith.addi %scan3A_224, %scan3A_225 : i32
        %scan3A_227 = arith.constant 1 : i32
        %scan3A_228 = scf.for %scan3A_242 = %scan3A_224 to %scan3A_226 step %scan3A_227 iter_args(%scan3A_243 = %broadcast_in_dim3A_3) -> (vector<16xf32>)  : i32 {
          %mul3A_244 = arith.constant 4 : i32
          %mul3A_245 = arith.muli %scan3A_242, %mul3A_244 : i32
          %add3A_246 = arith.constant 0 : i32
          %add3A_247 = arith.addi %mul3A_245, %add3A_246 : i32
          %mul3A_248 = arith.constant 16 : i32
          %mul3A_249 = arith.muli %scan3A_222, %mul3A_248 : i32
          %add3A_250 = arith.addi %mul3A_249, %add3A_247 : i32
          %get3A_251 = arith.index_cast %add3A_250 : i32 to index
          %get3A_252 = arith.constant 0 : index
          %get3A_253 = tpu.vector_load %arg7[%get3A_251, %get3A_252] {strides = array<i32>} : memref<80x64xi32, #tpu.memory_space<vmem>>, vector<16xi32>,
          %bitcast3A = vector.bitcast %get3A_253 : vector<16xi32> to vector<32xbf16>
          %get3A_254 = arith.index_cast %add3A_250 : i32 to index
          %get3A_255 = arith.constant 0 : index
          %get3A_256 = tpu.vector_load %arg12[%get3A_254, %get3A_255] {strides = array<i32>} : memref<80x64xi32, #tpu.memory_space<vmem>>, vector<16xi32>,
          %bitcast3A_257 = vector.bitcast %get3A_256 : vector<16xi32> to vector<32xbf16>
          %sub3A_258 = arith.subf %bitcast3A, %bitcast3A_257 : vector<32xbf16>
          %abs3A = math.absf %sub3A_258 : vector<32xbf16>
          %unpack3A = tpu.unpack_subelements %abs3A, 0 {pack_format = #tpu.pack_format<interleaved>} : vector<32xbf16> -> vector<16xf32>
          %unpack3A_259 = tpu.unpack_subelements %abs3A, 1 {pack_format = #tpu.pack_format<interleaved>} : vector<32xbf16> -> vector<16xf32>
          %mul3A_260 = arith.mulf %unpack3A, %get3A_4 : vector<16xf32>
          %add3A_261 = arith.addf %broadcast_in_dim3A_3, %mul3A_260 : vector<16xf32>
          %mul3A_262 = arith.mulf %unpack3A_259, %get3A_12 : vector<16xf32>
          %add3A_263 = arith.addf %broadcast_in_dim3A_3, %mul3A_262 : vector<16xf32>
          %get3A_264 = arith.index_cast %add3A_250 : i32 to index
          %get3A_265 = arith.constant 16 : index
          %get3A_266 = tpu.vector_load %arg7[%get3A_264, %get3A_265] {strides = array<i32>} : memref<80x64xi32, #tpu.memory_space<vmem>>, vector<16xi32>,
          %bitcast3A_267 = vector.bitcast %get3A_266 : vector<16xi32> to vector<32xbf16>
          %get3A_268 = arith.index_cast %add3A_250 : i32 to index
          %get3A_269 = arith.constant 16 : index
          %get3A_270 = tpu.vector_load %arg12[%get3A_268, %get3A_269] {strides = array<i32>} : memref<80x64xi32, #tpu.memory_space<vmem>>, vector<16xi32>,
          %bitcast3A_271 = vector.bitcast %get3A_270 : vector<16xi32> to vector<32xbf16>
          %sub3A_272 = arith.subf %bitcast3A_267, %bitcast3A_271 : vector<32xbf16>
          %abs3A_273 = math.absf %sub3A_272 : vector<32xbf16>
          %unpack3A_274 = tpu.unpack_subelements %abs3A_273, 0 {pack_format = #tpu.pack_format<interleaved>} : vector<32xbf16> -> vector<16xf32>
          %unpack3A_275 = tpu.unpack_subelements %abs3A_273, 1 {pack_format = #tpu.pack_format<interleaved>} : vector<32xbf16> -> vector<16xf32>
          %mul3A_276 = arith.mulf %unpack3A_274, %get3A_6 : vector<16xf32>
          %add3A_277 = arith.addf %add3A_261, %mul3A_276 : vector<16xf32>
          %mul3A_278 = arith.mulf %unpack3A_275, %get3A_14 : vector<16xf32>
          %add3A_279 = arith.addf %add3A_263, %mul3A_278 : vector<16xf32>
          %get3A_280 = arith.index_cast %add3A_250 : i32 to index
          %get3A_281 = arith.constant 32 : index
          %get3A_282 = tpu.vector_load %arg7[%get3A_280, %get3A_281] {strides = array<i32>} : memref<80x64xi32, #tpu.memory_space<vmem>>, vector<16xi32>,
          %bitcast3A_283 = vector.bitcast %get3A_282 : vector<16xi32> to vector<32xbf16>
          %get3A_284 = arith.index_cast %add3A_250 : i32 to index
          %get3A_285 = arith.constant 32 : index
          %get3A_286 = tpu.vector_load %arg12[%get3A_284, %get3A_285] {strides = array<i32>} : memref<80x64xi32, #tpu.memory_space<vmem>>, vector<16xi32>,
          %bitcast3A_287 = vector.bitcast %get3A_286 : vector<16xi32> to vector<32xbf16>
          %sub3A_288 = arith.subf %bitcast3A_283, %bitcast3A_287 : vector<32xbf16>
          %abs3A_289 = math.absf %sub3A_288 : vector<32xbf16>
          %unpack3A_290 = tpu.unpack_subelements %abs3A_289, 0 {pack_format = #tpu.pack_format<interleaved>} : vector<32xbf16> -> vector<16xf32>
          %unpack3A_291 = tpu.unpack_subelements %abs3A_289, 1 {pack_format = #tpu.pack_format<interleaved>} : vector<32xbf16> -> vector<16xf32>
          %mul3A_292 = arith.mulf %unpack3A_290, %get3A_8 : vector<16xf32>
          %add3A_293 = arith.addf %add3A_277, %mul3A_292 : vector<16xf32>
          %mul3A_294 = arith.mulf %unpack3A_291, %get3A_16 : vector<16xf32>
          %add3A_295 = arith.addf %add3A_279, %mul3A_294 : vector<16xf32>
          %get3A_296 = arith.index_cast %add3A_250 : i32 to index
          %get3A_297 = arith.constant 48 : index
          %get3A_298 = tpu.vector_load %arg7[%get3A_296, %get3A_297] {strides = array<i32>} : memref<80x64xi32, #tpu.memory_space<vmem>>, vector<16xi32>,
          %bitcast3A_299 = vector.bitcast %get3A_298 : vector<16xi32> to vector<32xbf16>
          %get3A_300 = arith.index_cast %add3A_250 : i32 to index
          %get3A_301 = arith.constant 48 : index
          %get3A_302 = tpu.vector_load %arg12[%get3A_300, %get3A_301] {strides = array<i32>} : memref<80x64xi32, #tpu.memory_space<vmem>>, vector<16xi32>,
          %bitcast3A_303 = vector.bitcast %get3A_302 : vector<16xi32> to vector<32xbf16>
          %sub3A_304 = arith.subf %bitcast3A_299, %bitcast3A_303 : vector<32xbf16>
          %abs3A_305 = math.absf %sub3A_304 : vector<32xbf16>
          %unpack3A_306 = tpu.unpack_subelements %abs3A_305, 0 {pack_format = #tpu.pack_format<interleaved>} : vector<32xbf16> -> vector<16xf32>
          %unpack3A_307 = tpu.unpack_subelements %abs3A_305, 1 {pack_format = #tpu.pack_format<interleaved>} : vector<32xbf16> -> vector<16xf32>
          %mul3A_308 = arith.mulf %unpack3A_306, %get3A_10 : vector<16xf32>
          %add3A_309 = arith.addf %add3A_293, %mul3A_308 : vector<16xf32>
          %mul3A_310 = arith.mulf %unpack3A_307, %get3A_18 : vector<16xf32>
          %add3A_311 = arith.addf %add3A_295, %mul3A_310 : vector<16xf32>
          %add3A_312 = arith.addf %add3A_309, %add3A_311 : vector<16xf32>
          %reduce_sum3A = arith.constant true
          %reduce_sum3A_313 = vector.broadcast %reduce_sum3A : i1 to vector<16xi1>
          %reduce_sum3A_314 = tpu.scan <sum>, %add3A_312 masked %reduce_sum3A_313 : vector<16xf32>, vector<16xi1> -> vector<16xf32>
          %reduce_sum3A_315 = vector.extract %reduce_sum3A_314[15] : f32 from vector<16xf32>
          %eq3A = vector.broadcast %add3A_247 : i32 to vector<16xi32>
          %eq3A_316 = arith.cmpi eq, %iota3A, %eq3A : vector<16xi32>
          %broadcast_in_dim3A_317 = vector.broadcast %reduce_sum3A_315 : f32 to vector<16xf32>
          %select_n3A = arith.select %eq3A_316, %broadcast_in_dim3A_317, %scan3A_243 : vector<16xi1>, vector<16xf32>
          %mul3A_318 = arith.constant 4 : i32
          %mul3A_319 = arith.muli %scan3A_242, %mul3A_318 : i32
          %add3A_320 = arith.constant 1 : i32
          %add3A_321 = arith.addi %mul3A_319, %add3A_320 : i32
          %mul3A_322 = arith.constant 16 : i32
          %mul3A_323 = arith.muli %scan3A_222, %mul3A_322 : i32
          %add3A_324 = arith.addi %mul3A_323, %add3A_321 : i32
          %get3A_325 = arith.index_cast %add3A_324 : i32 to index
          %get3A_326 = arith.constant 0 : index
          %get3A_327 = tpu.vector_load %arg7[%get3A_325, %get3A_326] {strides = array<i32>} : memref<80x64xi32, #tpu.memory_space<vmem>>, vector<16xi32>,
          %bitcast3A_328 = vector.bitcast %get3A_327 : vector<16xi32> to vector<32xbf16>
          %get3A_329 = arith.index_cast %add3A_324 : i32 to index
          %get3A_330 = arith.constant 0 : index
          %get3A_331 = tpu.vector_load %arg12[%get3A_329, %get3A_330] {strides = array<i32>} : memref<80x64xi32, #tpu.memory_space<vmem>>, vector<16xi32>,
          %bitcast3A_332 = vector.bitcast %get3A_331 : vector<16xi32> to vector<32xbf16>
          %sub3A_333 = arith.subf %bitcast3A_328, %bitcast3A_332 : vector<32xbf16>
          %abs3A_334 = math.absf %sub3A_333 : vector<32xbf16>
          %unpack3A_335 = tpu.unpack_subelements %abs3A_334, 0 {pack_format = #tpu.pack_format<interleaved>} : vector<32xbf16> -> vector<16xf32>
          %unpack3A_336 = tpu.unpack_subelements %abs3A_334, 1 {pack_format = #tpu.pack_format<interleaved>} : vector<32xbf16> -> vector<16xf32>
          %mul3A_337 = arith.mulf %unpack3A_335, %get3A_4 : vector<16xf32>
          %add3A_338 = arith.addf %broadcast_in_dim3A_3, %mul3A_337 : vector<16xf32>
          %mul3A_339 = arith.mulf %unpack3A_336, %get3A_12 : vector<16xf32>
          %add3A_340 = arith.addf %broadcast_in_dim3A_3, %mul3A_339 : vector<16xf32>
          %get3A_341 = arith.index_cast %add3A_324 : i32 to index
          %get3A_342 = arith.constant 16 : index
          %get3A_343 = tpu.vector_load %arg7[%get3A_341, %get3A_342] {strides = array<i32>} : memref<80x64xi32, #tpu.memory_space<vmem>>, vector<16xi32>,
          %bitcast3A_344 = vector.bitcast %get3A_343 : vector<16xi32> to vector<32xbf16>
          %get3A_345 = arith.index_cast %add3A_324 : i32 to index
          %get3A_346 = arith.constant 16 : index
          %get3A_347 = tpu.vector_load %arg12[%get3A_345, %get3A_346] {strides = array<i32>} : memref<80x64xi32, #tpu.memory_space<vmem>>, vector<16xi32>,
          %bitcast3A_348 = vector.bitcast %get3A_347 : vector<16xi32> to vector<32xbf16>
          %sub3A_349 = arith.subf %bitcast3A_344, %bitcast3A_348 : vector<32xbf16>
          %abs3A_350 = math.absf %sub3A_349 : vector<32xbf16>
          %unpack3A_351 = tpu.unpack_subelements %abs3A_350, 0 {pack_format = #tpu.pack_format<interleaved>} : vector<32xbf16> -> vector<16xf32>
          %unpack3A_352 = tpu.unpack_subelements %abs3A_350, 1 {pack_format = #tpu.pack_format<interleaved>} : vector<32xbf16> -> vector<16xf32>
          %mul3A_353 = arith.mulf %unpack3A_351, %get3A_6 : vector<16xf32>
          %add3A_354 = arith.addf %add3A_338, %mul3A_353 : vector<16xf32>
          %mul3A_355 = arith.mulf %unpack3A_352, %get3A_14 : vector<16xf32>
          %add3A_356 = arith.addf %add3A_340, %mul3A_355 : vector<16xf32>
          %get3A_357 = arith.index_cast %add3A_324 : i32 to index
          %get3A_358 = arith.constant 32 : index
          %get3A_359 = tpu.vector_load %arg7[%get3A_357, %get3A_358] {strides = array<i32>} : memref<80x64xi32, #tpu.memory_space<vmem>>, vector<16xi32>,
          %bitcast3A_360 = vector.bitcast %get3A_359 : vector<16xi32> to vector<32xbf16>
          %get3A_361 = arith.index_cast %add3A_324 : i32 to index
          %get3A_362 = arith.constant 32 : index
          %get3A_363 = tpu.vector_load %arg12[%get3A_361, %get3A_362] {strides = array<i32>} : memref<80x64xi32, #tpu.memory_space<vmem>>, vector<16xi32>,
          %bitcast3A_364 = vector.bitcast %get3A_363 : vector<16xi32> to vector<32xbf16>
          %sub3A_365 = arith.subf %bitcast3A_360, %bitcast3A_364 : vector<32xbf16>
          %abs3A_366 = math.absf %sub3A_365 : vector<32xbf16>
          %unpack3A_367 = tpu.unpack_subelements %abs3A_366, 0 {pack_format = #tpu.pack_format<interleaved>} : vector<32xbf16> -> vector<16xf32>
          %unpack3A_368 = tpu.unpack_subelements %abs3A_366, 1 {pack_format = #tpu.pack_format<interleaved>} : vector<32xbf16> -> vector<16xf32>
          %mul3A_369 = arith.mulf %unpack3A_367, %get3A_8 : vector<16xf32>
          %add3A_370 = arith.addf %add3A_354, %mul3A_369 : vector<16xf32>
          %mul3A_371 = arith.mulf %unpack3A_368, %get3A_16 : vector<16xf32>
          %add3A_372 = arith.addf %add3A_356, %mul3A_371 : vector<16xf32>
          %get3A_373 = arith.index_cast %add3A_324 : i32 to index
          %get3A_374 = arith.constant 48 : index
          %get3A_375 = tpu.vector_load %arg7[%get3A_373, %get3A_374] {strides = array<i32>} : memref<80x64xi32, #tpu.memory_space<vmem>>, vector<16xi32>,
          %bitcast3A_376 = vector.bitcast %get3A_375 : vector<16xi32> to vector<32xbf16>
          %get3A_377 = arith.index_cast %add3A_324 : i32 to index
          %get3A_378 = arith.constant 48 : index
          %get3A_379 = tpu.vector_load %arg12[%get3A_377, %get3A_378] {strides = array<i32>} : memref<80x64xi32, #tpu.memory_space<vmem>>, vector<16xi32>,
          %bitcast3A_380 = vector.bitcast %get3A_379 : vector<16xi32> to vector<32xbf16>
          %sub3A_381 = arith.subf %bitcast3A_376, %bitcast3A_380 : vector<32xbf16>
          %abs3A_382 = math.absf %sub3A_381 : vector<32xbf16>
          %unpack3A_383 = tpu.unpack_subelements %abs3A_382, 0 {pack_format = #tpu.pack_format<interleaved>} : vector<32xbf16> -> vector<16xf32>
          %unpack3A_384 = tpu.unpack_subelements %abs3A_382, 1 {pack_format = #tpu.pack_format<interleaved>} : vector<32xbf16> -> vector<16xf32>
          %mul3A_385 = arith.mulf %unpack3A_383, %get3A_10 : vector<16xf32>
          %add3A_386 = arith.addf %add3A_370, %mul3A_385 : vector<16xf32>
          %mul3A_387 = arith.mulf %unpack3A_384, %get3A_18 : vector<16xf32>
          %add3A_388 = arith.addf %add3A_372, %mul3A_387 : vector<16xf32>
          %add3A_389 = arith.addf %add3A_386, %add3A_388 : vector<16xf32>
          %reduce_sum3A_390 = arith.constant true
          %reduce_sum3A_391 = vector.broadcast %reduce_sum3A_390 : i1 to vector<16xi1>
          %reduce_sum3A_392 = tpu.scan <sum>, %add3A_389 masked %reduce_sum3A_391 : vector<16xf32>, vector<16xi1> -> vector<16xf32>
          %reduce_sum3A_393 = vector.extract %reduce_sum3A_392[15] : f32 from vector<16xf32>
          %eq3A_394 = vector.broadcast %add3A_321 : i32 to vector<16xi32>
          %eq3A_395 = arith.cmpi eq, %iota3A, %eq3A_394 : vector<16xi32>
          %broadcast_in_dim3A_396 = vector.broadcast %reduce_sum3A_393 : f32 to vector<16xf32>
          %select_n3A_397 = arith.select %eq3A_395, %broadcast_in_dim3A_396, %select_n3A : vector<16xi1>, vector<16xf32>
          %mul3A_398 = arith.constant 4 : i32
          %mul3A_399 = arith.muli %scan3A_242, %mul3A_398 : i32
          %add3A_400 = arith.constant 2 : i32
          %add3A_401 = arith.addi %mul3A_399, %add3A_400 : i32
          %mul3A_402 = arith.constant 16 : i32
          %mul3A_403 = arith.muli %scan3A_222, %mul3A_402 : i32
          %add3A_404 = arith.addi %mul3A_403, %add3A_401 : i32
          %get3A_405 = arith.index_cast %add3A_404 : i32 to index
          %get3A_406 = arith.constant 0 : index
          %get3A_407 = tpu.vector_load %arg7[%get3A_405, %get3A_406] {strides = array<i32>} : memref<80x64xi32, #tpu.memory_space<vmem>>, vector<16xi32>,
          %bitcast3A_408 = vector.bitcast %get3A_407 : vector<16xi32> to vector<32xbf16>
          %get3A_409 = arith.index_cast %add3A_404 : i32 to index
          %get3A_410 = arith.constant 0 : index
          %get3A_411 = tpu.vector_load %arg12[%get3A_409, %get3A_410] {strides = array<i32>} : memref<80x64xi32, #tpu.memory_space<vmem>>, vector<16xi32>,
          %bitcast3A_412 = vector.bitcast %get3A_411 : vector<16xi32> to vector<32xbf16>
          %sub3A_413 = arith.subf %bitcast3A_408, %bitcast3A_412 : vector<32xbf16>
          %abs3A_414 = math.absf %sub3A_413 : vector<32xbf16>
          %unpack3A_415 = tpu.unpack_subelements %abs3A_414, 0 {pack_format = #tpu.pack_format<interleaved>} : vector<32xbf16> -> vector<16xf32>
          %unpack3A_416 = tpu.unpack_subelements %abs3A_414, 1 {pack_format = #tpu.pack_format<interleaved>} : vector<32xbf16> -> vector<16xf32>
          %mul3A_417 = arith.mulf %unpack3A_415, %get3A_4 : vector<16xf32>
          %add3A_418 = arith.addf %broadcast_in_dim3A_3, %mul3A_417 : vector<16xf32>
          %mul3A_419 = arith.mulf %unpack3A_416, %get3A_12 : vector<16xf32>
          %add3A_420 = arith.addf %broadcast_in_dim3A_3, %mul3A_419 : vector<16xf32>
          %get3A_421 = arith.index_cast %add3A_404 : i32 to index
          %get3A_422 = arith.constant 16 : index
          %get3A_423 = tpu.vector_load %arg7[%get3A_421, %get3A_422] {strides = array<i32>} : memref<80x64xi32, #tpu.memory_space<vmem>>, vector<16xi32>,
          %bitcast3A_424 = vector.bitcast %get3A_423 : vector<16xi32> to vector<32xbf16>
          %get3A_425 = arith.index_cast %add3A_404 : i32 to index
          %get3A_426 = arith.constant 16 : index
          %get3A_427 = tpu.vector_load %arg12[%get3A_425, %get3A_426] {strides = array<i32>} : memref<80x64xi32, #tpu.memory_space<vmem>>, vector<16xi32>,
          %bitcast3A_428 = vector.bitcast %get3A_427 : vector<16xi32> to vector<32xbf16>
          %sub3A_429 = arith.subf %bitcast3A_424, %bitcast3A_428 : vector<32xbf16>
          %abs3A_430 = math.absf %sub3A_429 : vector<32xbf16>
          %unpack3A_431 = tpu.unpack_subelements %abs3A_430, 0 {pack_format = #tpu.pack_format<interleaved>} : vector<32xbf16> -> vector<16xf32>
          %unpack3A_432 = tpu.unpack_subelements %abs3A_430, 1 {pack_format = #tpu.pack_format<interleaved>} : vector<32xbf16> -> vector<16xf32>
          %mul3A_433 = arith.mulf %unpack3A_431, %get3A_6 : vector<16xf32>
          %add3A_434 = arith.addf %add3A_418, %mul3A_433 : vector<16xf32>
          %mul3A_435 = arith.mulf %unpack3A_432, %get3A_14 : vector<16xf32>
          %add3A_436 = arith.addf %add3A_420, %mul3A_435 : vector<16xf32>
          %get3A_437 = arith.index_cast %add3A_404 : i32 to index
          %get3A_438 = arith.constant 32 : index
          %get3A_439 = tpu.vector_load %arg7[%get3A_437, %get3A_438] {strides = array<i32>} : memref<80x64xi32, #tpu.memory_space<vmem>>, vector<16xi32>,
          %bitcast3A_440 = vector.bitcast %get3A_439 : vector<16xi32> to vector<32xbf16>
          %get3A_441 = arith.index_cast %add3A_404 : i32 to index
          %get3A_442 = arith.constant 32 : index
          %get3A_443 = tpu.vector_load %arg12[%get3A_441, %get3A_442] {strides = array<i32>} : memref<80x64xi32, #tpu.memory_space<vmem>>, vector<16xi32>,
          %bitcast3A_444 = vector.bitcast %get3A_443 : vector<16xi32> to vector<32xbf16>
          %sub3A_445 = arith.subf %bitcast3A_440, %bitcast3A_444 : vector<32xbf16>
          %abs3A_446 = math.absf %sub3A_445 : vector<32xbf16>
          %unpack3A_447 = tpu.unpack_subelements %abs3A_446, 0 {pack_format = #tpu.pack_format<interleaved>} : vector<32xbf16> -> vector<16xf32>
          %unpack3A_448 = tpu.unpack_subelements %abs3A_446, 1 {pack_format = #tpu.pack_format<interleaved>} : vector<32xbf16> -> vector<16xf32>
          %mul3A_449 = arith.mulf %unpack3A_447, %get3A_8 : vector<16xf32>
          %add3A_450 = arith.addf %add3A_434, %mul3A_449 : vector<16xf32>
          %mul3A_451 = arith.mulf %unpack3A_448, %get3A_16 : vector<16xf32>
          %add3A_452 = arith.addf %add3A_436, %mul3A_451 : vector<16xf32>
          %get3A_453 = arith.index_cast %add3A_404 : i32 to index
          %get3A_454 = arith.constant 48 : index
          %get3A_455 = tpu.vector_load %arg7[%get3A_453, %get3A_454] {strides = array<i32>} : memref<80x64xi32, #tpu.memory_space<vmem>>, vector<16xi32>,
          %bitcast3A_456 = vector.bitcast %get3A_455 : vector<16xi32> to vector<32xbf16>
          %get3A_457 = arith.index_cast %add3A_404 : i32 to index
          %get3A_458 = arith.constant 48 : index
          %get3A_459 = tpu.vector_load %arg12[%get3A_457, %get3A_458] {strides = array<i32>} : memref<80x64xi32, #tpu.memory_space<vmem>>, vector<16xi32>,
          %bitcast3A_460 = vector.bitcast %get3A_459 : vector<16xi32> to vector<32xbf16>
          %sub3A_461 = arith.subf %bitcast3A_456, %bitcast3A_460 : vector<32xbf16>
          %abs3A_462 = math.absf %sub3A_461 : vector<32xbf16>
          %unpack3A_463 = tpu.unpack_subelements %abs3A_462, 0 {pack_format = #tpu.pack_format<interleaved>} : vector<32xbf16> -> vector<16xf32>
          %unpack3A_464 = tpu.unpack_subelements %abs3A_462, 1 {pack_format = #tpu.pack_format<interleaved>} : vector<32xbf16> -> vector<16xf32>
          %mul3A_465 = arith.mulf %unpack3A_463, %get3A_10 : vector<16xf32>
          %add3A_466 = arith.addf %add3A_450, %mul3A_465 : vector<16xf32>
          %mul3A_467 = arith.mulf %unpack3A_464, %get3A_18 : vector<16xf32>
          %add3A_468 = arith.addf %add3A_452, %mul3A_467 : vector<16xf32>
          %add3A_469 = arith.addf %add3A_466, %add3A_468 : vector<16xf32>
          %reduce_sum3A_470 = arith.constant true
          %reduce_sum3A_471 = vector.broadcast %reduce_sum3A_470 : i1 to vector<16xi1>
          %reduce_sum3A_472 = tpu.scan <sum>, %add3A_469 masked %reduce_sum3A_471 : vector<16xf32>, vector<16xi1> -> vector<16xf32>
          %reduce_sum3A_473 = vector.extract %reduce_sum3A_472[15] : f32 from vector<16xf32>
          %eq3A_474 = vector.broadcast %add3A_401 : i32 to vector<16xi32>
          %eq3A_475 = arith.cmpi eq, %iota3A, %eq3A_474 : vector<16xi32>
          %broadcast_in_dim3A_476 = vector.broadcast %reduce_sum3A_473 : f32 to vector<16xf32>
          %select_n3A_477 = arith.select %eq3A_475, %broadcast_in_dim3A_476, %select_n3A_397 : vector<16xi1>, vector<16xf32>
          %mul3A_478 = arith.constant 4 : i32
          %mul3A_479 = arith.muli %scan3A_242, %mul3A_478 : i32
          %add3A_480 = arith.constant 3 : i32
          %add3A_481 = arith.addi %mul3A_479, %add3A_480 : i32
          %mul3A_482 = arith.constant 16 : i32
          %mul3A_483 = arith.muli %scan3A_222, %mul3A_482 : i32
          %add3A_484 = arith.addi %mul3A_483, %add3A_481 : i32
          %get3A_485 = arith.index_cast %add3A_484 : i32 to index
          %get3A_486 = arith.constant 0 : index
          %get3A_487 = tpu.vector_load %arg7[%get3A_485, %get3A_486] {strides = array<i32>} : memref<80x64xi32, #tpu.memory_space<vmem>>, vector<16xi32>,
          %bitcast3A_488 = vector.bitcast %get3A_487 : vector<16xi32> to vector<32xbf16>
          %get3A_489 = arith.index_cast %add3A_484 : i32 to index
          %get3A_490 = arith.constant 0 : index
          %get3A_491 = tpu.vector_load %arg12[%get3A_489, %get3A_490] {strides = array<i32>} : memref<80x64xi32, #tpu.memory_space<vmem>>, vector<16xi32>,
          %bitcast3A_492 = vector.bitcast %get3A_491 : vector<16xi32> to vector<32xbf16>
          %sub3A_493 = arith.subf %bitcast3A_488, %bitcast3A_492 : vector<32xbf16>
          %abs3A_494 = math.absf %sub3A_493 : vector<32xbf16>
          %unpack3A_495 = tpu.unpack_subelements %abs3A_494, 0 {pack_format = #tpu.pack_format<interleaved>} : vector<32xbf16> -> vector<16xf32>
          %unpack3A_496 = tpu.unpack_subelements %abs3A_494, 1 {pack_format = #tpu.pack_format<interleaved>} : vector<32xbf16> -> vector<16xf32>
          %mul3A_497 = arith.mulf %unpack3A_495, %get3A_4 : vector<16xf32>
          %add3A_498 = arith.addf %broadcast_in_dim3A_3, %mul3A_497 : vector<16xf32>
          %mul3A_499 = arith.mulf %unpack3A_496, %get3A_12 : vector<16xf32>
          %add3A_500 = arith.addf %broadcast_in_dim3A_3, %mul3A_499 : vector<16xf32>
          %get3A_501 = arith.index_cast %add3A_484 : i32 to index
          %get3A_502 = arith.constant 16 : index
          %get3A_503 = tpu.vector_load %arg7[%get3A_501, %get3A_502] {strides = array<i32>} : memref<80x64xi32, #tpu.memory_space<vmem>>, vector<16xi32>,
          %bitcast3A_504 = vector.bitcast %get3A_503 : vector<16xi32> to vector<32xbf16>
          %get3A_505 = arith.index_cast %add3A_484 : i32 to index
          %get3A_506 = arith.constant 16 : index
          %get3A_507 = tpu.vector_load %arg12[%get3A_505, %get3A_506] {strides = array<i32>} : memref<80x64xi32, #tpu.memory_space<vmem>>, vector<16xi32>,
          %bitcast3A_508 = vector.bitcast %get3A_507 : vector<16xi32> to vector<32xbf16>
          %sub3A_509 = arith.subf %bitcast3A_504, %bitcast3A_508 : vector<32xbf16>
          %abs3A_510 = math.absf %sub3A_509 : vector<32xbf16>
          %unpack3A_511 = tpu.unpack_subelements %abs3A_510, 0 {pack_format = #tpu.pack_format<interleaved>} : vector<32xbf16> -> vector<16xf32>
          %unpack3A_512 = tpu.unpack_subelements %abs3A_510, 1 {pack_format = #tpu.pack_format<interleaved>} : vector<32xbf16> -> vector<16xf32>
          %mul3A_513 = arith.mulf %unpack3A_511, %get3A_6 : vector<16xf32>
          %add3A_514 = arith.addf %add3A_498, %mul3A_513 : vector<16xf32>
          %mul3A_515 = arith.mulf %unpack3A_512, %get3A_14 : vector<16xf32>
          %add3A_516 = arith.addf %add3A_500, %mul3A_515 : vector<16xf32>
          %get3A_517 = arith.index_cast %add3A_484 : i32 to index
          %get3A_518 = arith.constant 32 : index
          %get3A_519 = tpu.vector_load %arg7[%get3A_517, %get3A_518] {strides = array<i32>} : memref<80x64xi32, #tpu.memory_space<vmem>>, vector<16xi32>,
          %bitcast3A_520 = vector.bitcast %get3A_519 : vector<16xi32> to vector<32xbf16>
          %get3A_521 = arith.index_cast %add3A_484 : i32 to index
          %get3A_522 = arith.constant 32 : index
          %get3A_523 = tpu.vector_load %arg12[%get3A_521, %get3A_522] {strides = array<i32>} : memref<80x64xi32, #tpu.memory_space<vmem>>, vector<16xi32>,
          %bitcast3A_524 = vector.bitcast %get3A_523 : vector<16xi32> to vector<32xbf16>
          %sub3A_525 = arith.subf %bitcast3A_520, %bitcast3A_524 : vector<32xbf16>
          %abs3A_526 = math.absf %sub3A_525 : vector<32xbf16>
          %unpack3A_527 = tpu.unpack_subelements %abs3A_526, 0 {pack_format = #tpu.pack_format<interleaved>} : vector<32xbf16> -> vector<16xf32>
          %unpack3A_528 = tpu.unpack_subelements %abs3A_526, 1 {pack_format = #tpu.pack_format<interleaved>} : vector<32xbf16> -> vector<16xf32>
          %mul3A_529 = arith.mulf %unpack3A_527, %get3A_8 : vector<16xf32>
          %add3A_530 = arith.addf %add3A_514, %mul3A_529 : vector<16xf32>
          %mul3A_531 = arith.mulf %unpack3A_528, %get3A_16 : vector<16xf32>
          %add3A_532 = arith.addf %add3A_516, %mul3A_531 : vector<16xf32>
          %get3A_533 = arith.index_cast %add3A_484 : i32 to index
          %get3A_534 = arith.constant 48 : index
          %get3A_535 = tpu.vector_load %arg7[%get3A_533, %get3A_534] {strides = array<i32>} : memref<80x64xi32, #tpu.memory_space<vmem>>, vector<16xi32>,
          %bitcast3A_536 = vector.bitcast %get3A_535 : vector<16xi32> to vector<32xbf16>
          %get3A_537 = arith.index_cast %add3A_484 : i32 to index
          %get3A_538 = arith.constant 48 : index
          %get3A_539 = tpu.vector_load %arg12[%get3A_537, %get3A_538] {strides = array<i32>} : memref<80x64xi32, #tpu.memory_space<vmem>>, vector<16xi32>,
          %bitcast3A_540 = vector.bitcast %get3A_539 : vector<16xi32> to vector<32xbf16>
          %sub3A_541 = arith.subf %bitcast3A_536, %bitcast3A_540 : vector<32xbf16>
          %abs3A_542 = math.absf %sub3A_541 : vector<32xbf16>
          %unpack3A_543 = tpu.unpack_subelements %abs3A_542, 0 {pack_format = #tpu.pack_format<interleaved>} : vector<32xbf16> -> vector<16xf32>
          %unpack3A_544 = tpu.unpack_subelements %abs3A_542, 1 {pack_format = #tpu.pack_format<interleaved>} : vector<32xbf16> -> vector<16xf32>
          %mul3A_545 = arith.mulf %unpack3A_543, %get3A_10 : vector<16xf32>
          %add3A_546 = arith.addf %add3A_530, %mul3A_545 : vector<16xf32>
          %mul3A_547 = arith.mulf %unpack3A_544, %get3A_18 : vector<16xf32>
          %add3A_548 = arith.addf %add3A_532, %mul3A_547 : vector<16xf32>
          %add3A_549 = arith.addf %add3A_546, %add3A_548 : vector<16xf32>
          %reduce_sum3A_550 = arith.constant true
          %reduce_sum3A_551 = vector.broadcast %reduce_sum3A_550 : i1 to vector<16xi1>
          %reduce_sum3A_552 = tpu.scan <sum>, %add3A_549 masked %reduce_sum3A_551 : vector<16xf32>, vector<16xi1> -> vector<16xf32>
          %reduce_sum3A_553 = vector.extract %reduce_sum3A_552[15] : f32 from vector<16xf32>
          %eq3A_554 = vector.broadcast %add3A_481 : i32 to vector<16xi32>
          %eq3A_555 = arith.cmpi eq, %iota3A, %eq3A_554 : vector<16xi32>
          %broadcast_in_dim3A_556 = vector.broadcast %reduce_sum3A_553 : f32 to vector<16xf32>
          %select_n3A_557 = arith.select %eq3A_555, %broadcast_in_dim3A_556, %select_n3A_477 : vector<16xi1>, vector<16xf32>
          scf.yield %select_n3A_557 : vector<16xf32>
        }
        %scan3A_229 = arith.constant 4 : i32
        %neg3A = arith.constant 0.000000e+00 : f32
        %neg3A_230 = vector.broadcast %neg3A : f32 to vector<16xf32>
        %neg3A_231 = arith.subf %neg3A_230, %scan3A_228 : vector<16xf32>
        %exp3A = math.exp %neg3A_231 : vector<16xf32>
        %add3A_232 = arith.constant 1.000000e+00 : f32
        %add3A_233 = vector.broadcast %add3A_232 : f32 to vector<16xf32>
        %add3A_234 = arith.addf %add3A_233, %exp3A : vector<16xf32>
        %div3A = arith.constant 1.000000e+00 : f32
        %div3A_235 = vector.broadcast %div3A : f32 to vector<16xf32>
        %div3A_236 = arith.divf %div3A_235, %add3A_234 : vector<16xf32>
        %mul3A_237 = arith.constant 16 : i32
        %mul3A_238 = arith.muli %scan3A_222, %mul3A_237 : i32
        %add3A_239 = arith.addi %mul3A_85, %mul3A_238 : i32
        %swap3A = arith.index_cast %add3A_239 : i32 to index
        %swap3A_240 = tpu.vector_load %arg20[%swap3A] {strides = array<i32>} : memref<10000xf32, #tpu.memory_space<vmem>>, vector<16xf32>,
        tpu.vector_store %arg20[%swap3A], %div3A_236 {strides = array<i32>} : memref<10000xf32, #tpu.memory_space<vmem>>, vector<16xf32>,
        %scan3A_241 = arith.constant 0 : i32
        scf.yield %scan3A_241 : i32
      }
      %scan3A_92 = arith.constant 5 : i32
      %mul3A_93 = arith.constant 5 : i32
      %mul3A_94 = arith.muli %mul3A_93, %scan3A_64 : i32
      %add3A_95 = arith.constant 1 : i32
      %add3A_96 = arith.addi %mul3A_94, %add3A_95 : i32
      %dma_wait3A_97 = arith.constant 0 : i32
      %dma_wait3A_98 = tpu.memref_slice %arg17[%dma_wait3A_97] : memref<10000xi32, #tpu.memory_space<vmem>> -> memref<80xi32, #tpu.memory_space<vmem>>
      %dma_wait3A_99 = arith.constant 0 : i32
      %dma_wait3A_100 = arith.constant 0 : i32
      %dma_wait3A_101 = tpu.memref_slice %arg2[%dma_wait3A_99, %dma_wait3A_100] : memref<10000x64xi32, #tpu.memory_space<hbm>> -> memref<10000x64xi32, #tpu.memory_space<hbm>>
      tpu.wait_indirect_dma semaphore(%arg22 : memref<!tpu.dma_semaphore, #tpu.memory_space<semaphore_mem>>) src(%dma_wait3A_101 : memref<10000x64xi32, #tpu.memory_space<hbm>>) dst(%arg8 : memref<80x64xi32, #tpu.memory_space<vmem>>)
      %dma_wait3A_102 = arith.constant 0 : i32
      %dma_wait3A_103 = tpu.memref_slice %arg18[%dma_wait3A_102] : memref<10000xi32, #tpu.memory_space<vmem>> -> memref<80xi32, #tpu.memory_space<vmem>>
      %dma_wait3A_104 = arith.constant 0 : i32
      %dma_wait3A_105 = arith.constant 0 : i32
      %dma_wait3A_106 = tpu.memref_slice %arg2[%dma_wait3A_104, %dma_wait3A_105] : memref<10000x64xi32, #tpu.memory_space<hbm>> -> memref<10000x64xi32, #tpu.memory_space<hbm>>
      tpu.wait_indirect_dma semaphore(%arg27 : memref<!tpu.dma_semaphore, #tpu.memory_space<semaphore_mem>>) src(%dma_wait3A_106 : memref<10000x64xi32, #tpu.memory_space<hbm>>) dst(%arg13 : memref<80x64xi32, #tpu.memory_space<vmem>>)
      %add3A_107 = arith.constant 5 : i32
      %add3A_108 = arith.addi %add3A_96, %add3A_107 : i32
      %sub3A_109 = arith.constant 1 : i32
      %sub3A_110 = arith.subi %add3A_108, %sub3A_109 : i32
      %lt3A_111 = arith.constant 125 : i32
      %lt3A_112 = arith.cmpi slt, %sub3A_110, %lt3A_111 : i32
      %convert_element_type3A_113 = arith.extui %lt3A_112 : i1 to i32
      %cond3A_114 = arith.constant 0 : i32
      %cond3A_115 = arith.cmpi ne, %convert_element_type3A_113, %cond3A_114 : i32
      scf.if %cond3A_115 {
        %mul3A_222 = arith.constant 80 : i32
        %mul3A_223 = arith.muli %sub3A_110, %mul3A_222 : i32
        %dma_start3A_224 = tpu.memref_slice %arg17[%mul3A_223] : memref<10000xi32, #tpu.memory_space<vmem>> -> memref<80xi32, #tpu.memory_space<vmem>>
        %dma_start3A_225 = arith.constant 0 : i32
        %dma_start3A_226 = arith.constant 0 : i32
        %dma_start3A_227 = tpu.memref_slice %arg2[%dma_start3A_225, %dma_start3A_226] : memref<10000x64xi32, #tpu.memory_space<hbm>> -> memref<10000x64xi32, #tpu.memory_space<hbm>>
        tpu.enqueue_indirect_dma source(%dma_start3A_227 : memref<10000x64xi32, #tpu.memory_space<hbm>>) target(%arg7 : memref<80x64xi32, #tpu.memory_space<vmem>>) offsets(%dma_start3A_224 : memref<80xi32, #tpu.memory_space<vmem>>) semaphore(%arg21 : memref<!tpu.dma_semaphore, #tpu.memory_space<semaphore_mem>>)
        %dma_start3A_228 = tpu.memref_slice %arg18[%mul3A_223] : memref<10000xi32, #tpu.memory_space<vmem>> -> memref<80xi32, #tpu.memory_space<vmem>>
        %dma_start3A_229 = arith.constant 0 : i32
        %dma_start3A_230 = arith.constant 0 : i32
        %dma_start3A_231 = tpu.memref_slice %arg2[%dma_start3A_229, %dma_start3A_230] : memref<10000x64xi32, #tpu.memory_space<hbm>> -> memref<10000x64xi32, #tpu.memory_space<hbm>>
        tpu.enqueue_indirect_dma source(%dma_start3A_231 : memref<10000x64xi32, #tpu.memory_space<hbm>>) target(%arg12 : memref<80x64xi32, #tpu.memory_space<vmem>>) offsets(%dma_start3A_228 : memref<80xi32, #tpu.memory_space<vmem>>) semaphore(%arg26 : memref<!tpu.dma_semaphore, #tpu.memory_space<semaphore_mem>>)
      } else {
      }
      %mul3A_116 = arith.constant 80 : i32
      %mul3A_117 = arith.muli %add3A_96, %mul3A_116 : i32
      %scan3A_118 = arith.constant 0 : i32
      %scan3A_119 = arith.constant 0 : i32
      %scan3A_120 = arith.constant 5 : i32
      %scan3A_121 = arith.addi %scan3A_119, %scan3A_120 : i32
      %scan3A_122 = arith.constant 1 : i32
      %scan3A_123 = scf.for %scan3A_222 = %scan3A_119 to %scan3A_121 step %scan3A_122 iter_args(%scan3A_223 = %scan3A_118) -> (i32)  : i32 {
        %scan3A_224 = arith.constant 0 : i32
        %scan3A_225 = arith.constant 4 : i32
        %scan3A_226 = arith.addi %scan3A_224, %scan3A_225 : i32
        %scan3A_227 = arith.constant 1 : i32
        %scan3A_228 = scf.for %scan3A_242 = %scan3A_224 to %scan3A_226 step %scan3A_227 iter_args(%scan3A_243 = %broadcast_in_dim3A_3) -> (vector<16xf32>)  : i32 {
          %mul3A_244 = arith.constant 4 : i32
          %mul3A_245 = arith.muli %scan3A_242, %mul3A_244 : i32
          %add3A_246 = arith.constant 0 : i32
          %add3A_247 = arith.addi %mul3A_245, %add3A_246 : i32
          %mul3A_248 = arith.constant 16 : i32
          %mul3A_249 = arith.muli %scan3A_222, %mul3A_248 : i32
          %add3A_250 = arith.addi %mul3A_249, %add3A_247 : i32
          %get3A_251 = arith.index_cast %add3A_250 : i32 to index
          %get3A_252 = arith.constant 0 : index
          %get3A_253 = tpu.vector_load %arg8[%get3A_251, %get3A_252] {strides = array<i32>} : memref<80x64xi32, #tpu.memory_space<vmem>>, vector<16xi32>,
          %bitcast3A = vector.bitcast %get3A_253 : vector<16xi32> to vector<32xbf16>
          %get3A_254 = arith.index_cast %add3A_250 : i32 to index
          %get3A_255 = arith.constant 0 : index
          %get3A_256 = tpu.vector_load %arg13[%get3A_254, %get3A_255] {strides = array<i32>} : memref<80x64xi32, #tpu.memory_space<vmem>>, vector<16xi32>,
          %bitcast3A_257 = vector.bitcast %get3A_256 : vector<16xi32> to vector<32xbf16>
          %sub3A_258 = arith.subf %bitcast3A, %bitcast3A_257 : vector<32xbf16>
          %abs3A = math.absf %sub3A_258 : vector<32xbf16>
          %unpack3A = tpu.unpack_subelements %abs3A, 0 {pack_format = #tpu.pack_format<interleaved>} : vector<32xbf16> -> vector<16xf32>
          %unpack3A_259 = tpu.unpack_subelements %abs3A, 1 {pack_format = #tpu.pack_format<interleaved>} : vector<32xbf16> -> vector<16xf32>
          %mul3A_260 = arith.mulf %unpack3A, %get3A_4 : vector<16xf32>
          %add3A_261 = arith.addf %broadcast_in_dim3A_3, %mul3A_260 : vector<16xf32>
          %mul3A_262 = arith.mulf %unpack3A_259, %get3A_12 : vector<16xf32>
          %add3A_263 = arith.addf %broadcast_in_dim3A_3, %mul3A_262 : vector<16xf32>
          %get3A_264 = arith.index_cast %add3A_250 : i32 to index
          %get3A_265 = arith.constant 16 : index
          %get3A_266 = tpu.vector_load %arg8[%get3A_264, %get3A_265] {strides = array<i32>} : memref<80x64xi32, #tpu.memory_space<vmem>>, vector<16xi32>,
          %bitcast3A_267 = vector.bitcast %get3A_266 : vector<16xi32> to vector<32xbf16>
          %get3A_268 = arith.index_cast %add3A_250 : i32 to index
          %get3A_269 = arith.constant 16 : index
          %get3A_270 = tpu.vector_load %arg13[%get3A_268, %get3A_269] {strides = array<i32>} : memref<80x64xi32, #tpu.memory_space<vmem>>, vector<16xi32>,
          %bitcast3A_271 = vector.bitcast %get3A_270 : vector<16xi32> to vector<32xbf16>
          %sub3A_272 = arith.subf %bitcast3A_267, %bitcast3A_271 : vector<32xbf16>
          %abs3A_273 = math.absf %sub3A_272 : vector<32xbf16>
          %unpack3A_274 = tpu.unpack_subelements %abs3A_273, 0 {pack_format = #tpu.pack_format<interleaved>} : vector<32xbf16> -> vector<16xf32>
          %unpack3A_275 = tpu.unpack_subelements %abs3A_273, 1 {pack_format = #tpu.pack_format<interleaved>} : vector<32xbf16> -> vector<16xf32>
          %mul3A_276 = arith.mulf %unpack3A_274, %get3A_6 : vector<16xf32>
          %add3A_277 = arith.addf %add3A_261, %mul3A_276 : vector<16xf32>
          %mul3A_278 = arith.mulf %unpack3A_275, %get3A_14 : vector<16xf32>
          %add3A_279 = arith.addf %add3A_263, %mul3A_278 : vector<16xf32>
          %get3A_280 = arith.index_cast %add3A_250 : i32 to index
          %get3A_281 = arith.constant 32 : index
          %get3A_282 = tpu.vector_load %arg8[%get3A_280, %get3A_281] {strides = array<i32>} : memref<80x64xi32, #tpu.memory_space<vmem>>, vector<16xi32>,
          %bitcast3A_283 = vector.bitcast %get3A_282 : vector<16xi32> to vector<32xbf16>
          %get3A_284 = arith.index_cast %add3A_250 : i32 to index
          %get3A_285 = arith.constant 32 : index
          %get3A_286 = tpu.vector_load %arg13[%get3A_284, %get3A_285] {strides = array<i32>} : memref<80x64xi32, #tpu.memory_space<vmem>>, vector<16xi32>,
          %bitcast3A_287 = vector.bitcast %get3A_286 : vector<16xi32> to vector<32xbf16>
          %sub3A_288 = arith.subf %bitcast3A_283, %bitcast3A_287 : vector<32xbf16>
          %abs3A_289 = math.absf %sub3A_288 : vector<32xbf16>
          %unpack3A_290 = tpu.unpack_subelements %abs3A_289, 0 {pack_format = #tpu.pack_format<interleaved>} : vector<32xbf16> -> vector<16xf32>
          %unpack3A_291 = tpu.unpack_subelements %abs3A_289, 1 {pack_format = #tpu.pack_format<interleaved>} : vector<32xbf16> -> vector<16xf32>
          %mul3A_292 = arith.mulf %unpack3A_290, %get3A_8 : vector<16xf32>
          %add3A_293 = arith.addf %add3A_277, %mul3A_292 : vector<16xf32>
          %mul3A_294 = arith.mulf %unpack3A_291, %get3A_16 : vector<16xf32>
          %add3A_295 = arith.addf %add3A_279, %mul3A_294 : vector<16xf32>
          %get3A_296 = arith.index_cast %add3A_250 : i32 to index
          %get3A_297 = arith.constant 48 : index
          %get3A_298 = tpu.vector_load %arg8[%get3A_296, %get3A_297] {strides = array<i32>} : memref<80x64xi32, #tpu.memory_space<vmem>>, vector<16xi32>,
          %bitcast3A_299 = vector.bitcast %get3A_298 : vector<16xi32> to vector<32xbf16>
          %get3A_300 = arith.index_cast %add3A_250 : i32 to index
          %get3A_301 = arith.constant 48 : index
          %get3A_302 = tpu.vector_load %arg13[%get3A_300, %get3A_301] {strides = array<i32>} : memref<80x64xi32, #tpu.memory_space<vmem>>, vector<16xi32>,
          %bitcast3A_303 = vector.bitcast %get3A_302 : vector<16xi32> to vector<32xbf16>
          %sub3A_304 = arith.subf %bitcast3A_299, %bitcast3A_303 : vector<32xbf16>
          %abs3A_305 = math.absf %sub3A_304 : vector<32xbf16>
          %unpack3A_306 = tpu.unpack_subelements %abs3A_305, 0 {pack_format = #tpu.pack_format<interleaved>} : vector<32xbf16> -> vector<16xf32>
          %unpack3A_307 = tpu.unpack_subelements %abs3A_305, 1 {pack_format = #tpu.pack_format<interleaved>} : vector<32xbf16> -> vector<16xf32>
          %mul3A_308 = arith.mulf %unpack3A_306, %get3A_10 : vector<16xf32>
          %add3A_309 = arith.addf %add3A_293, %mul3A_308 : vector<16xf32>
          %mul3A_310 = arith.mulf %unpack3A_307, %get3A_18 : vector<16xf32>
          %add3A_311 = arith.addf %add3A_295, %mul3A_310 : vector<16xf32>
          %add3A_312 = arith.addf %add3A_309, %add3A_311 : vector<16xf32>
          %reduce_sum3A = arith.constant true
          %reduce_sum3A_313 = vector.broadcast %reduce_sum3A : i1 to vector<16xi1>
          %reduce_sum3A_314 = tpu.scan <sum>, %add3A_312 masked %reduce_sum3A_313 : vector<16xf32>, vector<16xi1> -> vector<16xf32>
          %reduce_sum3A_315 = vector.extract %reduce_sum3A_314[15] : f32 from vector<16xf32>
          %eq3A = vector.broadcast %add3A_247 : i32 to vector<16xi32>
          %eq3A_316 = arith.cmpi eq, %iota3A, %eq3A : vector<16xi32>
          %broadcast_in_dim3A_317 = vector.broadcast %reduce_sum3A_315 : f32 to vector<16xf32>
          %select_n3A = arith.select %eq3A_316, %broadcast_in_dim3A_317, %scan3A_243 : vector<16xi1>, vector<16xf32>
          %mul3A_318 = arith.constant 4 : i32
          %mul3A_319 = arith.muli %scan3A_242, %mul3A_318 : i32
          %add3A_320 = arith.constant 1 : i32
          %add3A_321 = arith.addi %mul3A_319, %add3A_320 : i32
          %mul3A_322 = arith.constant 16 : i32
          %mul3A_323 = arith.muli %scan3A_222, %mul3A_322 : i32
          %add3A_324 = arith.addi %mul3A_323, %add3A_321 : i32
          %get3A_325 = arith.index_cast %add3A_324 : i32 to index
          %get3A_326 = arith.constant 0 : index
          %get3A_327 = tpu.vector_load %arg8[%get3A_325, %get3A_326] {strides = array<i32>} : memref<80x64xi32, #tpu.memory_space<vmem>>, vector<16xi32>,
          %bitcast3A_328 = vector.bitcast %get3A_327 : vector<16xi32> to vector<32xbf16>
          %get3A_329 = arith.index_cast %add3A_324 : i32 to index
          %get3A_330 = arith.constant 0 : index
          %get3A_331 = tpu.vector_load %arg13[%get3A_329, %get3A_330] {strides = array<i32>} : memref<80x64xi32, #tpu.memory_space<vmem>>, vector<16xi32>,
          %bitcast3A_332 = vector.bitcast %get3A_331 : vector<16xi32> to vector<32xbf16>
          %sub3A_333 = arith.subf %bitcast3A_328, %bitcast3A_332 : vector<32xbf16>
          %abs3A_334 = math.absf %sub3A_333 : vector<32xbf16>
          %unpack3A_335 = tpu.unpack_subelements %abs3A_334, 0 {pack_format = #tpu.pack_format<interleaved>} : vector<32xbf16> -> vector<16xf32>
          %unpack3A_336 = tpu.unpack_subelements %abs3A_334, 1 {pack_format = #tpu.pack_format<interleaved>} : vector<32xbf16> -> vector<16xf32>
          %mul3A_337 = arith.mulf %unpack3A_335, %get3A_4 : vector<16xf32>
          %add3A_338 = arith.addf %broadcast_in_dim3A_3, %mul3A_337 : vector<16xf32>
          %mul3A_339 = arith.mulf %unpack3A_336, %get3A_12 : vector<16xf32>
          %add3A_340 = arith.addf %broadcast_in_dim3A_3, %mul3A_339 : vector<16xf32>
          %get3A_341 = arith.index_cast %add3A_324 : i32 to index
          %get3A_342 = arith.constant 16 : index
          %get3A_343 = tpu.vector_load %arg8[%get3A_341, %get3A_342] {strides = array<i32>} : memref<80x64xi32, #tpu.memory_space<vmem>>, vector<16xi32>,
          %bitcast3A_344 = vector.bitcast %get3A_343 : vector<16xi32> to vector<32xbf16>
          %get3A_345 = arith.index_cast %add3A_324 : i32 to index
          %get3A_346 = arith.constant 16 : index
          %get3A_347 = tpu.vector_load %arg13[%get3A_345, %get3A_346] {strides = array<i32>} : memref<80x64xi32, #tpu.memory_space<vmem>>, vector<16xi32>,
          %bitcast3A_348 = vector.bitcast %get3A_347 : vector<16xi32> to vector<32xbf16>
          %sub3A_349 = arith.subf %bitcast3A_344, %bitcast3A_348 : vector<32xbf16>
          %abs3A_350 = math.absf %sub3A_349 : vector<32xbf16>
          %unpack3A_351 = tpu.unpack_subelements %abs3A_350, 0 {pack_format = #tpu.pack_format<interleaved>} : vector<32xbf16> -> vector<16xf32>
          %unpack3A_352 = tpu.unpack_subelements %abs3A_350, 1 {pack_format = #tpu.pack_format<interleaved>} : vector<32xbf16> -> vector<16xf32>
          %mul3A_353 = arith.mulf %unpack3A_351, %get3A_6 : vector<16xf32>
          %add3A_354 = arith.addf %add3A_338, %mul3A_353 : vector<16xf32>
          %mul3A_355 = arith.mulf %unpack3A_352, %get3A_14 : vector<16xf32>
          %add3A_356 = arith.addf %add3A_340, %mul3A_355 : vector<16xf32>
          %get3A_357 = arith.index_cast %add3A_324 : i32 to index
          %get3A_358 = arith.constant 32 : index
          %get3A_359 = tpu.vector_load %arg8[%get3A_357, %get3A_358] {strides = array<i32>} : memref<80x64xi32, #tpu.memory_space<vmem>>, vector<16xi32>,
          %bitcast3A_360 = vector.bitcast %get3A_359 : vector<16xi32> to vector<32xbf16>
          %get3A_361 = arith.index_cast %add3A_324 : i32 to index
          %get3A_362 = arith.constant 32 : index
          %get3A_363 = tpu.vector_load %arg13[%get3A_361, %get3A_362] {strides = array<i32>} : memref<80x64xi32, #tpu.memory_space<vmem>>, vector<16xi32>,
          %bitcast3A_364 = vector.bitcast %get3A_363 : vector<16xi32> to vector<32xbf16>
          %sub3A_365 = arith.subf %bitcast3A_360, %bitcast3A_364 : vector<32xbf16>
          %abs3A_366 = math.absf %sub3A_365 : vector<32xbf16>
          %unpack3A_367 = tpu.unpack_subelements %abs3A_366, 0 {pack_format = #tpu.pack_format<interleaved>} : vector<32xbf16> -> vector<16xf32>
          %unpack3A_368 = tpu.unpack_subelements %abs3A_366, 1 {pack_format = #tpu.pack_format<interleaved>} : vector<32xbf16> -> vector<16xf32>
          %mul3A_369 = arith.mulf %unpack3A_367, %get3A_8 : vector<16xf32>
          %add3A_370 = arith.addf %add3A_354, %mul3A_369 : vector<16xf32>
          %mul3A_371 = arith.mulf %unpack3A_368, %get3A_16 : vector<16xf32>
          %add3A_372 = arith.addf %add3A_356, %mul3A_371 : vector<16xf32>
          %get3A_373 = arith.index_cast %add3A_324 : i32 to index
          %get3A_374 = arith.constant 48 : index
          %get3A_375 = tpu.vector_load %arg8[%get3A_373, %get3A_374] {strides = array<i32>} : memref<80x64xi32, #tpu.memory_space<vmem>>, vector<16xi32>,
          %bitcast3A_376 = vector.bitcast %get3A_375 : vector<16xi32> to vector<32xbf16>
          %get3A_377 = arith.index_cast %add3A_324 : i32 to index
          %get3A_378 = arith.constant 48 : index
          %get3A_379 = tpu.vector_load %arg13[%get3A_377, %get3A_378] {strides = array<i32>} : memref<80x64xi32, #tpu.memory_space<vmem>>, vector<16xi32>,
          %bitcast3A_380 = vector.bitcast %get3A_379 : vector<16xi32> to vector<32xbf16>
          %sub3A_381 = arith.subf %bitcast3A_376, %bitcast3A_380 : vector<32xbf16>
          %abs3A_382 = math.absf %sub3A_381 : vector<32xbf16>
          %unpack3A_383 = tpu.unpack_subelements %abs3A_382, 0 {pack_format = #tpu.pack_format<interleaved>} : vector<32xbf16> -> vector<16xf32>
          %unpack3A_384 = tpu.unpack_subelements %abs3A_382, 1 {pack_format = #tpu.pack_format<interleaved>} : vector<32xbf16> -> vector<16xf32>
          %mul3A_385 = arith.mulf %unpack3A_383, %get3A_10 : vector<16xf32>
          %add3A_386 = arith.addf %add3A_370, %mul3A_385 : vector<16xf32>
          %mul3A_387 = arith.mulf %unpack3A_384, %get3A_18 : vector<16xf32>
          %add3A_388 = arith.addf %add3A_372, %mul3A_387 : vector<16xf32>
          %add3A_389 = arith.addf %add3A_386, %add3A_388 : vector<16xf32>
          %reduce_sum3A_390 = arith.constant true
          %reduce_sum3A_391 = vector.broadcast %reduce_sum3A_390 : i1 to vector<16xi1>
          %reduce_sum3A_392 = tpu.scan <sum>, %add3A_389 masked %reduce_sum3A_391 : vector<16xf32>, vector<16xi1> -> vector<16xf32>
          %reduce_sum3A_393 = vector.extract %reduce_sum3A_392[15] : f32 from vector<16xf32>
          %eq3A_394 = vector.broadcast %add3A_321 : i32 to vector<16xi32>
          %eq3A_395 = arith.cmpi eq, %iota3A, %eq3A_394 : vector<16xi32>
          %broadcast_in_dim3A_396 = vector.broadcast %reduce_sum3A_393 : f32 to vector<16xf32>
          %select_n3A_397 = arith.select %eq3A_395, %broadcast_in_dim3A_396, %select_n3A : vector<16xi1>, vector<16xf32>
          %mul3A_398 = arith.constant 4 : i32
          %mul3A_399 = arith.muli %scan3A_242, %mul3A_398 : i32
          %add3A_400 = arith.constant 2 : i32
          %add3A_401 = arith.addi %mul3A_399, %add3A_400 : i32
          %mul3A_402 = arith.constant 16 : i32
          %mul3A_403 = arith.muli %scan3A_222, %mul3A_402 : i32
          %add3A_404 = arith.addi %mul3A_403, %add3A_401 : i32
          %get3A_405 = arith.index_cast %add3A_404 : i32 to index
          %get3A_406 = arith.constant 0 : index
          %get3A_407 = tpu.vector_load %arg8[%get3A_405, %get3A_406] {strides = array<i32>} : memref<80x64xi32, #tpu.memory_space<vmem>>, vector<16xi32>,
          %bitcast3A_408 = vector.bitcast %get3A_407 : vector<16xi32> to vector<32xbf16>
          %get3A_409 = arith.index_cast %add3A_404 : i32 to index
          %get3A_410 = arith.constant 0 : index
          %get3A_411 = tpu.vector_load %arg13[%get3A_409, %get3A_410] {strides = array<i32>} : memref<80x64xi32, #tpu.memory_space<vmem>>, vector<16xi32>,
          %bitcast3A_412 = vector.bitcast %get3A_411 : vector<16xi32> to vector<32xbf16>
          %sub3A_413 = arith.subf %bitcast3A_408, %bitcast3A_412 : vector<32xbf16>
          %abs3A_414 = math.absf %sub3A_413 : vector<32xbf16>
          %unpack3A_415 = tpu.unpack_subelements %abs3A_414, 0 {pack_format = #tpu.pack_format<interleaved>} : vector<32xbf16> -> vector<16xf32>
          %unpack3A_416 = tpu.unpack_subelements %abs3A_414, 1 {pack_format = #tpu.pack_format<interleaved>} : vector<32xbf16> -> vector<16xf32>
          %mul3A_417 = arith.mulf %unpack3A_415, %get3A_4 : vector<16xf32>
          %add3A_418 = arith.addf %broadcast_in_dim3A_3, %mul3A_417 : vector<16xf32>
          %mul3A_419 = arith.mulf %unpack3A_416, %get3A_12 : vector<16xf32>
          %add3A_420 = arith.addf %broadcast_in_dim3A_3, %mul3A_419 : vector<16xf32>
          %get3A_421 = arith.index_cast %add3A_404 : i32 to index
          %get3A_422 = arith.constant 16 : index
          %get3A_423 = tpu.vector_load %arg8[%get3A_421, %get3A_422] {strides = array<i32>} : memref<80x64xi32, #tpu.memory_space<vmem>>, vector<16xi32>,
          %bitcast3A_424 = vector.bitcast %get3A_423 : vector<16xi32> to vector<32xbf16>
          %get3A_425 = arith.index_cast %add3A_404 : i32 to index
          %get3A_426 = arith.constant 16 : index
          %get3A_427 = tpu.vector_load %arg13[%get3A_425, %get3A_426] {strides = array<i32>} : memref<80x64xi32, #tpu.memory_space<vmem>>, vector<16xi32>,
          %bitcast3A_428 = vector.bitcast %get3A_427 : vector<16xi32> to vector<32xbf16>
          %sub3A_429 = arith.subf %bitcast3A_424, %bitcast3A_428 : vector<32xbf16>
          %abs3A_430 = math.absf %sub3A_429 : vector<32xbf16>
          %unpack3A_431 = tpu.unpack_subelements %abs3A_430, 0 {pack_format = #tpu.pack_format<interleaved>} : vector<32xbf16> -> vector<16xf32>
          %unpack3A_432 = tpu.unpack_subelements %abs3A_430, 1 {pack_format = #tpu.pack_format<interleaved>} : vector<32xbf16> -> vector<16xf32>
          %mul3A_433 = arith.mulf %unpack3A_431, %get3A_6 : vector<16xf32>
          %add3A_434 = arith.addf %add3A_418, %mul3A_433 : vector<16xf32>
          %mul3A_435 = arith.mulf %unpack3A_432, %get3A_14 : vector<16xf32>
          %add3A_436 = arith.addf %add3A_420, %mul3A_435 : vector<16xf32>
          %get3A_437 = arith.index_cast %add3A_404 : i32 to index
          %get3A_438 = arith.constant 32 : index
          %get3A_439 = tpu.vector_load %arg8[%get3A_437, %get3A_438] {strides = array<i32>} : memref<80x64xi32, #tpu.memory_space<vmem>>, vector<16xi32>,
          %bitcast3A_440 = vector.bitcast %get3A_439 : vector<16xi32> to vector<32xbf16>
          %get3A_441 = arith.index_cast %add3A_404 : i32 to index
          %get3A_442 = arith.constant 32 : index
          %get3A_443 = tpu.vector_load %arg13[%get3A_441, %get3A_442] {strides = array<i32>} : memref<80x64xi32, #tpu.memory_space<vmem>>, vector<16xi32>,
          %bitcast3A_444 = vector.bitcast %get3A_443 : vector<16xi32> to vector<32xbf16>
          %sub3A_445 = arith.subf %bitcast3A_440, %bitcast3A_444 : vector<32xbf16>
          %abs3A_446 = math.absf %sub3A_445 : vector<32xbf16>
          %unpack3A_447 = tpu.unpack_subelements %abs3A_446, 0 {pack_format = #tpu.pack_format<interleaved>} : vector<32xbf16> -> vector<16xf32>
          %unpack3A_448 = tpu.unpack_subelements %abs3A_446, 1 {pack_format = #tpu.pack_format<interleaved>} : vector<32xbf16> -> vector<16xf32>
          %mul3A_449 = arith.mulf %unpack3A_447, %get3A_8 : vector<16xf32>
          %add3A_450 = arith.addf %add3A_434, %mul3A_449 : vector<16xf32>
          %mul3A_451 = arith.mulf %unpack3A_448, %get3A_16 : vector<16xf32>
          %add3A_452 = arith.addf %add3A_436, %mul3A_451 : vector<16xf32>
          %get3A_453 = arith.index_cast %add3A_404 : i32 to index
          %get3A_454 = arith.constant 48 : index
          %get3A_455 = tpu.vector_load %arg8[%get3A_453, %get3A_454] {strides = array<i32>} : memref<80x64xi32, #tpu.memory_space<vmem>>, vector<16xi32>,
          %bitcast3A_456 = vector.bitcast %get3A_455 : vector<16xi32> to vector<32xbf16>
          %get3A_457 = arith.index_cast %add3A_404 : i32 to index
          %get3A_458 = arith.constant 48 : index
          %get3A_459 = tpu.vector_load %arg13[%get3A_457, %get3A_458] {strides = array<i32>} : memref<80x64xi32, #tpu.memory_space<vmem>>, vector<16xi32>,
          %bitcast3A_460 = vector.bitcast %get3A_459 : vector<16xi32> to vector<32xbf16>
          %sub3A_461 = arith.subf %bitcast3A_456, %bitcast3A_460 : vector<32xbf16>
          %abs3A_462 = math.absf %sub3A_461 : vector<32xbf16>
          %unpack3A_463 = tpu.unpack_subelements %abs3A_462, 0 {pack_format = #tpu.pack_format<interleaved>} : vector<32xbf16> -> vector<16xf32>
          %unpack3A_464 = tpu.unpack_subelements %abs3A_462, 1 {pack_format = #tpu.pack_format<interleaved>} : vector<32xbf16> -> vector<16xf32>
          %mul3A_465 = arith.mulf %unpack3A_463, %get3A_10 : vector<16xf32>
          %add3A_466 = arith.addf %add3A_450, %mul3A_465 : vector<16xf32>
          %mul3A_467 = arith.mulf %unpack3A_464, %get3A_18 : vector<16xf32>
          %add3A_468 = arith.addf %add3A_452, %mul3A_467 : vector<16xf32>
          %add3A_469 = arith.addf %add3A_466, %add3A_468 : vector<16xf32>
          %reduce_sum3A_470 = arith.constant true
          %reduce_sum3A_471 = vector.broadcast %reduce_sum3A_470 : i1 to vector<16xi1>
          %reduce_sum3A_472 = tpu.scan <sum>, %add3A_469 masked %reduce_sum3A_471 : vector<16xf32>, vector<16xi1> -> vector<16xf32>
          %reduce_sum3A_473 = vector.extract %reduce_sum3A_472[15] : f32 from vector<16xf32>
          %eq3A_474 = vector.broadcast %add3A_401 : i32 to vector<16xi32>
          %eq3A_475 = arith.cmpi eq, %iota3A, %eq3A_474 : vector<16xi32>
          %broadcast_in_dim3A_476 = vector.broadcast %reduce_sum3A_473 : f32 to vector<16xf32>
          %select_n3A_477 = arith.select %eq3A_475, %broadcast_in_dim3A_476, %select_n3A_397 : vector<16xi1>, vector<16xf32>
          %mul3A_478 = arith.constant 4 : i32
          %mul3A_479 = arith.muli %scan3A_242, %mul3A_478 : i32
          %add3A_480 = arith.constant 3 : i32
          %add3A_481 = arith.addi %mul3A_479, %add3A_480 : i32
          %mul3A_482 = arith.constant 16 : i32
          %mul3A_483 = arith.muli %scan3A_222, %mul3A_482 : i32
          %add3A_484 = arith.addi %mul3A_483, %add3A_481 : i32
          %get3A_485 = arith.index_cast %add3A_484 : i32 to index
          %get3A_486 = arith.constant 0 : index
          %get3A_487 = tpu.vector_load %arg8[%get3A_485, %get3A_486] {strides = array<i32>} : memref<80x64xi32, #tpu.memory_space<vmem>>, vector<16xi32>,
          %bitcast3A_488 = vector.bitcast %get3A_487 : vector<16xi32> to vector<32xbf16>
          %get3A_489 = arith.index_cast %add3A_484 : i32 to index
          %get3A_490 = arith.constant 0 : index
          %get3A_491 = tpu.vector_load %arg13[%get3A_489, %get3A_490] {strides = array<i32>} : memref<80x64xi32, #tpu.memory_space<vmem>>, vector<16xi32>,
          %bitcast3A_492 = vector.bitcast %get3A_491 : vector<16xi32> to vector<32xbf16>
          %sub3A_493 = arith.subf %bitcast3A_488, %bitcast3A_492 : vector<32xbf16>
          %abs3A_494 = math.absf %sub3A_493 : vector<32xbf16>
          %unpack3A_495 = tpu.unpack_subelements %abs3A_494, 0 {pack_format = #tpu.pack_format<interleaved>} : vector<32xbf16> -> vector<16xf32>
          %unpack3A_496 = tpu.unpack_subelements %abs3A_494, 1 {pack_format = #tpu.pack_format<interleaved>} : vector<32xbf16> -> vector<16xf32>
          %mul3A_497 = arith.mulf %unpack3A_495, %get3A_4 : vector<16xf32>
          %add3A_498 = arith.addf %broadcast_in_dim3A_3, %mul3A_497 : vector<16xf32>
          %mul3A_499 = arith.mulf %unpack3A_496, %get3A_12 : vector<16xf32>
          %add3A_500 = arith.addf %broadcast_in_dim3A_3, %mul3A_499 : vector<16xf32>
          %get3A_501 = arith.index_cast %add3A_484 : i32 to index
          %get3A_502 = arith.constant 16 : index
          %get3A_503 = tpu.vector_load %arg8[%get3A_501, %get3A_502] {strides = array<i32>} : memref<80x64xi32, #tpu.memory_space<vmem>>, vector<16xi32>,
          %bitcast3A_504 = vector.bitcast %get3A_503 : vector<16xi32> to vector<32xbf16>
          %get3A_505 = arith.index_cast %add3A_484 : i32 to index
          %get3A_506 = arith.constant 16 : index
          %get3A_507 = tpu.vector_load %arg13[%get3A_505, %get3A_506] {strides = array<i32>} : memref<80x64xi32, #tpu.memory_space<vmem>>, vector<16xi32>,
          %bitcast3A_508 = vector.bitcast %get3A_507 : vector<16xi32> to vector<32xbf16>
          %sub3A_509 = arith.subf %bitcast3A_504, %bitcast3A_508 : vector<32xbf16>
          %abs3A_510 = math.absf %sub3A_509 : vector<32xbf16>
          %unpack3A_511 = tpu.unpack_subelements %abs3A_510, 0 {pack_format = #tpu.pack_format<interleaved>} : vector<32xbf16> -> vector<16xf32>
          %unpack3A_512 = tpu.unpack_subelements %abs3A_510, 1 {pack_format = #tpu.pack_format<interleaved>} : vector<32xbf16> -> vector<16xf32>
          %mul3A_513 = arith.mulf %unpack3A_511, %get3A_6 : vector<16xf32>
          %add3A_514 = arith.addf %add3A_498, %mul3A_513 : vector<16xf32>
          %mul3A_515 = arith.mulf %unpack3A_512, %get3A_14 : vector<16xf32>
          %add3A_516 = arith.addf %add3A_500, %mul3A_515 : vector<16xf32>
          %get3A_517 = arith.index_cast %add3A_484 : i32 to index
          %get3A_518 = arith.constant 32 : index
          %get3A_519 = tpu.vector_load %arg8[%get3A_517, %get3A_518] {strides = array<i32>} : memref<80x64xi32, #tpu.memory_space<vmem>>, vector<16xi32>,
          %bitcast3A_520 = vector.bitcast %get3A_519 : vector<16xi32> to vector<32xbf16>
          %get3A_521 = arith.index_cast %add3A_484 : i32 to index
          %get3A_522 = arith.constant 32 : index
          %get3A_523 = tpu.vector_load %arg13[%get3A_521, %get3A_522] {strides = array<i32>} : memref<80x64xi32, #tpu.memory_space<vmem>>, vector<16xi32>,
          %bitcast3A_524 = vector.bitcast %get3A_523 : vector<16xi32> to vector<32xbf16>
          %sub3A_525 = arith.subf %bitcast3A_520, %bitcast3A_524 : vector<32xbf16>
          %abs3A_526 = math.absf %sub3A_525 : vector<32xbf16>
          %unpack3A_527 = tpu.unpack_subelements %abs3A_526, 0 {pack_format = #tpu.pack_format<interleaved>} : vector<32xbf16> -> vector<16xf32>
          %unpack3A_528 = tpu.unpack_subelements %abs3A_526, 1 {pack_format = #tpu.pack_format<interleaved>} : vector<32xbf16> -> vector<16xf32>
          %mul3A_529 = arith.mulf %unpack3A_527, %get3A_8 : vector<16xf32>
          %add3A_530 = arith.addf %add3A_514, %mul3A_529 : vector<16xf32>
          %mul3A_531 = arith.mulf %unpack3A_528, %get3A_16 : vector<16xf32>
          %add3A_532 = arith.addf %add3A_516, %mul3A_531 : vector<16xf32>
          %get3A_533 = arith.index_cast %add3A_484 : i32 to index
          %get3A_534 = arith.constant 48 : index
          %get3A_535 = tpu.vector_load %arg8[%get3A_533, %get3A_534] {strides = array<i32>} : memref<80x64xi32, #tpu.memory_space<vmem>>, vector<16xi32>,
          %bitcast3A_536 = vector.bitcast %get3A_535 : vector<16xi32> to vector<32xbf16>
          %get3A_537 = arith.index_cast %add3A_484 : i32 to index
          %get3A_538 = arith.constant 48 : index
          %get3A_539 = tpu.vector_load %arg13[%get3A_537, %get3A_538] {strides = array<i32>} : memref<80x64xi32, #tpu.memory_space<vmem>>, vector<16xi32>,
          %bitcast3A_540 = vector.bitcast %get3A_539 : vector<16xi32> to vector<32xbf16>
          %sub3A_541 = arith.subf %bitcast3A_536, %bitcast3A_540 : vector<32xbf16>
          %abs3A_542 = math.absf %sub3A_541 : vector<32xbf16>
          %unpack3A_543 = tpu.unpack_subelements %abs3A_542, 0 {pack_format = #tpu.pack_format<interleaved>} : vector<32xbf16> -> vector<16xf32>
          %unpack3A_544 = tpu.unpack_subelements %abs3A_542, 1 {pack_format = #tpu.pack_format<interleaved>} : vector<32xbf16> -> vector<16xf32>
          %mul3A_545 = arith.mulf %unpack3A_543, %get3A_10 : vector<16xf32>
          %add3A_546 = arith.addf %add3A_530, %mul3A_545 : vector<16xf32>
          %mul3A_547 = arith.mulf %unpack3A_544, %get3A_18 : vector<16xf32>
          %add3A_548 = arith.addf %add3A_532, %mul3A_547 : vector<16xf32>
          %add3A_549 = arith.addf %add3A_546, %add3A_548 : vector<16xf32>
          %reduce_sum3A_550 = arith.constant true
          %reduce_sum3A_551 = vector.broadcast %reduce_sum3A_550 : i1 to vector<16xi1>
          %reduce_sum3A_552 = tpu.scan <sum>, %add3A_549 masked %reduce_sum3A_551 : vector<16xf32>, vector<16xi1> -> vector<16xf32>
          %reduce_sum3A_553 = vector.extract %reduce_sum3A_552[15] : f32 from vector<16xf32>
          %eq3A_554 = vector.broadcast %add3A_481 : i32 to vector<16xi32>
          %eq3A_555 = arith.cmpi eq, %iota3A, %eq3A_554 : vector<16xi32>
          %broadcast_in_dim3A_556 = vector.broadcast %reduce_sum3A_553 : f32 to vector<16xf32>
          %select_n3A_557 = arith.select %eq3A_555, %broadcast_in_dim3A_556, %select_n3A_477 : vector<16xi1>, vector<16xf32>
          scf.yield %select_n3A_557 : vector<16xf32>
        }
        %scan3A_229 = arith.constant 4 : i32
        %neg3A = arith.constant 0.000000e+00 : f32
        %neg3A_230 = vector.broadcast %neg3A : f32 to vector<16xf32>
        %neg3A_231 = arith.subf %neg3A_230, %scan3A_228 : vector<16xf32>
        %exp3A = math.exp %neg3A_231 : vector<16xf32>
        %add3A_232 = arith.constant 1.000000e+00 : f32
        %add3A_233 = vector.broadcast %add3A_232 : f32 to vector<16xf32>
        %add3A_234 = arith.addf %add3A_233, %exp3A : vector<16xf32>
        %div3A = arith.constant 1.000000e+00 : f32
        %div3A_235 = vector.broadcast %div3A : f32 to vector<16xf32>
        %div3A_236 = arith.divf %div3A_235, %add3A_234 : vector<16xf32>
        %mul3A_237 = arith.constant 16 : i32
        %mul3A_238 = arith.muli %scan3A_222, %mul3A_237 : i32
        %add3A_239 = arith.addi %mul3A_117, %mul3A_238 : i32
        %swap3A = arith.index_cast %add3A_239 : i32 to index
        %swap3A_240 = tpu.vector_load %arg20[%swap3A] {strides = array<i32>} : memref<10000xf32, #tpu.memory_space<vmem>>, vector<16xf32>,
        tpu.vector_store %arg20[%swap3A], %div3A_236 {strides = array<i32>} : memref<10000xf32, #tpu.memory_space<vmem>>, vector<16xf32>,
        %scan3A_241 = arith.constant 0 : i32
        scf.yield %scan3A_241 : i32
      }
      %scan3A_124 = arith.constant 5 : i32
      %mul3A_125 = arith.constant 5 : i32
      %mul3A_126 = arith.muli %mul3A_125, %scan3A_64 : i32
      %add3A_127 = arith.constant 2 : i32
      %add3A_128 = arith.addi %mul3A_126, %add3A_127 : i32
      %dma_wait3A_129 = arith.constant 0 : i32
      %dma_wait3A_130 = tpu.memref_slice %arg17[%dma_wait3A_129] : memref<10000xi32, #tpu.memory_space<vmem>> -> memref<80xi32, #tpu.memory_space<vmem>>
      %dma_wait3A_131 = arith.constant 0 : i32
      %dma_wait3A_132 = arith.constant 0 : i32
      %dma_wait3A_133 = tpu.memref_slice %arg2[%dma_wait3A_131, %dma_wait3A_132] : memref<10000x64xi32, #tpu.memory_space<hbm>> -> memref<10000x64xi32, #tpu.memory_space<hbm>>
      tpu.wait_indirect_dma semaphore(%arg23 : memref<!tpu.dma_semaphore, #tpu.memory_space<semaphore_mem>>) src(%dma_wait3A_133 : memref<10000x64xi32, #tpu.memory_space<hbm>>) dst(%arg9 : memref<80x64xi32, #tpu.memory_space<vmem>>)
      %dma_wait3A_134 = arith.constant 0 : i32
      %dma_wait3A_135 = tpu.memref_slice %arg18[%dma_wait3A_134] : memref<10000xi32, #tpu.memory_space<vmem>> -> memref<80xi32, #tpu.memory_space<vmem>>
      %dma_wait3A_136 = arith.constant 0 : i32
      %dma_wait3A_137 = arith.constant 0 : i32
      %dma_wait3A_138 = tpu.memref_slice %arg2[%dma_wait3A_136, %dma_wait3A_137] : memref<10000x64xi32, #tpu.memory_space<hbm>> -> memref<10000x64xi32, #tpu.memory_space<hbm>>
      tpu.wait_indirect_dma semaphore(%arg28 : memref<!tpu.dma_semaphore, #tpu.memory_space<semaphore_mem>>) src(%dma_wait3A_138 : memref<10000x64xi32, #tpu.memory_space<hbm>>) dst(%arg14 : memref<80x64xi32, #tpu.memory_space<vmem>>)
      %add3A_139 = arith.constant 5 : i32
      %add3A_140 = arith.addi %add3A_128, %add3A_139 : i32
      %sub3A_141 = arith.constant 1 : i32
      %sub3A_142 = arith.subi %add3A_140, %sub3A_141 : i32
      %lt3A_143 = arith.constant 125 : i32
      %lt3A_144 = arith.cmpi slt, %sub3A_142, %lt3A_143 : i32
      %convert_element_type3A_145 = arith.extui %lt3A_144 : i1 to i32
      %cond3A_146 = arith.constant 0 : i32
      %cond3A_147 = arith.cmpi ne, %convert_element_type3A_145, %cond3A_146 : i32
      scf.if %cond3A_147 {
        %mul3A_222 = arith.constant 80 : i32
        %mul3A_223 = arith.muli %sub3A_142, %mul3A_222 : i32
        %dma_start3A_224 = tpu.memref_slice %arg17[%mul3A_223] : memref<10000xi32, #tpu.memory_space<vmem>> -> memref<80xi32, #tpu.memory_space<vmem>>
        %dma_start3A_225 = arith.constant 0 : i32
        %dma_start3A_226 = arith.constant 0 : i32
        %dma_start3A_227 = tpu.memref_slice %arg2[%dma_start3A_225, %dma_start3A_226] : memref<10000x64xi32, #tpu.memory_space<hbm>> -> memref<10000x64xi32, #tpu.memory_space<hbm>>
        tpu.enqueue_indirect_dma source(%dma_start3A_227 : memref<10000x64xi32, #tpu.memory_space<hbm>>) target(%arg8 : memref<80x64xi32, #tpu.memory_space<vmem>>) offsets(%dma_start3A_224 : memref<80xi32, #tpu.memory_space<vmem>>) semaphore(%arg22 : memref<!tpu.dma_semaphore, #tpu.memory_space<semaphore_mem>>)
        %dma_start3A_228 = tpu.memref_slice %arg18[%mul3A_223] : memref<10000xi32, #tpu.memory_space<vmem>> -> memref<80xi32, #tpu.memory_space<vmem>>
        %dma_start3A_229 = arith.constant 0 : i32
        %dma_start3A_230 = arith.constant 0 : i32
        %dma_start3A_231 = tpu.memref_slice %arg2[%dma_start3A_229, %dma_start3A_230] : memref<10000x64xi32, #tpu.memory_space<hbm>> -> memref<10000x64xi32, #tpu.memory_space<hbm>>
        tpu.enqueue_indirect_dma source(%dma_start3A_231 : memref<10000x64xi32, #tpu.memory_space<hbm>>) target(%arg13 : memref<80x64xi32, #tpu.memory_space<vmem>>) offsets(%dma_start3A_228 : memref<80xi32, #tpu.memory_space<vmem>>) semaphore(%arg27 : memref<!tpu.dma_semaphore, #tpu.memory_space<semaphore_mem>>)
      } else {
      }
      %mul3A_148 = arith.constant 80 : i32
      %mul3A_149 = arith.muli %add3A_128, %mul3A_148 : i32
      %scan3A_150 = arith.constant 0 : i32
      %scan3A_151 = arith.constant 0 : i32
      %scan3A_152 = arith.constant 5 : i32
      %scan3A_153 = arith.addi %scan3A_151, %scan3A_152 : i32
      %scan3A_154 = arith.constant 1 : i32
      %scan3A_155 = scf.for %scan3A_222 = %scan3A_151 to %scan3A_153 step %scan3A_154 iter_args(%scan3A_223 = %scan3A_150) -> (i32)  : i32 {
        %scan3A_224 = arith.constant 0 : i32
        %scan3A_225 = arith.constant 4 : i32
        %scan3A_226 = arith.addi %scan3A_224, %scan3A_225 : i32
        %scan3A_227 = arith.constant 1 : i32
        %scan3A_228 = scf.for %scan3A_242 = %scan3A_224 to %scan3A_226 step %scan3A_227 iter_args(%scan3A_243 = %broadcast_in_dim3A_3) -> (vector<16xf32>)  : i32 {
          %mul3A_244 = arith.constant 4 : i32
          %mul3A_245 = arith.muli %scan3A_242, %mul3A_244 : i32
          %add3A_246 = arith.constant 0 : i32
          %add3A_247 = arith.addi %mul3A_245, %add3A_246 : i32
          %mul3A_248 = arith.constant 16 : i32
          %mul3A_249 = arith.muli %scan3A_222, %mul3A_248 : i32
          %add3A_250 = arith.addi %mul3A_249, %add3A_247 : i32
          %get3A_251 = arith.index_cast %add3A_250 : i32 to index
          %get3A_252 = arith.constant 0 : index
          %get3A_253 = tpu.vector_load %arg9[%get3A_251, %get3A_252] {strides = array<i32>} : memref<80x64xi32, #tpu.memory_space<vmem>>, vector<16xi32>,
          %bitcast3A = vector.bitcast %get3A_253 : vector<16xi32> to vector<32xbf16>
          %get3A_254 = arith.index_cast %add3A_250 : i32 to index
          %get3A_255 = arith.constant 0 : index
          %get3A_256 = tpu.vector_load %arg14[%get3A_254, %get3A_255] {strides = array<i32>} : memref<80x64xi32, #tpu.memory_space<vmem>>, vector<16xi32>,
          %bitcast3A_257 = vector.bitcast %get3A_256 : vector<16xi32> to vector<32xbf16>
          %sub3A_258 = arith.subf %bitcast3A, %bitcast3A_257 : vector<32xbf16>
          %abs3A = math.absf %sub3A_258 : vector<32xbf16>
          %unpack3A = tpu.unpack_subelements %abs3A, 0 {pack_format = #tpu.pack_format<interleaved>} : vector<32xbf16> -> vector<16xf32>
          %unpack3A_259 = tpu.unpack_subelements %abs3A, 1 {pack_format = #tpu.pack_format<interleaved>} : vector<32xbf16> -> vector<16xf32>
          %mul3A_260 = arith.mulf %unpack3A, %get3A_4 : vector<16xf32>
          %add3A_261 = arith.addf %broadcast_in_dim3A_3, %mul3A_260 : vector<16xf32>
          %mul3A_262 = arith.mulf %unpack3A_259, %get3A_12 : vector<16xf32>
          %add3A_263 = arith.addf %broadcast_in_dim3A_3, %mul3A_262 : vector<16xf32>
          %get3A_264 = arith.index_cast %add3A_250 : i32 to index
          %get3A_265 = arith.constant 16 : index
          %get3A_266 = tpu.vector_load %arg9[%get3A_264, %get3A_265] {strides = array<i32>} : memref<80x64xi32, #tpu.memory_space<vmem>>, vector<16xi32>,
          %bitcast3A_267 = vector.bitcast %get3A_266 : vector<16xi32> to vector<32xbf16>
          %get3A_268 = arith.index_cast %add3A_250 : i32 to index
          %get3A_269 = arith.constant 16 : index
          %get3A_270 = tpu.vector_load %arg14[%get3A_268, %get3A_269] {strides = array<i32>} : memref<80x64xi32, #tpu.memory_space<vmem>>, vector<16xi32>,
          %bitcast3A_271 = vector.bitcast %get3A_270 : vector<16xi32> to vector<32xbf16>
          %sub3A_272 = arith.subf %bitcast3A_267, %bitcast3A_271 : vector<32xbf16>
          %abs3A_273 = math.absf %sub3A_272 : vector<32xbf16>
          %unpack3A_274 = tpu.unpack_subelements %abs3A_273, 0 {pack_format = #tpu.pack_format<interleaved>} : vector<32xbf16> -> vector<16xf32>
          %unpack3A_275 = tpu.unpack_subelements %abs3A_273, 1 {pack_format = #tpu.pack_format<interleaved>} : vector<32xbf16> -> vector<16xf32>
          %mul3A_276 = arith.mulf %unpack3A_274, %get3A_6 : vector<16xf32>
          %add3A_277 = arith.addf %add3A_261, %mul3A_276 : vector<16xf32>
          %mul3A_278 = arith.mulf %unpack3A_275, %get3A_14 : vector<16xf32>
          %add3A_279 = arith.addf %add3A_263, %mul3A_278 : vector<16xf32>
          %get3A_280 = arith.index_cast %add3A_250 : i32 to index
          %get3A_281 = arith.constant 32 : index
          %get3A_282 = tpu.vector_load %arg9[%get3A_280, %get3A_281] {strides = array<i32>} : memref<80x64xi32, #tpu.memory_space<vmem>>, vector<16xi32>,
          %bitcast3A_283 = vector.bitcast %get3A_282 : vector<16xi32> to vector<32xbf16>
          %get3A_284 = arith.index_cast %add3A_250 : i32 to index
          %get3A_285 = arith.constant 32 : index
          %get3A_286 = tpu.vector_load %arg14[%get3A_284, %get3A_285] {strides = array<i32>} : memref<80x64xi32, #tpu.memory_space<vmem>>, vector<16xi32>,
          %bitcast3A_287 = vector.bitcast %get3A_286 : vector<16xi32> to vector<32xbf16>
          %sub3A_288 = arith.subf %bitcast3A_283, %bitcast3A_287 : vector<32xbf16>
          %abs3A_289 = math.absf %sub3A_288 : vector<32xbf16>
          %unpack3A_290 = tpu.unpack_subelements %abs3A_289, 0 {pack_format = #tpu.pack_format<interleaved>} : vector<32xbf16> -> vector<16xf32>
          %unpack3A_291 = tpu.unpack_subelements %abs3A_289, 1 {pack_format = #tpu.pack_format<interleaved>} : vector<32xbf16> -> vector<16xf32>
          %mul3A_292 = arith.mulf %unpack3A_290, %get3A_8 : vector<16xf32>
          %add3A_293 = arith.addf %add3A_277, %mul3A_292 : vector<16xf32>
          %mul3A_294 = arith.mulf %unpack3A_291, %get3A_16 : vector<16xf32>
          %add3A_295 = arith.addf %add3A_279, %mul3A_294 : vector<16xf32>
          %get3A_296 = arith.index_cast %add3A_250 : i32 to index
          %get3A_297 = arith.constant 48 : index
          %get3A_298 = tpu.vector_load %arg9[%get3A_296, %get3A_297] {strides = array<i32>} : memref<80x64xi32, #tpu.memory_space<vmem>>, vector<16xi32>,
          %bitcast3A_299 = vector.bitcast %get3A_298 : vector<16xi32> to vector<32xbf16>
          %get3A_300 = arith.index_cast %add3A_250 : i32 to index
          %get3A_301 = arith.constant 48 : index
          %get3A_302 = tpu.vector_load %arg14[%get3A_300, %get3A_301] {strides = array<i32>} : memref<80x64xi32, #tpu.memory_space<vmem>>, vector<16xi32>,
          %bitcast3A_303 = vector.bitcast %get3A_302 : vector<16xi32> to vector<32xbf16>
          %sub3A_304 = arith.subf %bitcast3A_299, %bitcast3A_303 : vector<32xbf16>
          %abs3A_305 = math.absf %sub3A_304 : vector<32xbf16>
          %unpack3A_306 = tpu.unpack_subelements %abs3A_305, 0 {pack_format = #tpu.pack_format<interleaved>} : vector<32xbf16> -> vector<16xf32>
          %unpack3A_307 = tpu.unpack_subelements %abs3A_305, 1 {pack_format = #tpu.pack_format<interleaved>} : vector<32xbf16> -> vector<16xf32>
          %mul3A_308 = arith.mulf %unpack3A_306, %get3A_10 : vector<16xf32>
          %add3A_309 = arith.addf %add3A_293, %mul3A_308 : vector<16xf32>
          %mul3A_310 = arith.mulf %unpack3A_307, %get3A_18 : vector<16xf32>
          %add3A_311 = arith.addf %add3A_295, %mul3A_310 : vector<16xf32>
          %add3A_312 = arith.addf %add3A_309, %add3A_311 : vector<16xf32>
          %reduce_sum3A = arith.constant true
          %reduce_sum3A_313 = vector.broadcast %reduce_sum3A : i1 to vector<16xi1>
          %reduce_sum3A_314 = tpu.scan <sum>, %add3A_312 masked %reduce_sum3A_313 : vector<16xf32>, vector<16xi1> -> vector<16xf32>
          %reduce_sum3A_315 = vector.extract %reduce_sum3A_314[15] : f32 from vector<16xf32>
          %eq3A = vector.broadcast %add3A_247 : i32 to vector<16xi32>
          %eq3A_316 = arith.cmpi eq, %iota3A, %eq3A : vector<16xi32>
          %broadcast_in_dim3A_317 = vector.broadcast %reduce_sum3A_315 : f32 to vector<16xf32>
          %select_n3A = arith.select %eq3A_316, %broadcast_in_dim3A_317, %scan3A_243 : vector<16xi1>, vector<16xf32>
          %mul3A_318 = arith.constant 4 : i32
          %mul3A_319 = arith.muli %scan3A_242, %mul3A_318 : i32
          %add3A_320 = arith.constant 1 : i32
          %add3A_321 = arith.addi %mul3A_319, %add3A_320 : i32
          %mul3A_322 = arith.constant 16 : i32
          %mul3A_323 = arith.muli %scan3A_222, %mul3A_322 : i32
          %add3A_324 = arith.addi %mul3A_323, %add3A_321 : i32
          %get3A_325 = arith.index_cast %add3A_324 : i32 to index
          %get3A_326 = arith.constant 0 : index
          %get3A_327 = tpu.vector_load %arg9[%get3A_325, %get3A_326] {strides = array<i32>} : memref<80x64xi32, #tpu.memory_space<vmem>>, vector<16xi32>,
          %bitcast3A_328 = vector.bitcast %get3A_327 : vector<16xi32> to vector<32xbf16>
          %get3A_329 = arith.index_cast %add3A_324 : i32 to index
          %get3A_330 = arith.constant 0 : index
          %get3A_331 = tpu.vector_load %arg14[%get3A_329, %get3A_330] {strides = array<i32>} : memref<80x64xi32, #tpu.memory_space<vmem>>, vector<16xi32>,
          %bitcast3A_332 = vector.bitcast %get3A_331 : vector<16xi32> to vector<32xbf16>
          %sub3A_333 = arith.subf %bitcast3A_328, %bitcast3A_332 : vector<32xbf16>
          %abs3A_334 = math.absf %sub3A_333 : vector<32xbf16>
          %unpack3A_335 = tpu.unpack_subelements %abs3A_334, 0 {pack_format = #tpu.pack_format<interleaved>} : vector<32xbf16> -> vector<16xf32>
          %unpack3A_336 = tpu.unpack_subelements %abs3A_334, 1 {pack_format = #tpu.pack_format<interleaved>} : vector<32xbf16> -> vector<16xf32>
          %mul3A_337 = arith.mulf %unpack3A_335, %get3A_4 : vector<16xf32>
          %add3A_338 = arith.addf %broadcast_in_dim3A_3, %mul3A_337 : vector<16xf32>
          %mul3A_339 = arith.mulf %unpack3A_336, %get3A_12 : vector<16xf32>
          %add3A_340 = arith.addf %broadcast_in_dim3A_3, %mul3A_339 : vector<16xf32>
          %get3A_341 = arith.index_cast %add3A_324 : i32 to index
          %get3A_342 = arith.constant 16 : index
          %get3A_343 = tpu.vector_load %arg9[%get3A_341, %get3A_342] {strides = array<i32>} : memref<80x64xi32, #tpu.memory_space<vmem>>, vector<16xi32>,
          %bitcast3A_344 = vector.bitcast %get3A_343 : vector<16xi32> to vector<32xbf16>
          %get3A_345 = arith.index_cast %add3A_324 : i32 to index
          %get3A_346 = arith.constant 16 : index
          %get3A_347 = tpu.vector_load %arg14[%get3A_345, %get3A_346] {strides = array<i32>} : memref<80x64xi32, #tpu.memory_space<vmem>>, vector<16xi32>,
          %bitcast3A_348 = vector.bitcast %get3A_347 : vector<16xi32> to vector<32xbf16>
          %sub3A_349 = arith.subf %bitcast3A_344, %bitcast3A_348 : vector<32xbf16>
          %abs3A_350 = math.absf %sub3A_349 : vector<32xbf16>
          %unpack3A_351 = tpu.unpack_subelements %abs3A_350, 0 {pack_format = #tpu.pack_format<interleaved>} : vector<32xbf16> -> vector<16xf32>
          %unpack3A_352 = tpu.unpack_subelements %abs3A_350, 1 {pack_format = #tpu.pack_format<interleaved>} : vector<32xbf16> -> vector<16xf32>
          %mul3A_353 = arith.mulf %unpack3A_351, %get3A_6 : vector<16xf32>
          %add3A_354 = arith.addf %add3A_338, %mul3A_353 : vector<16xf32>
          %mul3A_355 = arith.mulf %unpack3A_352, %get3A_14 : vector<16xf32>
          %add3A_356 = arith.addf %add3A_340, %mul3A_355 : vector<16xf32>
          %get3A_357 = arith.index_cast %add3A_324 : i32 to index
          %get3A_358 = arith.constant 32 : index
          %get3A_359 = tpu.vector_load %arg9[%get3A_357, %get3A_358] {strides = array<i32>} : memref<80x64xi32, #tpu.memory_space<vmem>>, vector<16xi32>,
          %bitcast3A_360 = vector.bitcast %get3A_359 : vector<16xi32> to vector<32xbf16>
          %get3A_361 = arith.index_cast %add3A_324 : i32 to index
          %get3A_362 = arith.constant 32 : index
          %get3A_363 = tpu.vector_load %arg14[%get3A_361, %get3A_362] {strides = array<i32>} : memref<80x64xi32, #tpu.memory_space<vmem>>, vector<16xi32>,
          %bitcast3A_364 = vector.bitcast %get3A_363 : vector<16xi32> to vector<32xbf16>
          %sub3A_365 = arith.subf %bitcast3A_360, %bitcast3A_364 : vector<32xbf16>
          %abs3A_366 = math.absf %sub3A_365 : vector<32xbf16>
          %unpack3A_367 = tpu.unpack_subelements %abs3A_366, 0 {pack_format = #tpu.pack_format<interleaved>} : vector<32xbf16> -> vector<16xf32>
          %unpack3A_368 = tpu.unpack_subelements %abs3A_366, 1 {pack_format = #tpu.pack_format<interleaved>} : vector<32xbf16> -> vector<16xf32>
          %mul3A_369 = arith.mulf %unpack3A_367, %get3A_8 : vector<16xf32>
          %add3A_370 = arith.addf %add3A_354, %mul3A_369 : vector<16xf32>
          %mul3A_371 = arith.mulf %unpack3A_368, %get3A_16 : vector<16xf32>
          %add3A_372 = arith.addf %add3A_356, %mul3A_371 : vector<16xf32>
          %get3A_373 = arith.index_cast %add3A_324 : i32 to index
          %get3A_374 = arith.constant 48 : index
          %get3A_375 = tpu.vector_load %arg9[%get3A_373, %get3A_374] {strides = array<i32>} : memref<80x64xi32, #tpu.memory_space<vmem>>, vector<16xi32>,
          %bitcast3A_376 = vector.bitcast %get3A_375 : vector<16xi32> to vector<32xbf16>
          %get3A_377 = arith.index_cast %add3A_324 : i32 to index
          %get3A_378 = arith.constant 48 : index
          %get3A_379 = tpu.vector_load %arg14[%get3A_377, %get3A_378] {strides = array<i32>} : memref<80x64xi32, #tpu.memory_space<vmem>>, vector<16xi32>,
          %bitcast3A_380 = vector.bitcast %get3A_379 : vector<16xi32> to vector<32xbf16>
          %sub3A_381 = arith.subf %bitcast3A_376, %bitcast3A_380 : vector<32xbf16>
          %abs3A_382 = math.absf %sub3A_381 : vector<32xbf16>
          %unpack3A_383 = tpu.unpack_subelements %abs3A_382, 0 {pack_format = #tpu.pack_format<interleaved>} : vector<32xbf16> -> vector<16xf32>
          %unpack3A_384 = tpu.unpack_subelements %abs3A_382, 1 {pack_format = #tpu.pack_format<interleaved>} : vector<32xbf16> -> vector<16xf32>
          %mul3A_385 = arith.mulf %unpack3A_383, %get3A_10 : vector<16xf32>
          %add3A_386 = arith.addf %add3A_370, %mul3A_385 : vector<16xf32>
          %mul3A_387 = arith.mulf %unpack3A_384, %get3A_18 : vector<16xf32>
          %add3A_388 = arith.addf %add3A_372, %mul3A_387 : vector<16xf32>
          %add3A_389 = arith.addf %add3A_386, %add3A_388 : vector<16xf32>
          %reduce_sum3A_390 = arith.constant true
          %reduce_sum3A_391 = vector.broadcast %reduce_sum3A_390 : i1 to vector<16xi1>
          %reduce_sum3A_392 = tpu.scan <sum>, %add3A_389 masked %reduce_sum3A_391 : vector<16xf32>, vector<16xi1> -> vector<16xf32>
          %reduce_sum3A_393 = vector.extract %reduce_sum3A_392[15] : f32 from vector<16xf32>
          %eq3A_394 = vector.broadcast %add3A_321 : i32 to vector<16xi32>
          %eq3A_395 = arith.cmpi eq, %iota3A, %eq3A_394 : vector<16xi32>
          %broadcast_in_dim3A_396 = vector.broadcast %reduce_sum3A_393 : f32 to vector<16xf32>
          %select_n3A_397 = arith.select %eq3A_395, %broadcast_in_dim3A_396, %select_n3A : vector<16xi1>, vector<16xf32>
          %mul3A_398 = arith.constant 4 : i32
          %mul3A_399 = arith.muli %scan3A_242, %mul3A_398 : i32
          %add3A_400 = arith.constant 2 : i32
          %add3A_401 = arith.addi %mul3A_399, %add3A_400 : i32
          %mul3A_402 = arith.constant 16 : i32
          %mul3A_403 = arith.muli %scan3A_222, %mul3A_402 : i32
          %add3A_404 = arith.addi %mul3A_403, %add3A_401 : i32
          %get3A_405 = arith.index_cast %add3A_404 : i32 to index
          %get3A_406 = arith.constant 0 : index
          %get3A_407 = tpu.vector_load %arg9[%get3A_405, %get3A_406] {strides = array<i32>} : memref<80x64xi32, #tpu.memory_space<vmem>>, vector<16xi32>,
          %bitcast3A_408 = vector.bitcast %get3A_407 : vector<16xi32> to vector<32xbf16>
          %get3A_409 = arith.index_cast %add3A_404 : i32 to index
          %get3A_410 = arith.constant 0 : index
          %get3A_411 = tpu.vector_load %arg14[%get3A_409, %get3A_410] {strides = array<i32>} : memref<80x64xi32, #tpu.memory_space<vmem>>, vector<16xi32>,
          %bitcast3A_412 = vector.bitcast %get3A_411 : vector<16xi32> to vector<32xbf16>
          %sub3A_413 = arith.subf %bitcast3A_408, %bitcast3A_412 : vector<32xbf16>
          %abs3A_414 = math.absf %sub3A_413 : vector<32xbf16>
          %unpack3A_415 = tpu.unpack_subelements %abs3A_414, 0 {pack_format = #tpu.pack_format<interleaved>} : vector<32xbf16> -> vector<16xf32>
          %unpack3A_416 = tpu.unpack_subelements %abs3A_414, 1 {pack_format = #tpu.pack_format<interleaved>} : vector<32xbf16> -> vector<16xf32>
          %mul3A_417 = arith.mulf %unpack3A_415, %get3A_4 : vector<16xf32>
          %add3A_418 = arith.addf %broadcast_in_dim3A_3, %mul3A_417 : vector<16xf32>
          %mul3A_419 = arith.mulf %unpack3A_416, %get3A_12 : vector<16xf32>
          %add3A_420 = arith.addf %broadcast_in_dim3A_3, %mul3A_419 : vector<16xf32>
          %get3A_421 = arith.index_cast %add3A_404 : i32 to index
          %get3A_422 = arith.constant 16 : index
          %get3A_423 = tpu.vector_load %arg9[%get3A_421, %get3A_422] {strides = array<i32>} : memref<80x64xi32, #tpu.memory_space<vmem>>, vector<16xi32>,
          %bitcast3A_424 = vector.bitcast %get3A_423 : vector<16xi32> to vector<32xbf16>
          %get3A_425 = arith.index_cast %add3A_404 : i32 to index
          %get3A_426 = arith.constant 16 : index
          %get3A_427 = tpu.vector_load %arg14[%get3A_425, %get3A_426] {strides = array<i32>} : memref<80x64xi32, #tpu.memory_space<vmem>>, vector<16xi32>,
          %bitcast3A_428 = vector.bitcast %get3A_427 : vector<16xi32> to vector<32xbf16>
          %sub3A_429 = arith.subf %bitcast3A_424, %bitcast3A_428 : vector<32xbf16>
          %abs3A_430 = math.absf %sub3A_429 : vector<32xbf16>
          %unpack3A_431 = tpu.unpack_subelements %abs3A_430, 0 {pack_format = #tpu.pack_format<interleaved>} : vector<32xbf16> -> vector<16xf32>
          %unpack3A_432 = tpu.unpack_subelements %abs3A_430, 1 {pack_format = #tpu.pack_format<interleaved>} : vector<32xbf16> -> vector<16xf32>
          %mul3A_433 = arith.mulf %unpack3A_431, %get3A_6 : vector<16xf32>
          %add3A_434 = arith.addf %add3A_418, %mul3A_433 : vector<16xf32>
          %mul3A_435 = arith.mulf %unpack3A_432, %get3A_14 : vector<16xf32>
          %add3A_436 = arith.addf %add3A_420, %mul3A_435 : vector<16xf32>
          %get3A_437 = arith.index_cast %add3A_404 : i32 to index
          %get3A_438 = arith.constant 32 : index
          %get3A_439 = tpu.vector_load %arg9[%get3A_437, %get3A_438] {strides = array<i32>} : memref<80x64xi32, #tpu.memory_space<vmem>>, vector<16xi32>,
          %bitcast3A_440 = vector.bitcast %get3A_439 : vector<16xi32> to vector<32xbf16>
          %get3A_441 = arith.index_cast %add3A_404 : i32 to index
          %get3A_442 = arith.constant 32 : index
          %get3A_443 = tpu.vector_load %arg14[%get3A_441, %get3A_442] {strides = array<i32>} : memref<80x64xi32, #tpu.memory_space<vmem>>, vector<16xi32>,
          %bitcast3A_444 = vector.bitcast %get3A_443 : vector<16xi32> to vector<32xbf16>
          %sub3A_445 = arith.subf %bitcast3A_440, %bitcast3A_444 : vector<32xbf16>
          %abs3A_446 = math.absf %sub3A_445 : vector<32xbf16>
          %unpack3A_447 = tpu.unpack_subelements %abs3A_446, 0 {pack_format = #tpu.pack_format<interleaved>} : vector<32xbf16> -> vector<16xf32>
          %unpack3A_448 = tpu.unpack_subelements %abs3A_446, 1 {pack_format = #tpu.pack_format<interleaved>} : vector<32xbf16> -> vector<16xf32>
          %mul3A_449 = arith.mulf %unpack3A_447, %get3A_8 : vector<16xf32>
          %add3A_450 = arith.addf %add3A_434, %mul3A_449 : vector<16xf32>
          %mul3A_451 = arith.mulf %unpack3A_448, %get3A_16 : vector<16xf32>
          %add3A_452 = arith.addf %add3A_436, %mul3A_451 : vector<16xf32>
          %get3A_453 = arith.index_cast %add3A_404 : i32 to index
          %get3A_454 = arith.constant 48 : index
          %get3A_455 = tpu.vector_load %arg9[%get3A_453, %get3A_454] {strides = array<i32>} : memref<80x64xi32, #tpu.memory_space<vmem>>, vector<16xi32>,
          %bitcast3A_456 = vector.bitcast %get3A_455 : vector<16xi32> to vector<32xbf16>
          %get3A_457 = arith.index_cast %add3A_404 : i32 to index
          %get3A_458 = arith.constant 48 : index
          %get3A_459 = tpu.vector_load %arg14[%get3A_457, %get3A_458] {strides = array<i32>} : memref<80x64xi32, #tpu.memory_space<vmem>>, vector<16xi32>,
          %bitcast3A_460 = vector.bitcast %get3A_459 : vector<16xi32> to vector<32xbf16>
          %sub3A_461 = arith.subf %bitcast3A_456, %bitcast3A_460 : vector<32xbf16>
          %abs3A_462 = math.absf %sub3A_461 : vector<32xbf16>
          %unpack3A_463 = tpu.unpack_subelements %abs3A_462, 0 {pack_format = #tpu.pack_format<interleaved>} : vector<32xbf16> -> vector<16xf32>
          %unpack3A_464 = tpu.unpack_subelements %abs3A_462, 1 {pack_format = #tpu.pack_format<interleaved>} : vector<32xbf16> -> vector<16xf32>
          %mul3A_465 = arith.mulf %unpack3A_463, %get3A_10 : vector<16xf32>
          %add3A_466 = arith.addf %add3A_450, %mul3A_465 : vector<16xf32>
          %mul3A_467 = arith.mulf %unpack3A_464, %get3A_18 : vector<16xf32>
          %add3A_468 = arith.addf %add3A_452, %mul3A_467 : vector<16xf32>
          %add3A_469 = arith.addf %add3A_466, %add3A_468 : vector<16xf32>
          %reduce_sum3A_470 = arith.constant true
          %reduce_sum3A_471 = vector.broadcast %reduce_sum3A_470 : i1 to vector<16xi1>
          %reduce_sum3A_472 = tpu.scan <sum>, %add3A_469 masked %reduce_sum3A_471 : vector<16xf32>, vector<16xi1> -> vector<16xf32>
          %reduce_sum3A_473 = vector.extract %reduce_sum3A_472[15] : f32 from vector<16xf32>
          %eq3A_474 = vector.broadcast %add3A_401 : i32 to vector<16xi32>
          %eq3A_475 = arith.cmpi eq, %iota3A, %eq3A_474 : vector<16xi32>
          %broadcast_in_dim3A_476 = vector.broadcast %reduce_sum3A_473 : f32 to vector<16xf32>
          %select_n3A_477 = arith.select %eq3A_475, %broadcast_in_dim3A_476, %select_n3A_397 : vector<16xi1>, vector<16xf32>
          %mul3A_478 = arith.constant 4 : i32
          %mul3A_479 = arith.muli %scan3A_242, %mul3A_478 : i32
          %add3A_480 = arith.constant 3 : i32
          %add3A_481 = arith.addi %mul3A_479, %add3A_480 : i32
          %mul3A_482 = arith.constant 16 : i32
          %mul3A_483 = arith.muli %scan3A_222, %mul3A_482 : i32
          %add3A_484 = arith.addi %mul3A_483, %add3A_481 : i32
          %get3A_485 = arith.index_cast %add3A_484 : i32 to index
          %get3A_486 = arith.constant 0 : index
          %get3A_487 = tpu.vector_load %arg9[%get3A_485, %get3A_486] {strides = array<i32>} : memref<80x64xi32, #tpu.memory_space<vmem>>, vector<16xi32>,
          %bitcast3A_488 = vector.bitcast %get3A_487 : vector<16xi32> to vector<32xbf16>
          %get3A_489 = arith.index_cast %add3A_484 : i32 to index
          %get3A_490 = arith.constant 0 : index
          %get3A_491 = tpu.vector_load %arg14[%get3A_489, %get3A_490] {strides = array<i32>} : memref<80x64xi32, #tpu.memory_space<vmem>>, vector<16xi32>,
          %bitcast3A_492 = vector.bitcast %get3A_491 : vector<16xi32> to vector<32xbf16>
          %sub3A_493 = arith.subf %bitcast3A_488, %bitcast3A_492 : vector<32xbf16>
          %abs3A_494 = math.absf %sub3A_493 : vector<32xbf16>
          %unpack3A_495 = tpu.unpack_subelements %abs3A_494, 0 {pack_format = #tpu.pack_format<interleaved>} : vector<32xbf16> -> vector<16xf32>
          %unpack3A_496 = tpu.unpack_subelements %abs3A_494, 1 {pack_format = #tpu.pack_format<interleaved>} : vector<32xbf16> -> vector<16xf32>
          %mul3A_497 = arith.mulf %unpack3A_495, %get3A_4 : vector<16xf32>
          %add3A_498 = arith.addf %broadcast_in_dim3A_3, %mul3A_497 : vector<16xf32>
          %mul3A_499 = arith.mulf %unpack3A_496, %get3A_12 : vector<16xf32>
          %add3A_500 = arith.addf %broadcast_in_dim3A_3, %mul3A_499 : vector<16xf32>
          %get3A_501 = arith.index_cast %add3A_484 : i32 to index
          %get3A_502 = arith.constant 16 : index
          %get3A_503 = tpu.vector_load %arg9[%get3A_501, %get3A_502] {strides = array<i32>} : memref<80x64xi32, #tpu.memory_space<vmem>>, vector<16xi32>,
          %bitcast3A_504 = vector.bitcast %get3A_503 : vector<16xi32> to vector<32xbf16>
          %get3A_505 = arith.index_cast %add3A_484 : i32 to index
          %get3A_506 = arith.constant 16 : index
          %get3A_507 = tpu.vector_load %arg14[%get3A_505, %get3A_506] {strides = array<i32>} : memref<80x64xi32, #tpu.memory_space<vmem>>, vector<16xi32>,
          %bitcast3A_508 = vector.bitcast %get3A_507 : vector<16xi32> to vector<32xbf16>
          %sub3A_509 = arith.subf %bitcast3A_504, %bitcast3A_508 : vector<32xbf16>
          %abs3A_510 = math.absf %sub3A_509 : vector<32xbf16>
          %unpack3A_511 = tpu.unpack_subelements %abs3A_510, 0 {pack_format = #tpu.pack_format<interleaved>} : vector<32xbf16> -> vector<16xf32>
          %unpack3A_512 = tpu.unpack_subelements %abs3A_510, 1 {pack_format = #tpu.pack_format<interleaved>} : vector<32xbf16> -> vector<16xf32>
          %mul3A_513 = arith.mulf %unpack3A_511, %get3A_6 : vector<16xf32>
          %add3A_514 = arith.addf %add3A_498, %mul3A_513 : vector<16xf32>
          %mul3A_515 = arith.mulf %unpack3A_512, %get3A_14 : vector<16xf32>
          %add3A_516 = arith.addf %add3A_500, %mul3A_515 : vector<16xf32>
          %get3A_517 = arith.index_cast %add3A_484 : i32 to index
          %get3A_518 = arith.constant 32 : index
          %get3A_519 = tpu.vector_load %arg9[%get3A_517, %get3A_518] {strides = array<i32>} : memref<80x64xi32, #tpu.memory_space<vmem>>, vector<16xi32>,
          %bitcast3A_520 = vector.bitcast %get3A_519 : vector<16xi32> to vector<32xbf16>
          %get3A_521 = arith.index_cast %add3A_484 : i32 to index
          %get3A_522 = arith.constant 32 : index
          %get3A_523 = tpu.vector_load %arg14[%get3A_521, %get3A_522] {strides = array<i32>} : memref<80x64xi32, #tpu.memory_space<vmem>>, vector<16xi32>,
          %bitcast3A_524 = vector.bitcast %get3A_523 : vector<16xi32> to vector<32xbf16>
          %sub3A_525 = arith.subf %bitcast3A_520, %bitcast3A_524 : vector<32xbf16>
          %abs3A_526 = math.absf %sub3A_525 : vector<32xbf16>
          %unpack3A_527 = tpu.unpack_subelements %abs3A_526, 0 {pack_format = #tpu.pack_format<interleaved>} : vector<32xbf16> -> vector<16xf32>
          %unpack3A_528 = tpu.unpack_subelements %abs3A_526, 1 {pack_format = #tpu.pack_format<interleaved>} : vector<32xbf16> -> vector<16xf32>
          %mul3A_529 = arith.mulf %unpack3A_527, %get3A_8 : vector<16xf32>
          %add3A_530 = arith.addf %add3A_514, %mul3A_529 : vector<16xf32>
          %mul3A_531 = arith.mulf %unpack3A_528, %get3A_16 : vector<16xf32>
          %add3A_532 = arith.addf %add3A_516, %mul3A_531 : vector<16xf32>
          %get3A_533 = arith.index_cast %add3A_484 : i32 to index
          %get3A_534 = arith.constant 48 : index
          %get3A_535 = tpu.vector_load %arg9[%get3A_533, %get3A_534] {strides = array<i32>} : memref<80x64xi32, #tpu.memory_space<vmem>>, vector<16xi32>,
          %bitcast3A_536 = vector.bitcast %get3A_535 : vector<16xi32> to vector<32xbf16>
          %get3A_537 = arith.index_cast %add3A_484 : i32 to index
          %get3A_538 = arith.constant 48 : index
          %get3A_539 = tpu.vector_load %arg14[%get3A_537, %get3A_538] {strides = array<i32>} : memref<80x64xi32, #tpu.memory_space<vmem>>, vector<16xi32>,
          %bitcast3A_540 = vector.bitcast %get3A_539 : vector<16xi32> to vector<32xbf16>
          %sub3A_541 = arith.subf %bitcast3A_536, %bitcast3A_540 : vector<32xbf16>
          %abs3A_542 = math.absf %sub3A_541 : vector<32xbf16>
          %unpack3A_543 = tpu.unpack_subelements %abs3A_542, 0 {pack_format = #tpu.pack_format<interleaved>} : vector<32xbf16> -> vector<16xf32>
          %unpack3A_544 = tpu.unpack_subelements %abs3A_542, 1 {pack_format = #tpu.pack_format<interleaved>} : vector<32xbf16> -> vector<16xf32>
          %mul3A_545 = arith.mulf %unpack3A_543, %get3A_10 : vector<16xf32>
          %add3A_546 = arith.addf %add3A_530, %mul3A_545 : vector<16xf32>
          %mul3A_547 = arith.mulf %unpack3A_544, %get3A_18 : vector<16xf32>
          %add3A_548 = arith.addf %add3A_532, %mul3A_547 : vector<16xf32>
          %add3A_549 = arith.addf %add3A_546, %add3A_548 : vector<16xf32>
          %reduce_sum3A_550 = arith.constant true
          %reduce_sum3A_551 = vector.broadcast %reduce_sum3A_550 : i1 to vector<16xi1>
          %reduce_sum3A_552 = tpu.scan <sum>, %add3A_549 masked %reduce_sum3A_551 : vector<16xf32>, vector<16xi1> -> vector<16xf32>
          %reduce_sum3A_553 = vector.extract %reduce_sum3A_552[15] : f32 from vector<16xf32>
          %eq3A_554 = vector.broadcast %add3A_481 : i32 to vector<16xi32>
          %eq3A_555 = arith.cmpi eq, %iota3A, %eq3A_554 : vector<16xi32>
          %broadcast_in_dim3A_556 = vector.broadcast %reduce_sum3A_553 : f32 to vector<16xf32>
          %select_n3A_557 = arith.select %eq3A_555, %broadcast_in_dim3A_556, %select_n3A_477 : vector<16xi1>, vector<16xf32>
          scf.yield %select_n3A_557 : vector<16xf32>
        }
        %scan3A_229 = arith.constant 4 : i32
        %neg3A = arith.constant 0.000000e+00 : f32
        %neg3A_230 = vector.broadcast %neg3A : f32 to vector<16xf32>
        %neg3A_231 = arith.subf %neg3A_230, %scan3A_228 : vector<16xf32>
        %exp3A = math.exp %neg3A_231 : vector<16xf32>
        %add3A_232 = arith.constant 1.000000e+00 : f32
        %add3A_233 = vector.broadcast %add3A_232 : f32 to vector<16xf32>
        %add3A_234 = arith.addf %add3A_233, %exp3A : vector<16xf32>
        %div3A = arith.constant 1.000000e+00 : f32
        %div3A_235 = vector.broadcast %div3A : f32 to vector<16xf32>
        %div3A_236 = arith.divf %div3A_235, %add3A_234 : vector<16xf32>
        %mul3A_237 = arith.constant 16 : i32
        %mul3A_238 = arith.muli %scan3A_222, %mul3A_237 : i32
        %add3A_239 = arith.addi %mul3A_149, %mul3A_238 : i32
        %swap3A = arith.index_cast %add3A_239 : i32 to index
        %swap3A_240 = tpu.vector_load %arg20[%swap3A] {strides = array<i32>} : memref<10000xf32, #tpu.memory_space<vmem>>, vector<16xf32>,
        tpu.vector_store %arg20[%swap3A], %div3A_236 {strides = array<i32>} : memref<10000xf32, #tpu.memory_space<vmem>>, vector<16xf32>,
        %scan3A_241 = arith.constant 0 : i32
        scf.yield %scan3A_241 : i32
      }
      %scan3A_156 = arith.constant 5 : i32
      %mul3A_157 = arith.constant 5 : i32
      %mul3A_158 = arith.muli %mul3A_157, %scan3A_64 : i32
      %add3A_159 = arith.constant 3 : i32
      %add3A_160 = arith.addi %mul3A_158, %add3A_159 : i32
      %dma_wait3A_161 = arith.constant 0 : i32
      %dma_wait3A_162 = tpu.memref_slice %arg17[%dma_wait3A_161] : memref<10000xi32, #tpu.memory_space<vmem>> -> memref<80xi32, #tpu.memory_space<vmem>>
      %dma_wait3A_163 = arith.constant 0 : i32
      %dma_wait3A_164 = arith.constant 0 : i32
      %dma_wait3A_165 = tpu.memref_slice %arg2[%dma_wait3A_163, %dma_wait3A_164] : memref<10000x64xi32, #tpu.memory_space<hbm>> -> memref<10000x64xi32, #tpu.memory_space<hbm>>
      tpu.wait_indirect_dma semaphore(%arg24 : memref<!tpu.dma_semaphore, #tpu.memory_space<semaphore_mem>>) src(%dma_wait3A_165 : memref<10000x64xi32, #tpu.memory_space<hbm>>) dst(%arg10 : memref<80x64xi32, #tpu.memory_space<vmem>>)
      %dma_wait3A_166 = arith.constant 0 : i32
      %dma_wait3A_167 = tpu.memref_slice %arg18[%dma_wait3A_166] : memref<10000xi32, #tpu.memory_space<vmem>> -> memref<80xi32, #tpu.memory_space<vmem>>
      %dma_wait3A_168 = arith.constant 0 : i32
      %dma_wait3A_169 = arith.constant 0 : i32
      %dma_wait3A_170 = tpu.memref_slice %arg2[%dma_wait3A_168, %dma_wait3A_169] : memref<10000x64xi32, #tpu.memory_space<hbm>> -> memref<10000x64xi32, #tpu.memory_space<hbm>>
      tpu.wait_indirect_dma semaphore(%arg29 : memref<!tpu.dma_semaphore, #tpu.memory_space<semaphore_mem>>) src(%dma_wait3A_170 : memref<10000x64xi32, #tpu.memory_space<hbm>>) dst(%arg15 : memref<80x64xi32, #tpu.memory_space<vmem>>)
      %add3A_171 = arith.constant 5 : i32
      %add3A_172 = arith.addi %add3A_160, %add3A_171 : i32
      %sub3A_173 = arith.constant 1 : i32
      %sub3A_174 = arith.subi %add3A_172, %sub3A_173 : i32
      %lt3A_175 = arith.constant 125 : i32
      %lt3A_176 = arith.cmpi slt, %sub3A_174, %lt3A_175 : i32
      %convert_element_type3A_177 = arith.extui %lt3A_176 : i1 to i32
      %cond3A_178 = arith.constant 0 : i32
      %cond3A_179 = arith.cmpi ne, %convert_element_type3A_177, %cond3A_178 : i32
      scf.if %cond3A_179 {
        %mul3A_222 = arith.constant 80 : i32
        %mul3A_223 = arith.muli %sub3A_174, %mul3A_222 : i32
        %dma_start3A_224 = tpu.memref_slice %arg17[%mul3A_223] : memref<10000xi32, #tpu.memory_space<vmem>> -> memref<80xi32, #tpu.memory_space<vmem>>
        %dma_start3A_225 = arith.constant 0 : i32
        %dma_start3A_226 = arith.constant 0 : i32
        %dma_start3A_227 = tpu.memref_slice %arg2[%dma_start3A_225, %dma_start3A_226] : memref<10000x64xi32, #tpu.memory_space<hbm>> -> memref<10000x64xi32, #tpu.memory_space<hbm>>
        tpu.enqueue_indirect_dma source(%dma_start3A_227 : memref<10000x64xi32, #tpu.memory_space<hbm>>) target(%arg9 : memref<80x64xi32, #tpu.memory_space<vmem>>) offsets(%dma_start3A_224 : memref<80xi32, #tpu.memory_space<vmem>>) semaphore(%arg23 : memref<!tpu.dma_semaphore, #tpu.memory_space<semaphore_mem>>)
        %dma_start3A_228 = tpu.memref_slice %arg18[%mul3A_223] : memref<10000xi32, #tpu.memory_space<vmem>> -> memref<80xi32, #tpu.memory_space<vmem>>
        %dma_start3A_229 = arith.constant 0 : i32
        %dma_start3A_230 = arith.constant 0 : i32
        %dma_start3A_231 = tpu.memref_slice %arg2[%dma_start3A_229, %dma_start3A_230] : memref<10000x64xi32, #tpu.memory_space<hbm>> -> memref<10000x64xi32, #tpu.memory_space<hbm>>
        tpu.enqueue_indirect_dma source(%dma_start3A_231 : memref<10000x64xi32, #tpu.memory_space<hbm>>) target(%arg14 : memref<80x64xi32, #tpu.memory_space<vmem>>) offsets(%dma_start3A_228 : memref<80xi32, #tpu.memory_space<vmem>>) semaphore(%arg28 : memref<!tpu.dma_semaphore, #tpu.memory_space<semaphore_mem>>)
      } else {
      }
      %mul3A_180 = arith.constant 80 : i32
      %mul3A_181 = arith.muli %add3A_160, %mul3A_180 : i32
      %scan3A_182 = arith.constant 0 : i32
      %scan3A_183 = arith.constant 0 : i32
      %scan3A_184 = arith.constant 5 : i32
      %scan3A_185 = arith.addi %scan3A_183, %scan3A_184 : i32
      %scan3A_186 = arith.constant 1 : i32
      %scan3A_187 = scf.for %scan3A_222 = %scan3A_183 to %scan3A_185 step %scan3A_186 iter_args(%scan3A_223 = %scan3A_182) -> (i32)  : i32 {
        %scan3A_224 = arith.constant 0 : i32
        %scan3A_225 = arith.constant 4 : i32
        %scan3A_226 = arith.addi %scan3A_224, %scan3A_225 : i32
        %scan3A_227 = arith.constant 1 : i32
        %scan3A_228 = scf.for %scan3A_242 = %scan3A_224 to %scan3A_226 step %scan3A_227 iter_args(%scan3A_243 = %broadcast_in_dim3A_3) -> (vector<16xf32>)  : i32 {
          %mul3A_244 = arith.constant 4 : i32
          %mul3A_245 = arith.muli %scan3A_242, %mul3A_244 : i32
          %add3A_246 = arith.constant 0 : i32
          %add3A_247 = arith.addi %mul3A_245, %add3A_246 : i32
          %mul3A_248 = arith.constant 16 : i32
          %mul3A_249 = arith.muli %scan3A_222, %mul3A_248 : i32
          %add3A_250 = arith.addi %mul3A_249, %add3A_247 : i32
          %get3A_251 = arith.index_cast %add3A_250 : i32 to index
          %get3A_252 = arith.constant 0 : index
          %get3A_253 = tpu.vector_load %arg10[%get3A_251, %get3A_252] {strides = array<i32>} : memref<80x64xi32, #tpu.memory_space<vmem>>, vector<16xi32>,
          %bitcast3A = vector.bitcast %get3A_253 : vector<16xi32> to vector<32xbf16>
          %get3A_254 = arith.index_cast %add3A_250 : i32 to index
          %get3A_255 = arith.constant 0 : index
          %get3A_256 = tpu.vector_load %arg15[%get3A_254, %get3A_255] {strides = array<i32>} : memref<80x64xi32, #tpu.memory_space<vmem>>, vector<16xi32>,
          %bitcast3A_257 = vector.bitcast %get3A_256 : vector<16xi32> to vector<32xbf16>
          %sub3A_258 = arith.subf %bitcast3A, %bitcast3A_257 : vector<32xbf16>
          %abs3A = math.absf %sub3A_258 : vector<32xbf16>
          %unpack3A = tpu.unpack_subelements %abs3A, 0 {pack_format = #tpu.pack_format<interleaved>} : vector<32xbf16> -> vector<16xf32>
          %unpack3A_259 = tpu.unpack_subelements %abs3A, 1 {pack_format = #tpu.pack_format<interleaved>} : vector<32xbf16> -> vector<16xf32>
          %mul3A_260 = arith.mulf %unpack3A, %get3A_4 : vector<16xf32>
          %add3A_261 = arith.addf %broadcast_in_dim3A_3, %mul3A_260 : vector<16xf32>
          %mul3A_262 = arith.mulf %unpack3A_259, %get3A_12 : vector<16xf32>
          %add3A_263 = arith.addf %broadcast_in_dim3A_3, %mul3A_262 : vector<16xf32>
          %get3A_264 = arith.index_cast %add3A_250 : i32 to index
          %get3A_265 = arith.constant 16 : index
          %get3A_266 = tpu.vector_load %arg10[%get3A_264, %get3A_265] {strides = array<i32>} : memref<80x64xi32, #tpu.memory_space<vmem>>, vector<16xi32>,
          %bitcast3A_267 = vector.bitcast %get3A_266 : vector<16xi32> to vector<32xbf16>
          %get3A_268 = arith.index_cast %add3A_250 : i32 to index
          %get3A_269 = arith.constant 16 : index
          %get3A_270 = tpu.vector_load %arg15[%get3A_268, %get3A_269] {strides = array<i32>} : memref<80x64xi32, #tpu.memory_space<vmem>>, vector<16xi32>,
          %bitcast3A_271 = vector.bitcast %get3A_270 : vector<16xi32> to vector<32xbf16>
          %sub3A_272 = arith.subf %bitcast3A_267, %bitcast3A_271 : vector<32xbf16>
          %abs3A_273 = math.absf %sub3A_272 : vector<32xbf16>
          %unpack3A_274 = tpu.unpack_subelements %abs3A_273, 0 {pack_format = #tpu.pack_format<interleaved>} : vector<32xbf16> -> vector<16xf32>
          %unpack3A_275 = tpu.unpack_subelements %abs3A_273, 1 {pack_format = #tpu.pack_format<interleaved>} : vector<32xbf16> -> vector<16xf32>
          %mul3A_276 = arith.mulf %unpack3A_274, %get3A_6 : vector<16xf32>
          %add3A_277 = arith.addf %add3A_261, %mul3A_276 : vector<16xf32>
          %mul3A_278 = arith.mulf %unpack3A_275, %get3A_14 : vector<16xf32>
          %add3A_279 = arith.addf %add3A_263, %mul3A_278 : vector<16xf32>
          %get3A_280 = arith.index_cast %add3A_250 : i32 to index
          %get3A_281 = arith.constant 32 : index
          %get3A_282 = tpu.vector_load %arg10[%get3A_280, %get3A_281] {strides = array<i32>} : memref<80x64xi32, #tpu.memory_space<vmem>>, vector<16xi32>,
          %bitcast3A_283 = vector.bitcast %get3A_282 : vector<16xi32> to vector<32xbf16>
          %get3A_284 = arith.index_cast %add3A_250 : i32 to index
          %get3A_285 = arith.constant 32 : index
          %get3A_286 = tpu.vector_load %arg15[%get3A_284, %get3A_285] {strides = array<i32>} : memref<80x64xi32, #tpu.memory_space<vmem>>, vector<16xi32>,
          %bitcast3A_287 = vector.bitcast %get3A_286 : vector<16xi32> to vector<32xbf16>
          %sub3A_288 = arith.subf %bitcast3A_283, %bitcast3A_287 : vector<32xbf16>
          %abs3A_289 = math.absf %sub3A_288 : vector<32xbf16>
          %unpack3A_290 = tpu.unpack_subelements %abs3A_289, 0 {pack_format = #tpu.pack_format<interleaved>} : vector<32xbf16> -> vector<16xf32>
          %unpack3A_291 = tpu.unpack_subelements %abs3A_289, 1 {pack_format = #tpu.pack_format<interleaved>} : vector<32xbf16> -> vector<16xf32>
          %mul3A_292 = arith.mulf %unpack3A_290, %get3A_8 : vector<16xf32>
          %add3A_293 = arith.addf %add3A_277, %mul3A_292 : vector<16xf32>
          %mul3A_294 = arith.mulf %unpack3A_291, %get3A_16 : vector<16xf32>
          %add3A_295 = arith.addf %add3A_279, %mul3A_294 : vector<16xf32>
          %get3A_296 = arith.index_cast %add3A_250 : i32 to index
          %get3A_297 = arith.constant 48 : index
          %get3A_298 = tpu.vector_load %arg10[%get3A_296, %get3A_297] {strides = array<i32>} : memref<80x64xi32, #tpu.memory_space<vmem>>, vector<16xi32>,
          %bitcast3A_299 = vector.bitcast %get3A_298 : vector<16xi32> to vector<32xbf16>
          %get3A_300 = arith.index_cast %add3A_250 : i32 to index
          %get3A_301 = arith.constant 48 : index
          %get3A_302 = tpu.vector_load %arg15[%get3A_300, %get3A_301] {strides = array<i32>} : memref<80x64xi32, #tpu.memory_space<vmem>>, vector<16xi32>,
          %bitcast3A_303 = vector.bitcast %get3A_302 : vector<16xi32> to vector<32xbf16>
          %sub3A_304 = arith.subf %bitcast3A_299, %bitcast3A_303 : vector<32xbf16>
          %abs3A_305 = math.absf %sub3A_304 : vector<32xbf16>
          %unpack3A_306 = tpu.unpack_subelements %abs3A_305, 0 {pack_format = #tpu.pack_format<interleaved>} : vector<32xbf16> -> vector<16xf32>
          %unpack3A_307 = tpu.unpack_subelements %abs3A_305, 1 {pack_format = #tpu.pack_format<interleaved>} : vector<32xbf16> -> vector<16xf32>
          %mul3A_308 = arith.mulf %unpack3A_306, %get3A_10 : vector<16xf32>
          %add3A_309 = arith.addf %add3A_293, %mul3A_308 : vector<16xf32>
          %mul3A_310 = arith.mulf %unpack3A_307, %get3A_18 : vector<16xf32>
          %add3A_311 = arith.addf %add3A_295, %mul3A_310 : vector<16xf32>
          %add3A_312 = arith.addf %add3A_309, %add3A_311 : vector<16xf32>
          %reduce_sum3A = arith.constant true
          %reduce_sum3A_313 = vector.broadcast %reduce_sum3A : i1 to vector<16xi1>
          %reduce_sum3A_314 = tpu.scan <sum>, %add3A_312 masked %reduce_sum3A_313 : vector<16xf32>, vector<16xi1> -> vector<16xf32>
          %reduce_sum3A_315 = vector.extract %reduce_sum3A_314[15] : f32 from vector<16xf32>
          %eq3A = vector.broadcast %add3A_247 : i32 to vector<16xi32>
          %eq3A_316 = arith.cmpi eq, %iota3A, %eq3A : vector<16xi32>
          %broadcast_in_dim3A_317 = vector.broadcast %reduce_sum3A_315 : f32 to vector<16xf32>
          %select_n3A = arith.select %eq3A_316, %broadcast_in_dim3A_317, %scan3A_243 : vector<16xi1>, vector<16xf32>
          %mul3A_318 = arith.constant 4 : i32
          %mul3A_319 = arith.muli %scan3A_242, %mul3A_318 : i32
          %add3A_320 = arith.constant 1 : i32
          %add3A_321 = arith.addi %mul3A_319, %add3A_320 : i32
          %mul3A_322 = arith.constant 16 : i32
          %mul3A_323 = arith.muli %scan3A_222, %mul3A_322 : i32
          %add3A_324 = arith.addi %mul3A_323, %add3A_321 : i32
          %get3A_325 = arith.index_cast %add3A_324 : i32 to index
          %get3A_326 = arith.constant 0 : index
          %get3A_327 = tpu.vector_load %arg10[%get3A_325, %get3A_326] {strides = array<i32>} : memref<80x64xi32, #tpu.memory_space<vmem>>, vector<16xi32>,
          %bitcast3A_328 = vector.bitcast %get3A_327 : vector<16xi32> to vector<32xbf16>
          %get3A_329 = arith.index_cast %add3A_324 : i32 to index
          %get3A_330 = arith.constant 0 : index
          %get3A_331 = tpu.vector_load %arg15[%get3A_329, %get3A_330] {strides = array<i32>} : memref<80x64xi32, #tpu.memory_space<vmem>>, vector<16xi32>,
          %bitcast3A_332 = vector.bitcast %get3A_331 : vector<16xi32> to vector<32xbf16>
          %sub3A_333 = arith.subf %bitcast3A_328, %bitcast3A_332 : vector<32xbf16>
          %abs3A_334 = math.absf %sub3A_333 : vector<32xbf16>
          %unpack3A_335 = tpu.unpack_subelements %abs3A_334, 0 {pack_format = #tpu.pack_format<interleaved>} : vector<32xbf16> -> vector<16xf32>
          %unpack3A_336 = tpu.unpack_subelements %abs3A_334, 1 {pack_format = #tpu.pack_format<interleaved>} : vector<32xbf16> -> vector<16xf32>
          %mul3A_337 = arith.mulf %unpack3A_335, %get3A_4 : vector<16xf32>
          %add3A_338 = arith.addf %broadcast_in_dim3A_3, %mul3A_337 : vector<16xf32>
          %mul3A_339 = arith.mulf %unpack3A_336, %get3A_12 : vector<16xf32>
          %add3A_340 = arith.addf %broadcast_in_dim3A_3, %mul3A_339 : vector<16xf32>
          %get3A_341 = arith.index_cast %add3A_324 : i32 to index
          %get3A_342 = arith.constant 16 : index
          %get3A_343 = tpu.vector_load %arg10[%get3A_341, %get3A_342] {strides = array<i32>} : memref<80x64xi32, #tpu.memory_space<vmem>>, vector<16xi32>,
          %bitcast3A_344 = vector.bitcast %get3A_343 : vector<16xi32> to vector<32xbf16>
          %get3A_345 = arith.index_cast %add3A_324 : i32 to index
          %get3A_346 = arith.constant 16 : index
          %get3A_347 = tpu.vector_load %arg15[%get3A_345, %get3A_346] {strides = array<i32>} : memref<80x64xi32, #tpu.memory_space<vmem>>, vector<16xi32>,
          %bitcast3A_348 = vector.bitcast %get3A_347 : vector<16xi32> to vector<32xbf16>
          %sub3A_349 = arith.subf %bitcast3A_344, %bitcast3A_348 : vector<32xbf16>
          %abs3A_350 = math.absf %sub3A_349 : vector<32xbf16>
          %unpack3A_351 = tpu.unpack_subelements %abs3A_350, 0 {pack_format = #tpu.pack_format<interleaved>} : vector<32xbf16> -> vector<16xf32>
          %unpack3A_352 = tpu.unpack_subelements %abs3A_350, 1 {pack_format = #tpu.pack_format<interleaved>} : vector<32xbf16> -> vector<16xf32>
          %mul3A_353 = arith.mulf %unpack3A_351, %get3A_6 : vector<16xf32>
          %add3A_354 = arith.addf %add3A_338, %mul3A_353 : vector<16xf32>
          %mul3A_355 = arith.mulf %unpack3A_352, %get3A_14 : vector<16xf32>
          %add3A_356 = arith.addf %add3A_340, %mul3A_355 : vector<16xf32>
          %get3A_357 = arith.index_cast %add3A_324 : i32 to index
          %get3A_358 = arith.constant 32 : index
          %get3A_359 = tpu.vector_load %arg10[%get3A_357, %get3A_358] {strides = array<i32>} : memref<80x64xi32, #tpu.memory_space<vmem>>, vector<16xi32>,
          %bitcast3A_360 = vector.bitcast %get3A_359 : vector<16xi32> to vector<32xbf16>
          %get3A_361 = arith.index_cast %add3A_324 : i32 to index
          %get3A_362 = arith.constant 32 : index
          %get3A_363 = tpu.vector_load %arg15[%get3A_361, %get3A_362] {strides = array<i32>} : memref<80x64xi32, #tpu.memory_space<vmem>>, vector<16xi32>,
          %bitcast3A_364 = vector.bitcast %get3A_363 : vector<16xi32> to vector<32xbf16>
          %sub3A_365 = arith.subf %bitcast3A_360, %bitcast3A_364 : vector<32xbf16>
          %abs3A_366 = math.absf %sub3A_365 : vector<32xbf16>
          %unpack3A_367 = tpu.unpack_subelements %abs3A_366, 0 {pack_format = #tpu.pack_format<interleaved>} : vector<32xbf16> -> vector<16xf32>
          %unpack3A_368 = tpu.unpack_subelements %abs3A_366, 1 {pack_format = #tpu.pack_format<interleaved>} : vector<32xbf16> -> vector<16xf32>
          %mul3A_369 = arith.mulf %unpack3A_367, %get3A_8 : vector<16xf32>
          %add3A_370 = arith.addf %add3A_354, %mul3A_369 : vector<16xf32>
          %mul3A_371 = arith.mulf %unpack3A_368, %get3A_16 : vector<16xf32>
          %add3A_372 = arith.addf %add3A_356, %mul3A_371 : vector<16xf32>
          %get3A_373 = arith.index_cast %add3A_324 : i32 to index
          %get3A_374 = arith.constant 48 : index
          %get3A_375 = tpu.vector_load %arg10[%get3A_373, %get3A_374] {strides = array<i32>} : memref<80x64xi32, #tpu.memory_space<vmem>>, vector<16xi32>,
          %bitcast3A_376 = vector.bitcast %get3A_375 : vector<16xi32> to vector<32xbf16>
          %get3A_377 = arith.index_cast %add3A_324 : i32 to index
          %get3A_378 = arith.constant 48 : index
          %get3A_379 = tpu.vector_load %arg15[%get3A_377, %get3A_378] {strides = array<i32>} : memref<80x64xi32, #tpu.memory_space<vmem>>, vector<16xi32>,
          %bitcast3A_380 = vector.bitcast %get3A_379 : vector<16xi32> to vector<32xbf16>
          %sub3A_381 = arith.subf %bitcast3A_376, %bitcast3A_380 : vector<32xbf16>
          %abs3A_382 = math.absf %sub3A_381 : vector<32xbf16>
          %unpack3A_383 = tpu.unpack_subelements %abs3A_382, 0 {pack_format = #tpu.pack_format<interleaved>} : vector<32xbf16> -> vector<16xf32>
          %unpack3A_384 = tpu.unpack_subelements %abs3A_382, 1 {pack_format = #tpu.pack_format<interleaved>} : vector<32xbf16> -> vector<16xf32>
          %mul3A_385 = arith.mulf %unpack3A_383, %get3A_10 : vector<16xf32>
          %add3A_386 = arith.addf %add3A_370, %mul3A_385 : vector<16xf32>
          %mul3A_387 = arith.mulf %unpack3A_384, %get3A_18 : vector<16xf32>
          %add3A_388 = arith.addf %add3A_372, %mul3A_387 : vector<16xf32>
          %add3A_389 = arith.addf %add3A_386, %add3A_388 : vector<16xf32>
          %reduce_sum3A_390 = arith.constant true
          %reduce_sum3A_391 = vector.broadcast %reduce_sum3A_390 : i1 to vector<16xi1>
          %reduce_sum3A_392 = tpu.scan <sum>, %add3A_389 masked %reduce_sum3A_391 : vector<16xf32>, vector<16xi1> -> vector<16xf32>
          %reduce_sum3A_393 = vector.extract %reduce_sum3A_392[15] : f32 from vector<16xf32>
          %eq3A_394 = vector.broadcast %add3A_321 : i32 to vector<16xi32>
          %eq3A_395 = arith.cmpi eq, %iota3A, %eq3A_394 : vector<16xi32>
          %broadcast_in_dim3A_396 = vector.broadcast %reduce_sum3A_393 : f32 to vector<16xf32>
          %select_n3A_397 = arith.select %eq3A_395, %broadcast_in_dim3A_396, %select_n3A : vector<16xi1>, vector<16xf32>
          %mul3A_398 = arith.constant 4 : i32
          %mul3A_399 = arith.muli %scan3A_242, %mul3A_398 : i32
          %add3A_400 = arith.constant 2 : i32
          %add3A_401 = arith.addi %mul3A_399, %add3A_400 : i32
          %mul3A_402 = arith.constant 16 : i32
          %mul3A_403 = arith.muli %scan3A_222, %mul3A_402 : i32
          %add3A_404 = arith.addi %mul3A_403, %add3A_401 : i32
          %get3A_405 = arith.index_cast %add3A_404 : i32 to index
          %get3A_406 = arith.constant 0 : index
          %get3A_407 = tpu.vector_load %arg10[%get3A_405, %get3A_406] {strides = array<i32>} : memref<80x64xi32, #tpu.memory_space<vmem>>, vector<16xi32>,
          %bitcast3A_408 = vector.bitcast %get3A_407 : vector<16xi32> to vector<32xbf16>
          %get3A_409 = arith.index_cast %add3A_404 : i32 to index
          %get3A_410 = arith.constant 0 : index
          %get3A_411 = tpu.vector_load %arg15[%get3A_409, %get3A_410] {strides = array<i32>} : memref<80x64xi32, #tpu.memory_space<vmem>>, vector<16xi32>,
          %bitcast3A_412 = vector.bitcast %get3A_411 : vector<16xi32> to vector<32xbf16>
          %sub3A_413 = arith.subf %bitcast3A_408, %bitcast3A_412 : vector<32xbf16>
          %abs3A_414 = math.absf %sub3A_413 : vector<32xbf16>
          %unpack3A_415 = tpu.unpack_subelements %abs3A_414, 0 {pack_format = #tpu.pack_format<interleaved>} : vector<32xbf16> -> vector<16xf32>
          %unpack3A_416 = tpu.unpack_subelements %abs3A_414, 1 {pack_format = #tpu.pack_format<interleaved>} : vector<32xbf16> -> vector<16xf32>
          %mul3A_417 = arith.mulf %unpack3A_415, %get3A_4 : vector<16xf32>
          %add3A_418 = arith.addf %broadcast_in_dim3A_3, %mul3A_417 : vector<16xf32>
          %mul3A_419 = arith.mulf %unpack3A_416, %get3A_12 : vector<16xf32>
          %add3A_420 = arith.addf %broadcast_in_dim3A_3, %mul3A_419 : vector<16xf32>
          %get3A_421 = arith.index_cast %add3A_404 : i32 to index
          %get3A_422 = arith.constant 16 : index
          %get3A_423 = tpu.vector_load %arg10[%get3A_421, %get3A_422] {strides = array<i32>} : memref<80x64xi32, #tpu.memory_space<vmem>>, vector<16xi32>,
          %bitcast3A_424 = vector.bitcast %get3A_423 : vector<16xi32> to vector<32xbf16>
          %get3A_425 = arith.index_cast %add3A_404 : i32 to index
          %get3A_426 = arith.constant 16 : index
          %get3A_427 = tpu.vector_load %arg15[%get3A_425, %get3A_426] {strides = array<i32>} : memref<80x64xi32, #tpu.memory_space<vmem>>, vector<16xi32>,
          %bitcast3A_428 = vector.bitcast %get3A_427 : vector<16xi32> to vector<32xbf16>
          %sub3A_429 = arith.subf %bitcast3A_424, %bitcast3A_428 : vector<32xbf16>
          %abs3A_430 = math.absf %sub3A_429 : vector<32xbf16>
          %unpack3A_431 = tpu.unpack_subelements %abs3A_430, 0 {pack_format = #tpu.pack_format<interleaved>} : vector<32xbf16> -> vector<16xf32>
          %unpack3A_432 = tpu.unpack_subelements %abs3A_430, 1 {pack_format = #tpu.pack_format<interleaved>} : vector<32xbf16> -> vector<16xf32>
          %mul3A_433 = arith.mulf %unpack3A_431, %get3A_6 : vector<16xf32>
          %add3A_434 = arith.addf %add3A_418, %mul3A_433 : vector<16xf32>
          %mul3A_435 = arith.mulf %unpack3A_432, %get3A_14 : vector<16xf32>
          %add3A_436 = arith.addf %add3A_420, %mul3A_435 : vector<16xf32>
          %get3A_437 = arith.index_cast %add3A_404 : i32 to index
          %get3A_438 = arith.constant 32 : index
          %get3A_439 = tpu.vector_load %arg10[%get3A_437, %get3A_438] {strides = array<i32>} : memref<80x64xi32, #tpu.memory_space<vmem>>, vector<16xi32>,
          %bitcast3A_440 = vector.bitcast %get3A_439 : vector<16xi32> to vector<32xbf16>
          %get3A_441 = arith.index_cast %add3A_404 : i32 to index
          %get3A_442 = arith.constant 32 : index
          %get3A_443 = tpu.vector_load %arg15[%get3A_441, %get3A_442] {strides = array<i32>} : memref<80x64xi32, #tpu.memory_space<vmem>>, vector<16xi32>,
          %bitcast3A_444 = vector.bitcast %get3A_443 : vector<16xi32> to vector<32xbf16>
          %sub3A_445 = arith.subf %bitcast3A_440, %bitcast3A_444 : vector<32xbf16>
          %abs3A_446 = math.absf %sub3A_445 : vector<32xbf16>
          %unpack3A_447 = tpu.unpack_subelements %abs3A_446, 0 {pack_format = #tpu.pack_format<interleaved>} : vector<32xbf16> -> vector<16xf32>
          %unpack3A_448 = tpu.unpack_subelements %abs3A_446, 1 {pack_format = #tpu.pack_format<interleaved>} : vector<32xbf16> -> vector<16xf32>
          %mul3A_449 = arith.mulf %unpack3A_447, %get3A_8 : vector<16xf32>
          %add3A_450 = arith.addf %add3A_434, %mul3A_449 : vector<16xf32>
          %mul3A_451 = arith.mulf %unpack3A_448, %get3A_16 : vector<16xf32>
          %add3A_452 = arith.addf %add3A_436, %mul3A_451 : vector<16xf32>
          %get3A_453 = arith.index_cast %add3A_404 : i32 to index
          %get3A_454 = arith.constant 48 : index
          %get3A_455 = tpu.vector_load %arg10[%get3A_453, %get3A_454] {strides = array<i32>} : memref<80x64xi32, #tpu.memory_space<vmem>>, vector<16xi32>,
          %bitcast3A_456 = vector.bitcast %get3A_455 : vector<16xi32> to vector<32xbf16>
          %get3A_457 = arith.index_cast %add3A_404 : i32 to index
          %get3A_458 = arith.constant 48 : index
          %get3A_459 = tpu.vector_load %arg15[%get3A_457, %get3A_458] {strides = array<i32>} : memref<80x64xi32, #tpu.memory_space<vmem>>, vector<16xi32>,
          %bitcast3A_460 = vector.bitcast %get3A_459 : vector<16xi32> to vector<32xbf16>
          %sub3A_461 = arith.subf %bitcast3A_456, %bitcast3A_460 : vector<32xbf16>
          %abs3A_462 = math.absf %sub3A_461 : vector<32xbf16>
          %unpack3A_463 = tpu.unpack_subelements %abs3A_462, 0 {pack_format = #tpu.pack_format<interleaved>} : vector<32xbf16> -> vector<16xf32>
          %unpack3A_464 = tpu.unpack_subelements %abs3A_462, 1 {pack_format = #tpu.pack_format<interleaved>} : vector<32xbf16> -> vector<16xf32>
          %mul3A_465 = arith.mulf %unpack3A_463, %get3A_10 : vector<16xf32>
          %add3A_466 = arith.addf %add3A_450, %mul3A_465 : vector<16xf32>
          %mul3A_467 = arith.mulf %unpack3A_464, %get3A_18 : vector<16xf32>
          %add3A_468 = arith.addf %add3A_452, %mul3A_467 : vector<16xf32>
          %add3A_469 = arith.addf %add3A_466, %add3A_468 : vector<16xf32>
          %reduce_sum3A_470 = arith.constant true
          %reduce_sum3A_471 = vector.broadcast %reduce_sum3A_470 : i1 to vector<16xi1>
          %reduce_sum3A_472 = tpu.scan <sum>, %add3A_469 masked %reduce_sum3A_471 : vector<16xf32>, vector<16xi1> -> vector<16xf32>
          %reduce_sum3A_473 = vector.extract %reduce_sum3A_472[15] : f32 from vector<16xf32>
          %eq3A_474 = vector.broadcast %add3A_401 : i32 to vector<16xi32>
          %eq3A_475 = arith.cmpi eq, %iota3A, %eq3A_474 : vector<16xi32>
          %broadcast_in_dim3A_476 = vector.broadcast %reduce_sum3A_473 : f32 to vector<16xf32>
          %select_n3A_477 = arith.select %eq3A_475, %broadcast_in_dim3A_476, %select_n3A_397 : vector<16xi1>, vector<16xf32>
          %mul3A_478 = arith.constant 4 : i32
          %mul3A_479 = arith.muli %scan3A_242, %mul3A_478 : i32
          %add3A_480 = arith.constant 3 : i32
          %add3A_481 = arith.addi %mul3A_479, %add3A_480 : i32
          %mul3A_482 = arith.constant 16 : i32
          %mul3A_483 = arith.muli %scan3A_222, %mul3A_482 : i32
          %add3A_484 = arith.addi %mul3A_483, %add3A_481 : i32
          %get3A_485 = arith.index_cast %add3A_484 : i32 to index
          %get3A_486 = arith.constant 0 : index
          %get3A_487 = tpu.vector_load %arg10[%get3A_485, %get3A_486] {strides = array<i32>} : memref<80x64xi32, #tpu.memory_space<vmem>>, vector<16xi32>,
          %bitcast3A_488 = vector.bitcast %get3A_487 : vector<16xi32> to vector<32xbf16>
          %get3A_489 = arith.index_cast %add3A_484 : i32 to index
          %get3A_490 = arith.constant 0 : index
          %get3A_491 = tpu.vector_load %arg15[%get3A_489, %get3A_490] {strides = array<i32>} : memref<80x64xi32, #tpu.memory_space<vmem>>, vector<16xi32>,
          %bitcast3A_492 = vector.bitcast %get3A_491 : vector<16xi32> to vector<32xbf16>
          %sub3A_493 = arith.subf %bitcast3A_488, %bitcast3A_492 : vector<32xbf16>
          %abs3A_494 = math.absf %sub3A_493 : vector<32xbf16>
          %unpack3A_495 = tpu.unpack_subelements %abs3A_494, 0 {pack_format = #tpu.pack_format<interleaved>} : vector<32xbf16> -> vector<16xf32>
          %unpack3A_496 = tpu.unpack_subelements %abs3A_494, 1 {pack_format = #tpu.pack_format<interleaved>} : vector<32xbf16> -> vector<16xf32>
          %mul3A_497 = arith.mulf %unpack3A_495, %get3A_4 : vector<16xf32>
          %add3A_498 = arith.addf %broadcast_in_dim3A_3, %mul3A_497 : vector<16xf32>
          %mul3A_499 = arith.mulf %unpack3A_496, %get3A_12 : vector<16xf32>
          %add3A_500 = arith.addf %broadcast_in_dim3A_3, %mul3A_499 : vector<16xf32>
          %get3A_501 = arith.index_cast %add3A_484 : i32 to index
          %get3A_502 = arith.constant 16 : index
          %get3A_503 = tpu.vector_load %arg10[%get3A_501, %get3A_502] {strides = array<i32>} : memref<80x64xi32, #tpu.memory_space<vmem>>, vector<16xi32>,
          %bitcast3A_504 = vector.bitcast %get3A_503 : vector<16xi32> to vector<32xbf16>
          %get3A_505 = arith.index_cast %add3A_484 : i32 to index
          %get3A_506 = arith.constant 16 : index
          %get3A_507 = tpu.vector_load %arg15[%get3A_505, %get3A_506] {strides = array<i32>} : memref<80x64xi32, #tpu.memory_space<vmem>>, vector<16xi32>,
          %bitcast3A_508 = vector.bitcast %get3A_507 : vector<16xi32> to vector<32xbf16>
          %sub3A_509 = arith.subf %bitcast3A_504, %bitcast3A_508 : vector<32xbf16>
          %abs3A_510 = math.absf %sub3A_509 : vector<32xbf16>
          %unpack3A_511 = tpu.unpack_subelements %abs3A_510, 0 {pack_format = #tpu.pack_format<interleaved>} : vector<32xbf16> -> vector<16xf32>
          %unpack3A_512 = tpu.unpack_subelements %abs3A_510, 1 {pack_format = #tpu.pack_format<interleaved>} : vector<32xbf16> -> vector<16xf32>
          %mul3A_513 = arith.mulf %unpack3A_511, %get3A_6 : vector<16xf32>
          %add3A_514 = arith.addf %add3A_498, %mul3A_513 : vector<16xf32>
          %mul3A_515 = arith.mulf %unpack3A_512, %get3A_14 : vector<16xf32>
          %add3A_516 = arith.addf %add3A_500, %mul3A_515 : vector<16xf32>
          %get3A_517 = arith.index_cast %add3A_484 : i32 to index
          %get3A_518 = arith.constant 32 : index
          %get3A_519 = tpu.vector_load %arg10[%get3A_517, %get3A_518] {strides = array<i32>} : memref<80x64xi32, #tpu.memory_space<vmem>>, vector<16xi32>,
          %bitcast3A_520 = vector.bitcast %get3A_519 : vector<16xi32> to vector<32xbf16>
          %get3A_521 = arith.index_cast %add3A_484 : i32 to index
          %get3A_522 = arith.constant 32 : index
          %get3A_523 = tpu.vector_load %arg15[%get3A_521, %get3A_522] {strides = array<i32>} : memref<80x64xi32, #tpu.memory_space<vmem>>, vector<16xi32>,
          %bitcast3A_524 = vector.bitcast %get3A_523 : vector<16xi32> to vector<32xbf16>
          %sub3A_525 = arith.subf %bitcast3A_520, %bitcast3A_524 : vector<32xbf16>
          %abs3A_526 = math.absf %sub3A_525 : vector<32xbf16>
          %unpack3A_527 = tpu.unpack_subelements %abs3A_526, 0 {pack_format = #tpu.pack_format<interleaved>} : vector<32xbf16> -> vector<16xf32>
          %unpack3A_528 = tpu.unpack_subelements %abs3A_526, 1 {pack_format = #tpu.pack_format<interleaved>} : vector<32xbf16> -> vector<16xf32>
          %mul3A_529 = arith.mulf %unpack3A_527, %get3A_8 : vector<16xf32>
          %add3A_530 = arith.addf %add3A_514, %mul3A_529 : vector<16xf32>
          %mul3A_531 = arith.mulf %unpack3A_528, %get3A_16 : vector<16xf32>
          %add3A_532 = arith.addf %add3A_516, %mul3A_531 : vector<16xf32>
          %get3A_533 = arith.index_cast %add3A_484 : i32 to index
          %get3A_534 = arith.constant 48 : index
          %get3A_535 = tpu.vector_load %arg10[%get3A_533, %get3A_534] {strides = array<i32>} : memref<80x64xi32, #tpu.memory_space<vmem>>, vector<16xi32>,
          %bitcast3A_536 = vector.bitcast %get3A_535 : vector<16xi32> to vector<32xbf16>
          %get3A_537 = arith.index_cast %add3A_484 : i32 to index
          %get3A_538 = arith.constant 48 : index
          %get3A_539 = tpu.vector_load %arg15[%get3A_537, %get3A_538] {strides = array<i32>} : memref<80x64xi32, #tpu.memory_space<vmem>>, vector<16xi32>,
          %bitcast3A_540 = vector.bitcast %get3A_539 : vector<16xi32> to vector<32xbf16>
          %sub3A_541 = arith.subf %bitcast3A_536, %bitcast3A_540 : vector<32xbf16>
          %abs3A_542 = math.absf %sub3A_541 : vector<32xbf16>
          %unpack3A_543 = tpu.unpack_subelements %abs3A_542, 0 {pack_format = #tpu.pack_format<interleaved>} : vector<32xbf16> -> vector<16xf32>
          %unpack3A_544 = tpu.unpack_subelements %abs3A_542, 1 {pack_format = #tpu.pack_format<interleaved>} : vector<32xbf16> -> vector<16xf32>
          %mul3A_545 = arith.mulf %unpack3A_543, %get3A_10 : vector<16xf32>
          %add3A_546 = arith.addf %add3A_530, %mul3A_545 : vector<16xf32>
          %mul3A_547 = arith.mulf %unpack3A_544, %get3A_18 : vector<16xf32>
          %add3A_548 = arith.addf %add3A_532, %mul3A_547 : vector<16xf32>
          %add3A_549 = arith.addf %add3A_546, %add3A_548 : vector<16xf32>
          %reduce_sum3A_550 = arith.constant true
          %reduce_sum3A_551 = vector.broadcast %reduce_sum3A_550 : i1 to vector<16xi1>
          %reduce_sum3A_552 = tpu.scan <sum>, %add3A_549 masked %reduce_sum3A_551 : vector<16xf32>, vector<16xi1> -> vector<16xf32>
          %reduce_sum3A_553 = vector.extract %reduce_sum3A_552[15] : f32 from vector<16xf32>
          %eq3A_554 = vector.broadcast %add3A_481 : i32 to vector<16xi32>
          %eq3A_555 = arith.cmpi eq, %iota3A, %eq3A_554 : vector<16xi32>
          %broadcast_in_dim3A_556 = vector.broadcast %reduce_sum3A_553 : f32 to vector<16xf32>
          %select_n3A_557 = arith.select %eq3A_555, %broadcast_in_dim3A_556, %select_n3A_477 : vector<16xi1>, vector<16xf32>
          scf.yield %select_n3A_557 : vector<16xf32>
        }
        %scan3A_229 = arith.constant 4 : i32
        %neg3A = arith.constant 0.000000e+00 : f32
        %neg3A_230 = vector.broadcast %neg3A : f32 to vector<16xf32>
        %neg3A_231 = arith.subf %neg3A_230, %scan3A_228 : vector<16xf32>
        %exp3A = math.exp %neg3A_231 : vector<16xf32>
        %add3A_232 = arith.constant 1.000000e+00 : f32
        %add3A_233 = vector.broadcast %add3A_232 : f32 to vector<16xf32>
        %add3A_234 = arith.addf %add3A_233, %exp3A : vector<16xf32>
        %div3A = arith.constant 1.000000e+00 : f32
        %div3A_235 = vector.broadcast %div3A : f32 to vector<16xf32>
        %div3A_236 = arith.divf %div3A_235, %add3A_234 : vector<16xf32>
        %mul3A_237 = arith.constant 16 : i32
        %mul3A_238 = arith.muli %scan3A_222, %mul3A_237 : i32
        %add3A_239 = arith.addi %mul3A_181, %mul3A_238 : i32
        %swap3A = arith.index_cast %add3A_239 : i32 to index
        %swap3A_240 = tpu.vector_load %arg20[%swap3A] {strides = array<i32>} : memref<10000xf32, #tpu.memory_space<vmem>>, vector<16xf32>,
        tpu.vector_store %arg20[%swap3A], %div3A_236 {strides = array<i32>} : memref<10000xf32, #tpu.memory_space<vmem>>, vector<16xf32>,
        %scan3A_241 = arith.constant 0 : i32
        scf.yield %scan3A_241 : i32
      }
      %scan3A_188 = arith.constant 5 : i32
      %mul3A_189 = arith.constant 5 : i32
      %mul3A_190 = arith.muli %mul3A_189, %scan3A_64 : i32
      %add3A_191 = arith.constant 4 : i32
      %add3A_192 = arith.addi %mul3A_190, %add3A_191 : i32
      %dma_wait3A_193 = arith.constant 0 : i32
      %dma_wait3A_194 = tpu.memref_slice %arg17[%dma_wait3A_193] : memref<10000xi32, #tpu.memory_space<vmem>> -> memref<80xi32, #tpu.memory_space<vmem>>
      %dma_wait3A_195 = arith.constant 0 : i32
      %dma_wait3A_196 = arith.constant 0 : i32
      %dma_wait3A_197 = tpu.memref_slice %arg2[%dma_wait3A_195, %dma_wait3A_196] : memref<10000x64xi32, #tpu.memory_space<hbm>> -> memref<10000x64xi32, #tpu.memory_space<hbm>>
      tpu.wait_indirect_dma semaphore(%arg25 : memref<!tpu.dma_semaphore, #tpu.memory_space<semaphore_mem>>) src(%dma_wait3A_197 : memref<10000x64xi32, #tpu.memory_space<hbm>>) dst(%arg11 : memref<80x64xi32, #tpu.memory_space<vmem>>)
      %dma_wait3A_198 = arith.constant 0 : i32
      %dma_wait3A_199 = tpu.memref_slice %arg18[%dma_wait3A_198] : memref<10000xi32, #tpu.memory_space<vmem>> -> memref<80xi32, #tpu.memory_space<vmem>>
      %dma_wait3A_200 = arith.constant 0 : i32
      %dma_wait3A_201 = arith.constant 0 : i32
      %dma_wait3A_202 = tpu.memref_slice %arg2[%dma_wait3A_200, %dma_wait3A_201] : memref<10000x64xi32, #tpu.memory_space<hbm>> -> memref<10000x64xi32, #tpu.memory_space<hbm>>
      tpu.wait_indirect_dma semaphore(%arg30 : memref<!tpu.dma_semaphore, #tpu.memory_space<semaphore_mem>>) src(%dma_wait3A_202 : memref<10000x64xi32, #tpu.memory_space<hbm>>) dst(%arg16 : memref<80x64xi32, #tpu.memory_space<vmem>>)
      %add3A_203 = arith.constant 5 : i32
      %add3A_204 = arith.addi %add3A_192, %add3A_203 : i32
      %sub3A_205 = arith.constant 1 : i32
      %sub3A_206 = arith.subi %add3A_204, %sub3A_205 : i32
      %lt3A_207 = arith.constant 125 : i32
      %lt3A_208 = arith.cmpi slt, %sub3A_206, %lt3A_207 : i32
      %convert_element_type3A_209 = arith.extui %lt3A_208 : i1 to i32
      %cond3A_210 = arith.constant 0 : i32
      %cond3A_211 = arith.cmpi ne, %convert_element_type3A_209, %cond3A_210 : i32
      scf.if %cond3A_211 {
        %mul3A_222 = arith.constant 80 : i32
        %mul3A_223 = arith.muli %sub3A_206, %mul3A_222 : i32
        %dma_start3A_224 = tpu.memref_slice %arg17[%mul3A_223] : memref<10000xi32, #tpu.memory_space<vmem>> -> memref<80xi32, #tpu.memory_space<vmem>>
        %dma_start3A_225 = arith.constant 0 : i32
        %dma_start3A_226 = arith.constant 0 : i32
        %dma_start3A_227 = tpu.memref_slice %arg2[%dma_start3A_225, %dma_start3A_226] : memref<10000x64xi32, #tpu.memory_space<hbm>> -> memref<10000x64xi32, #tpu.memory_space<hbm>>
        tpu.enqueue_indirect_dma source(%dma_start3A_227 : memref<10000x64xi32, #tpu.memory_space<hbm>>) target(%arg10 : memref<80x64xi32, #tpu.memory_space<vmem>>) offsets(%dma_start3A_224 : memref<80xi32, #tpu.memory_space<vmem>>) semaphore(%arg24 : memref<!tpu.dma_semaphore, #tpu.memory_space<semaphore_mem>>)
        %dma_start3A_228 = tpu.memref_slice %arg18[%mul3A_223] : memref<10000xi32, #tpu.memory_space<vmem>> -> memref<80xi32, #tpu.memory_space<vmem>>
        %dma_start3A_229 = arith.constant 0 : i32
        %dma_start3A_230 = arith.constant 0 : i32
        %dma_start3A_231 = tpu.memref_slice %arg2[%dma_start3A_229, %dma_start3A_230] : memref<10000x64xi32, #tpu.memory_space<hbm>> -> memref<10000x64xi32, #tpu.memory_space<hbm>>
        tpu.enqueue_indirect_dma source(%dma_start3A_231 : memref<10000x64xi32, #tpu.memory_space<hbm>>) target(%arg15 : memref<80x64xi32, #tpu.memory_space<vmem>>) offsets(%dma_start3A_228 : memref<80xi32, #tpu.memory_space<vmem>>) semaphore(%arg29 : memref<!tpu.dma_semaphore, #tpu.memory_space<semaphore_mem>>)
      } else {
      }
      %mul3A_212 = arith.constant 80 : i32
      %mul3A_213 = arith.muli %add3A_192, %mul3A_212 : i32
      %scan3A_214 = arith.constant 0 : i32
      %scan3A_215 = arith.constant 0 : i32
      %scan3A_216 = arith.constant 5 : i32
      %scan3A_217 = arith.addi %scan3A_215, %scan3A_216 : i32
      %scan3A_218 = arith.constant 1 : i32
      %scan3A_219 = scf.for %scan3A_222 = %scan3A_215 to %scan3A_217 step %scan3A_218 iter_args(%scan3A_223 = %scan3A_214) -> (i32)  : i32 {
        %scan3A_224 = arith.constant 0 : i32
        %scan3A_225 = arith.constant 4 : i32
        %scan3A_226 = arith.addi %scan3A_224, %scan3A_225 : i32
        %scan3A_227 = arith.constant 1 : i32
        %scan3A_228 = scf.for %scan3A_242 = %scan3A_224 to %scan3A_226 step %scan3A_227 iter_args(%scan3A_243 = %broadcast_in_dim3A_3) -> (vector<16xf32>)  : i32 {
          %mul3A_244 = arith.constant 4 : i32
          %mul3A_245 = arith.muli %scan3A_242, %mul3A_244 : i32
          %add3A_246 = arith.constant 0 : i32
          %add3A_247 = arith.addi %mul3A_245, %add3A_246 : i32
          %mul3A_248 = arith.constant 16 : i32
          %mul3A_249 = arith.muli %scan3A_222, %mul3A_248 : i32
          %add3A_250 = arith.addi %mul3A_249, %add3A_247 : i32
          %get3A_251 = arith.index_cast %add3A_250 : i32 to index
          %get3A_252 = arith.constant 0 : index
          %get3A_253 = tpu.vector_load %arg11[%get3A_251, %get3A_252] {strides = array<i32>} : memref<80x64xi32, #tpu.memory_space<vmem>>, vector<16xi32>,
          %bitcast3A = vector.bitcast %get3A_253 : vector<16xi32> to vector<32xbf16>
          %get3A_254 = arith.index_cast %add3A_250 : i32 to index
          %get3A_255 = arith.constant 0 : index
          %get3A_256 = tpu.vector_load %arg16[%get3A_254, %get3A_255] {strides = array<i32>} : memref<80x64xi32, #tpu.memory_space<vmem>>, vector<16xi32>,
          %bitcast3A_257 = vector.bitcast %get3A_256 : vector<16xi32> to vector<32xbf16>
          %sub3A_258 = arith.subf %bitcast3A, %bitcast3A_257 : vector<32xbf16>
          %abs3A = math.absf %sub3A_258 : vector<32xbf16>
          %unpack3A = tpu.unpack_subelements %abs3A, 0 {pack_format = #tpu.pack_format<interleaved>} : vector<32xbf16> -> vector<16xf32>
          %unpack3A_259 = tpu.unpack_subelements %abs3A, 1 {pack_format = #tpu.pack_format<interleaved>} : vector<32xbf16> -> vector<16xf32>
          %mul3A_260 = arith.mulf %unpack3A, %get3A_4 : vector<16xf32>
          %add3A_261 = arith.addf %broadcast_in_dim3A_3, %mul3A_260 : vector<16xf32>
          %mul3A_262 = arith.mulf %unpack3A_259, %get3A_12 : vector<16xf32>
          %add3A_263 = arith.addf %broadcast_in_dim3A_3, %mul3A_262 : vector<16xf32>
          %get3A_264 = arith.index_cast %add3A_250 : i32 to index
          %get3A_265 = arith.constant 16 : index
          %get3A_266 = tpu.vector_load %arg11[%get3A_264, %get3A_265] {strides = array<i32>} : memref<80x64xi32, #tpu.memory_space<vmem>>, vector<16xi32>,
          %bitcast3A_267 = vector.bitcast %get3A_266 : vector<16xi32> to vector<32xbf16>
          %get3A_268 = arith.index_cast %add3A_250 : i32 to index
          %get3A_269 = arith.constant 16 : index
          %get3A_270 = tpu.vector_load %arg16[%get3A_268, %get3A_269] {strides = array<i32>} : memref<80x64xi32, #tpu.memory_space<vmem>>, vector<16xi32>,
          %bitcast3A_271 = vector.bitcast %get3A_270 : vector<16xi32> to vector<32xbf16>
          %sub3A_272 = arith.subf %bitcast3A_267, %bitcast3A_271 : vector<32xbf16>
          %abs3A_273 = math.absf %sub3A_272 : vector<32xbf16>
          %unpack3A_274 = tpu.unpack_subelements %abs3A_273, 0 {pack_format = #tpu.pack_format<interleaved>} : vector<32xbf16> -> vector<16xf32>
          %unpack3A_275 = tpu.unpack_subelements %abs3A_273, 1 {pack_format = #tpu.pack_format<interleaved>} : vector<32xbf16> -> vector<16xf32>
          %mul3A_276 = arith.mulf %unpack3A_274, %get3A_6 : vector<16xf32>
          %add3A_277 = arith.addf %add3A_261, %mul3A_276 : vector<16xf32>
          %mul3A_278 = arith.mulf %unpack3A_275, %get3A_14 : vector<16xf32>
          %add3A_279 = arith.addf %add3A_263, %mul3A_278 : vector<16xf32>
          %get3A_280 = arith.index_cast %add3A_250 : i32 to index
          %get3A_281 = arith.constant 32 : index
          %get3A_282 = tpu.vector_load %arg11[%get3A_280, %get3A_281] {strides = array<i32>} : memref<80x64xi32, #tpu.memory_space<vmem>>, vector<16xi32>,
          %bitcast3A_283 = vector.bitcast %get3A_282 : vector<16xi32> to vector<32xbf16>
          %get3A_284 = arith.index_cast %add3A_250 : i32 to index
          %get3A_285 = arith.constant 32 : index
          %get3A_286 = tpu.vector_load %arg16[%get3A_284, %get3A_285] {strides = array<i32>} : memref<80x64xi32, #tpu.memory_space<vmem>>, vector<16xi32>,
          %bitcast3A_287 = vector.bitcast %get3A_286 : vector<16xi32> to vector<32xbf16>
          %sub3A_288 = arith.subf %bitcast3A_283, %bitcast3A_287 : vector<32xbf16>
          %abs3A_289 = math.absf %sub3A_288 : vector<32xbf16>
          %unpack3A_290 = tpu.unpack_subelements %abs3A_289, 0 {pack_format = #tpu.pack_format<interleaved>} : vector<32xbf16> -> vector<16xf32>
          %unpack3A_291 = tpu.unpack_subelements %abs3A_289, 1 {pack_format = #tpu.pack_format<interleaved>} : vector<32xbf16> -> vector<16xf32>
          %mul3A_292 = arith.mulf %unpack3A_290, %get3A_8 : vector<16xf32>
          %add3A_293 = arith.addf %add3A_277, %mul3A_292 : vector<16xf32>
          %mul3A_294 = arith.mulf %unpack3A_291, %get3A_16 : vector<16xf32>
          %add3A_295 = arith.addf %add3A_279, %mul3A_294 : vector<16xf32>
          %get3A_296 = arith.index_cast %add3A_250 : i32 to index
          %get3A_297 = arith.constant 48 : index
          %get3A_298 = tpu.vector_load %arg11[%get3A_296, %get3A_297] {strides = array<i32>} : memref<80x64xi32, #tpu.memory_space<vmem>>, vector<16xi32>,
          %bitcast3A_299 = vector.bitcast %get3A_298 : vector<16xi32> to vector<32xbf16>
          %get3A_300 = arith.index_cast %add3A_250 : i32 to index
          %get3A_301 = arith.constant 48 : index
          %get3A_302 = tpu.vector_load %arg16[%get3A_300, %get3A_301] {strides = array<i32>} : memref<80x64xi32, #tpu.memory_space<vmem>>, vector<16xi32>,
          %bitcast3A_303 = vector.bitcast %get3A_302 : vector<16xi32> to vector<32xbf16>
          %sub3A_304 = arith.subf %bitcast3A_299, %bitcast3A_303 : vector<32xbf16>
          %abs3A_305 = math.absf %sub3A_304 : vector<32xbf16>
          %unpack3A_306 = tpu.unpack_subelements %abs3A_305, 0 {pack_format = #tpu.pack_format<interleaved>} : vector<32xbf16> -> vector<16xf32>
          %unpack3A_307 = tpu.unpack_subelements %abs3A_305, 1 {pack_format = #tpu.pack_format<interleaved>} : vector<32xbf16> -> vector<16xf32>
          %mul3A_308 = arith.mulf %unpack3A_306, %get3A_10 : vector<16xf32>
          %add3A_309 = arith.addf %add3A_293, %mul3A_308 : vector<16xf32>
          %mul3A_310 = arith.mulf %unpack3A_307, %get3A_18 : vector<16xf32>
          %add3A_311 = arith.addf %add3A_295, %mul3A_310 : vector<16xf32>
          %add3A_312 = arith.addf %add3A_309, %add3A_311 : vector<16xf32>
          %reduce_sum3A = arith.constant true
          %reduce_sum3A_313 = vector.broadcast %reduce_sum3A : i1 to vector<16xi1>
          %reduce_sum3A_314 = tpu.scan <sum>, %add3A_312 masked %reduce_sum3A_313 : vector<16xf32>, vector<16xi1> -> vector<16xf32>
          %reduce_sum3A_315 = vector.extract %reduce_sum3A_314[15] : f32 from vector<16xf32>
          %eq3A = vector.broadcast %add3A_247 : i32 to vector<16xi32>
          %eq3A_316 = arith.cmpi eq, %iota3A, %eq3A : vector<16xi32>
          %broadcast_in_dim3A_317 = vector.broadcast %reduce_sum3A_315 : f32 to vector<16xf32>
          %select_n3A = arith.select %eq3A_316, %broadcast_in_dim3A_317, %scan3A_243 : vector<16xi1>, vector<16xf32>
          %mul3A_318 = arith.constant 4 : i32
          %mul3A_319 = arith.muli %scan3A_242, %mul3A_318 : i32
          %add3A_320 = arith.constant 1 : i32
          %add3A_321 = arith.addi %mul3A_319, %add3A_320 : i32
          %mul3A_322 = arith.constant 16 : i32
          %mul3A_323 = arith.muli %scan3A_222, %mul3A_322 : i32
          %add3A_324 = arith.addi %mul3A_323, %add3A_321 : i32
          %get3A_325 = arith.index_cast %add3A_324 : i32 to index
          %get3A_326 = arith.constant 0 : index
          %get3A_327 = tpu.vector_load %arg11[%get3A_325, %get3A_326] {strides = array<i32>} : memref<80x64xi32, #tpu.memory_space<vmem>>, vector<16xi32>,
          %bitcast3A_328 = vector.bitcast %get3A_327 : vector<16xi32> to vector<32xbf16>
          %get3A_329 = arith.index_cast %add3A_324 : i32 to index
          %get3A_330 = arith.constant 0 : index
          %get3A_331 = tpu.vector_load %arg16[%get3A_329, %get3A_330] {strides = array<i32>} : memref<80x64xi32, #tpu.memory_space<vmem>>, vector<16xi32>,
          %bitcast3A_332 = vector.bitcast %get3A_331 : vector<16xi32> to vector<32xbf16>
          %sub3A_333 = arith.subf %bitcast3A_328, %bitcast3A_332 : vector<32xbf16>
          %abs3A_334 = math.absf %sub3A_333 : vector<32xbf16>
          %unpack3A_335 = tpu.unpack_subelements %abs3A_334, 0 {pack_format = #tpu.pack_format<interleaved>} : vector<32xbf16> -> vector<16xf32>
          %unpack3A_336 = tpu.unpack_subelements %abs3A_334, 1 {pack_format = #tpu.pack_format<interleaved>} : vector<32xbf16> -> vector<16xf32>
          %mul3A_337 = arith.mulf %unpack3A_335, %get3A_4 : vector<16xf32>
          %add3A_338 = arith.addf %broadcast_in_dim3A_3, %mul3A_337 : vector<16xf32>
          %mul3A_339 = arith.mulf %unpack3A_336, %get3A_12 : vector<16xf32>
          %add3A_340 = arith.addf %broadcast_in_dim3A_3, %mul3A_339 : vector<16xf32>
          %get3A_341 = arith.index_cast %add3A_324 : i32 to index
          %get3A_342 = arith.constant 16 : index
          %get3A_343 = tpu.vector_load %arg11[%get3A_341, %get3A_342] {strides = array<i32>} : memref<80x64xi32, #tpu.memory_space<vmem>>, vector<16xi32>,
          %bitcast3A_344 = vector.bitcast %get3A_343 : vector<16xi32> to vector<32xbf16>
          %get3A_345 = arith.index_cast %add3A_324 : i32 to index
          %get3A_346 = arith.constant 16 : index
          %get3A_347 = tpu.vector_load %arg16[%get3A_345, %get3A_346] {strides = array<i32>} : memref<80x64xi32, #tpu.memory_space<vmem>>, vector<16xi32>,
          %bitcast3A_348 = vector.bitcast %get3A_347 : vector<16xi32> to vector<32xbf16>
          %sub3A_349 = arith.subf %bitcast3A_344, %bitcast3A_348 : vector<32xbf16>
          %abs3A_350 = math.absf %sub3A_349 : vector<32xbf16>
          %unpack3A_351 = tpu.unpack_subelements %abs3A_350, 0 {pack_format = #tpu.pack_format<interleaved>} : vector<32xbf16> -> vector<16xf32>
          %unpack3A_352 = tpu.unpack_subelements %abs3A_350, 1 {pack_format = #tpu.pack_format<interleaved>} : vector<32xbf16> -> vector<16xf32>
          %mul3A_353 = arith.mulf %unpack3A_351, %get3A_6 : vector<16xf32>
          %add3A_354 = arith.addf %add3A_338, %mul3A_353 : vector<16xf32>
          %mul3A_355 = arith.mulf %unpack3A_352, %get3A_14 : vector<16xf32>
          %add3A_356 = arith.addf %add3A_340, %mul3A_355 : vector<16xf32>
          %get3A_357 = arith.index_cast %add3A_324 : i32 to index
          %get3A_358 = arith.constant 32 : index
          %get3A_359 = tpu.vector_load %arg11[%get3A_357, %get3A_358] {strides = array<i32>} : memref<80x64xi32, #tpu.memory_space<vmem>>, vector<16xi32>,
          %bitcast3A_360 = vector.bitcast %get3A_359 : vector<16xi32> to vector<32xbf16>
          %get3A_361 = arith.index_cast %add3A_324 : i32 to index
          %get3A_362 = arith.constant 32 : index
          %get3A_363 = tpu.vector_load %arg16[%get3A_361, %get3A_362] {strides = array<i32>} : memref<80x64xi32, #tpu.memory_space<vmem>>, vector<16xi32>,
          %bitcast3A_364 = vector.bitcast %get3A_363 : vector<16xi32> to vector<32xbf16>
          %sub3A_365 = arith.subf %bitcast3A_360, %bitcast3A_364 : vector<32xbf16>
          %abs3A_366 = math.absf %sub3A_365 : vector<32xbf16>
          %unpack3A_367 = tpu.unpack_subelements %abs3A_366, 0 {pack_format = #tpu.pack_format<interleaved>} : vector<32xbf16> -> vector<16xf32>
          %unpack3A_368 = tpu.unpack_subelements %abs3A_366, 1 {pack_format = #tpu.pack_format<interleaved>} : vector<32xbf16> -> vector<16xf32>
          %mul3A_369 = arith.mulf %unpack3A_367, %get3A_8 : vector<16xf32>
          %add3A_370 = arith.addf %add3A_354, %mul3A_369 : vector<16xf32>
          %mul3A_371 = arith.mulf %unpack3A_368, %get3A_16 : vector<16xf32>
          %add3A_372 = arith.addf %add3A_356, %mul3A_371 : vector<16xf32>
          %get3A_373 = arith.index_cast %add3A_324 : i32 to index
          %get3A_374 = arith.constant 48 : index
          %get3A_375 = tpu.vector_load %arg11[%get3A_373, %get3A_374] {strides = array<i32>} : memref<80x64xi32, #tpu.memory_space<vmem>>, vector<16xi32>,
          %bitcast3A_376 = vector.bitcast %get3A_375 : vector<16xi32> to vector<32xbf16>
          %get3A_377 = arith.index_cast %add3A_324 : i32 to index
          %get3A_378 = arith.constant 48 : index
          %get3A_379 = tpu.vector_load %arg16[%get3A_377, %get3A_378] {strides = array<i32>} : memref<80x64xi32, #tpu.memory_space<vmem>>, vector<16xi32>,
          %bitcast3A_380 = vector.bitcast %get3A_379 : vector<16xi32> to vector<32xbf16>
          %sub3A_381 = arith.subf %bitcast3A_376, %bitcast3A_380 : vector<32xbf16>
          %abs3A_382 = math.absf %sub3A_381 : vector<32xbf16>
          %unpack3A_383 = tpu.unpack_subelements %abs3A_382, 0 {pack_format = #tpu.pack_format<interleaved>} : vector<32xbf16> -> vector<16xf32>
          %unpack3A_384 = tpu.unpack_subelements %abs3A_382, 1 {pack_format = #tpu.pack_format<interleaved>} : vector<32xbf16> -> vector<16xf32>
          %mul3A_385 = arith.mulf %unpack3A_383, %get3A_10 : vector<16xf32>
          %add3A_386 = arith.addf %add3A_370, %mul3A_385 : vector<16xf32>
          %mul3A_387 = arith.mulf %unpack3A_384, %get3A_18 : vector<16xf32>
          %add3A_388 = arith.addf %add3A_372, %mul3A_387 : vector<16xf32>
          %add3A_389 = arith.addf %add3A_386, %add3A_388 : vector<16xf32>
          %reduce_sum3A_390 = arith.constant true
          %reduce_sum3A_391 = vector.broadcast %reduce_sum3A_390 : i1 to vector<16xi1>
          %reduce_sum3A_392 = tpu.scan <sum>, %add3A_389 masked %reduce_sum3A_391 : vector<16xf32>, vector<16xi1> -> vector<16xf32>
          %reduce_sum3A_393 = vector.extract %reduce_sum3A_392[15] : f32 from vector<16xf32>
          %eq3A_394 = vector.broadcast %add3A_321 : i32 to vector<16xi32>
          %eq3A_395 = arith.cmpi eq, %iota3A, %eq3A_394 : vector<16xi32>
          %broadcast_in_dim3A_396 = vector.broadcast %reduce_sum3A_393 : f32 to vector<16xf32>
          %select_n3A_397 = arith.select %eq3A_395, %broadcast_in_dim3A_396, %select_n3A : vector<16xi1>, vector<16xf32>
          %mul3A_398 = arith.constant 4 : i32
          %mul3A_399 = arith.muli %scan3A_242, %mul3A_398 : i32
          %add3A_400 = arith.constant 2 : i32
          %add3A_401 = arith.addi %mul3A_399, %add3A_400 : i32
          %mul3A_402 = arith.constant 16 : i32
          %mul3A_403 = arith.muli %scan3A_222, %mul3A_402 : i32
          %add3A_404 = arith.addi %mul3A_403, %add3A_401 : i32
          %get3A_405 = arith.index_cast %add3A_404 : i32 to index
          %get3A_406 = arith.constant 0 : index
          %get3A_407 = tpu.vector_load %arg11[%get3A_405, %get3A_406] {strides = array<i32>} : memref<80x64xi32, #tpu.memory_space<vmem>>, vector<16xi32>,
          %bitcast3A_408 = vector.bitcast %get3A_407 : vector<16xi32> to vector<32xbf16>
          %get3A_409 = arith.index_cast %add3A_404 : i32 to index
          %get3A_410 = arith.constant 0 : index
          %get3A_411 = tpu.vector_load %arg16[%get3A_409, %get3A_410] {strides = array<i32>} : memref<80x64xi32, #tpu.memory_space<vmem>>, vector<16xi32>,
          %bitcast3A_412 = vector.bitcast %get3A_411 : vector<16xi32> to vector<32xbf16>
          %sub3A_413 = arith.subf %bitcast3A_408, %bitcast3A_412 : vector<32xbf16>
          %abs3A_414 = math.absf %sub3A_413 : vector<32xbf16>
          %unpack3A_415 = tpu.unpack_subelements %abs3A_414, 0 {pack_format = #tpu.pack_format<interleaved>} : vector<32xbf16> -> vector<16xf32>
          %unpack3A_416 = tpu.unpack_subelements %abs3A_414, 1 {pack_format = #tpu.pack_format<interleaved>} : vector<32xbf16> -> vector<16xf32>
          %mul3A_417 = arith.mulf %unpack3A_415, %get3A_4 : vector<16xf32>
          %add3A_418 = arith.addf %broadcast_in_dim3A_3, %mul3A_417 : vector<16xf32>
          %mul3A_419 = arith.mulf %unpack3A_416, %get3A_12 : vector<16xf32>
          %add3A_420 = arith.addf %broadcast_in_dim3A_3, %mul3A_419 : vector<16xf32>
          %get3A_421 = arith.index_cast %add3A_404 : i32 to index
          %get3A_422 = arith.constant 16 : index
          %get3A_423 = tpu.vector_load %arg11[%get3A_421, %get3A_422] {strides = array<i32>} : memref<80x64xi32, #tpu.memory_space<vmem>>, vector<16xi32>,
          %bitcast3A_424 = vector.bitcast %get3A_423 : vector<16xi32> to vector<32xbf16>
          %get3A_425 = arith.index_cast %add3A_404 : i32 to index
          %get3A_426 = arith.constant 16 : index
          %get3A_427 = tpu.vector_load %arg16[%get3A_425, %get3A_426] {strides = array<i32>} : memref<80x64xi32, #tpu.memory_space<vmem>>, vector<16xi32>,
          %bitcast3A_428 = vector.bitcast %get3A_427 : vector<16xi32> to vector<32xbf16>
          %sub3A_429 = arith.subf %bitcast3A_424, %bitcast3A_428 : vector<32xbf16>
          %abs3A_430 = math.absf %sub3A_429 : vector<32xbf16>
          %unpack3A_431 = tpu.unpack_subelements %abs3A_430, 0 {pack_format = #tpu.pack_format<interleaved>} : vector<32xbf16> -> vector<16xf32>
          %unpack3A_432 = tpu.unpack_subelements %abs3A_430, 1 {pack_format = #tpu.pack_format<interleaved>} : vector<32xbf16> -> vector<16xf32>
          %mul3A_433 = arith.mulf %unpack3A_431, %get3A_6 : vector<16xf32>
          %add3A_434 = arith.addf %add3A_418, %mul3A_433 : vector<16xf32>
          %mul3A_435 = arith.mulf %unpack3A_432, %get3A_14 : vector<16xf32>
          %add3A_436 = arith.addf %add3A_420, %mul3A_435 : vector<16xf32>
          %get3A_437 = arith.index_cast %add3A_404 : i32 to index
          %get3A_438 = arith.constant 32 : index
          %get3A_439 = tpu.vector_load %arg11[%get3A_437, %get3A_438] {strides = array<i32>} : memref<80x64xi32, #tpu.memory_space<vmem>>, vector<16xi32>,
          %bitcast3A_440 = vector.bitcast %get3A_439 : vector<16xi32> to vector<32xbf16>
          %get3A_441 = arith.index_cast %add3A_404 : i32 to index
          %get3A_442 = arith.constant 32 : index
          %get3A_443 = tpu.vector_load %arg16[%get3A_441, %get3A_442] {strides = array<i32>} : memref<80x64xi32, #tpu.memory_space<vmem>>, vector<16xi32>,
          %bitcast3A_444 = vector.bitcast %get3A_443 : vector<16xi32> to vector<32xbf16>
          %sub3A_445 = arith.subf %bitcast3A_440, %bitcast3A_444 : vector<32xbf16>
          %abs3A_446 = math.absf %sub3A_445 : vector<32xbf16>
          %unpack3A_447 = tpu.unpack_subelements %abs3A_446, 0 {pack_format = #tpu.pack_format<interleaved>} : vector<32xbf16> -> vector<16xf32>
          %unpack3A_448 = tpu.unpack_subelements %abs3A_446, 1 {pack_format = #tpu.pack_format<interleaved>} : vector<32xbf16> -> vector<16xf32>
          %mul3A_449 = arith.mulf %unpack3A_447, %get3A_8 : vector<16xf32>
          %add3A_450 = arith.addf %add3A_434, %mul3A_449 : vector<16xf32>
          %mul3A_451 = arith.mulf %unpack3A_448, %get3A_16 : vector<16xf32>
          %add3A_452 = arith.addf %add3A_436, %mul3A_451 : vector<16xf32>
          %get3A_453 = arith.index_cast %add3A_404 : i32 to index
          %get3A_454 = arith.constant 48 : index
          %get3A_455 = tpu.vector_load %arg11[%get3A_453, %get3A_454] {strides = array<i32>} : memref<80x64xi32, #tpu.memory_space<vmem>>, vector<16xi32>,
          %bitcast3A_456 = vector.bitcast %get3A_455 : vector<16xi32> to vector<32xbf16>
          %get3A_457 = arith.index_cast %add3A_404 : i32 to index
          %get3A_458 = arith.constant 48 : index
          %get3A_459 = tpu.vector_load %arg16[%get3A_457, %get3A_458] {strides = array<i32>} : memref<80x64xi32, #tpu.memory_space<vmem>>, vector<16xi32>,
          %bitcast3A_460 = vector.bitcast %get3A_459 : vector<16xi32> to vector<32xbf16>
          %sub3A_461 = arith.subf %bitcast3A_456, %bitcast3A_460 : vector<32xbf16>
          %abs3A_462 = math.absf %sub3A_461 : vector<32xbf16>
          %unpack3A_463 = tpu.unpack_subelements %abs3A_462, 0 {pack_format = #tpu.pack_format<interleaved>} : vector<32xbf16> -> vector<16xf32>
          %unpack3A_464 = tpu.unpack_subelements %abs3A_462, 1 {pack_format = #tpu.pack_format<interleaved>} : vector<32xbf16> -> vector<16xf32>
          %mul3A_465 = arith.mulf %unpack3A_463, %get3A_10 : vector<16xf32>
          %add3A_466 = arith.addf %add3A_450, %mul3A_465 : vector<16xf32>
          %mul3A_467 = arith.mulf %unpack3A_464, %get3A_18 : vector<16xf32>
          %add3A_468 = arith.addf %add3A_452, %mul3A_467 : vector<16xf32>
          %add3A_469 = arith.addf %add3A_466, %add3A_468 : vector<16xf32>
          %reduce_sum3A_470 = arith.constant true
          %reduce_sum3A_471 = vector.broadcast %reduce_sum3A_470 : i1 to vector<16xi1>
          %reduce_sum3A_472 = tpu.scan <sum>, %add3A_469 masked %reduce_sum3A_471 : vector<16xf32>, vector<16xi1> -> vector<16xf32>
          %reduce_sum3A_473 = vector.extract %reduce_sum3A_472[15] : f32 from vector<16xf32>
          %eq3A_474 = vector.broadcast %add3A_401 : i32 to vector<16xi32>
          %eq3A_475 = arith.cmpi eq, %iota3A, %eq3A_474 : vector<16xi32>
          %broadcast_in_dim3A_476 = vector.broadcast %reduce_sum3A_473 : f32 to vector<16xf32>
          %select_n3A_477 = arith.select %eq3A_475, %broadcast_in_dim3A_476, %select_n3A_397 : vector<16xi1>, vector<16xf32>
          %mul3A_478 = arith.constant 4 : i32
          %mul3A_479 = arith.muli %scan3A_242, %mul3A_478 : i32
          %add3A_480 = arith.constant 3 : i32
          %add3A_481 = arith.addi %mul3A_479, %add3A_480 : i32
          %mul3A_482 = arith.constant 16 : i32
          %mul3A_483 = arith.muli %scan3A_222, %mul3A_482 : i32
          %add3A_484 = arith.addi %mul3A_483, %add3A_481 : i32
          %get3A_485 = arith.index_cast %add3A_484 : i32 to index
          %get3A_486 = arith.constant 0 : index
          %get3A_487 = tpu.vector_load %arg11[%get3A_485, %get3A_486] {strides = array<i32>} : memref<80x64xi32, #tpu.memory_space<vmem>>, vector<16xi32>,
          %bitcast3A_488 = vector.bitcast %get3A_487 : vector<16xi32> to vector<32xbf16>
          %get3A_489 = arith.index_cast %add3A_484 : i32 to index
          %get3A_490 = arith.constant 0 : index
          %get3A_491 = tpu.vector_load %arg16[%get3A_489, %get3A_490] {strides = array<i32>} : memref<80x64xi32, #tpu.memory_space<vmem>>, vector<16xi32>,
          %bitcast3A_492 = vector.bitcast %get3A_491 : vector<16xi32> to vector<32xbf16>
          %sub3A_493 = arith.subf %bitcast3A_488, %bitcast3A_492 : vector<32xbf16>
          %abs3A_494 = math.absf %sub3A_493 : vector<32xbf16>
          %unpack3A_495 = tpu.unpack_subelements %abs3A_494, 0 {pack_format = #tpu.pack_format<interleaved>} : vector<32xbf16> -> vector<16xf32>
          %unpack3A_496 = tpu.unpack_subelements %abs3A_494, 1 {pack_format = #tpu.pack_format<interleaved>} : vector<32xbf16> -> vector<16xf32>
          %mul3A_497 = arith.mulf %unpack3A_495, %get3A_4 : vector<16xf32>
          %add3A_498 = arith.addf %broadcast_in_dim3A_3, %mul3A_497 : vector<16xf32>
          %mul3A_499 = arith.mulf %unpack3A_496, %get3A_12 : vector<16xf32>
          %add3A_500 = arith.addf %broadcast_in_dim3A_3, %mul3A_499 : vector<16xf32>
          %get3A_501 = arith.index_cast %add3A_484 : i32 to index
          %get3A_502 = arith.constant 16 : index
          %get3A_503 = tpu.vector_load %arg11[%get3A_501, %get3A_502] {strides = array<i32>} : memref<80x64xi32, #tpu.memory_space<vmem>>, vector<16xi32>,
          %bitcast3A_504 = vector.bitcast %get3A_503 : vector<16xi32> to vector<32xbf16>
          %get3A_505 = arith.index_cast %add3A_484 : i32 to index
          %get3A_506 = arith.constant 16 : index
          %get3A_507 = tpu.vector_load %arg16[%get3A_505, %get3A_506] {strides = array<i32>} : memref<80x64xi32, #tpu.memory_space<vmem>>, vector<16xi32>,
          %bitcast3A_508 = vector.bitcast %get3A_507 : vector<16xi32> to vector<32xbf16>
          %sub3A_509 = arith.subf %bitcast3A_504, %bitcast3A_508 : vector<32xbf16>
          %abs3A_510 = math.absf %sub3A_509 : vector<32xbf16>
          %unpack3A_511 = tpu.unpack_subelements %abs3A_510, 0 {pack_format = #tpu.pack_format<interleaved>} : vector<32xbf16> -> vector<16xf32>
          %unpack3A_512 = tpu.unpack_subelements %abs3A_510, 1 {pack_format = #tpu.pack_format<interleaved>} : vector<32xbf16> -> vector<16xf32>
          %mul3A_513 = arith.mulf %unpack3A_511, %get3A_6 : vector<16xf32>
          %add3A_514 = arith.addf %add3A_498, %mul3A_513 : vector<16xf32>
          %mul3A_515 = arith.mulf %unpack3A_512, %get3A_14 : vector<16xf32>
          %add3A_516 = arith.addf %add3A_500, %mul3A_515 : vector<16xf32>
          %get3A_517 = arith.index_cast %add3A_484 : i32 to index
          %get3A_518 = arith.constant 32 : index
          %get3A_519 = tpu.vector_load %arg11[%get3A_517, %get3A_518] {strides = array<i32>} : memref<80x64xi32, #tpu.memory_space<vmem>>, vector<16xi32>,
          %bitcast3A_520 = vector.bitcast %get3A_519 : vector<16xi32> to vector<32xbf16>
          %get3A_521 = arith.index_cast %add3A_484 : i32 to index
          %get3A_522 = arith.constant 32 : index
          %get3A_523 = tpu.vector_load %arg16[%get3A_521, %get3A_522] {strides = array<i32>} : memref<80x64xi32, #tpu.memory_space<vmem>>, vector<16xi32>,
          %bitcast3A_524 = vector.bitcast %get3A_523 : vector<16xi32> to vector<32xbf16>
          %sub3A_525 = arith.subf %bitcast3A_520, %bitcast3A_524 : vector<32xbf16>
          %abs3A_526 = math.absf %sub3A_525 : vector<32xbf16>
          %unpack3A_527 = tpu.unpack_subelements %abs3A_526, 0 {pack_format = #tpu.pack_format<interleaved>} : vector<32xbf16> -> vector<16xf32>
          %unpack3A_528 = tpu.unpack_subelements %abs3A_526, 1 {pack_format = #tpu.pack_format<interleaved>} : vector<32xbf16> -> vector<16xf32>
          %mul3A_529 = arith.mulf %unpack3A_527, %get3A_8 : vector<16xf32>
          %add3A_530 = arith.addf %add3A_514, %mul3A_529 : vector<16xf32>
          %mul3A_531 = arith.mulf %unpack3A_528, %get3A_16 : vector<16xf32>
          %add3A_532 = arith.addf %add3A_516, %mul3A_531 : vector<16xf32>
          %get3A_533 = arith.index_cast %add3A_484 : i32 to index
          %get3A_534 = arith.constant 48 : index
          %get3A_535 = tpu.vector_load %arg11[%get3A_533, %get3A_534] {strides = array<i32>} : memref<80x64xi32, #tpu.memory_space<vmem>>, vector<16xi32>,
          %bitcast3A_536 = vector.bitcast %get3A_535 : vector<16xi32> to vector<32xbf16>
          %get3A_537 = arith.index_cast %add3A_484 : i32 to index
          %get3A_538 = arith.constant 48 : index
          %get3A_539 = tpu.vector_load %arg16[%get3A_537, %get3A_538] {strides = array<i32>} : memref<80x64xi32, #tpu.memory_space<vmem>>, vector<16xi32>,
          %bitcast3A_540 = vector.bitcast %get3A_539 : vector<16xi32> to vector<32xbf16>
          %sub3A_541 = arith.subf %bitcast3A_536, %bitcast3A_540 : vector<32xbf16>
          %abs3A_542 = math.absf %sub3A_541 : vector<32xbf16>
          %unpack3A_543 = tpu.unpack_subelements %abs3A_542, 0 {pack_format = #tpu.pack_format<interleaved>} : vector<32xbf16> -> vector<16xf32>
          %unpack3A_544 = tpu.unpack_subelements %abs3A_542, 1 {pack_format = #tpu.pack_format<interleaved>} : vector<32xbf16> -> vector<16xf32>
          %mul3A_545 = arith.mulf %unpack3A_543, %get3A_10 : vector<16xf32>
          %add3A_546 = arith.addf %add3A_530, %mul3A_545 : vector<16xf32>
          %mul3A_547 = arith.mulf %unpack3A_544, %get3A_18 : vector<16xf32>
          %add3A_548 = arith.addf %add3A_532, %mul3A_547 : vector<16xf32>
          %add3A_549 = arith.addf %add3A_546, %add3A_548 : vector<16xf32>
          %reduce_sum3A_550 = arith.constant true
          %reduce_sum3A_551 = vector.broadcast %reduce_sum3A_550 : i1 to vector<16xi1>
          %reduce_sum3A_552 = tpu.scan <sum>, %add3A_549 masked %reduce_sum3A_551 : vector<16xf32>, vector<16xi1> -> vector<16xf32>
          %reduce_sum3A_553 = vector.extract %reduce_sum3A_552[15] : f32 from vector<16xf32>
          %eq3A_554 = vector.broadcast %add3A_481 : i32 to vector<16xi32>
          %eq3A_555 = arith.cmpi eq, %iota3A, %eq3A_554 : vector<16xi32>
          %broadcast_in_dim3A_556 = vector.broadcast %reduce_sum3A_553 : f32 to vector<16xf32>
          %select_n3A_557 = arith.select %eq3A_555, %broadcast_in_dim3A_556, %select_n3A_477 : vector<16xi1>, vector<16xf32>
          scf.yield %select_n3A_557 : vector<16xf32>
        }
        %scan3A_229 = arith.constant 4 : i32
        %neg3A = arith.constant 0.000000e+00 : f32
        %neg3A_230 = vector.broadcast %neg3A : f32 to vector<16xf32>
        %neg3A_231 = arith.subf %neg3A_230, %scan3A_228 : vector<16xf32>
        %exp3A = math.exp %neg3A_231 : vector<16xf32>
        %add3A_232 = arith.constant 1.000000e+00 : f32
        %add3A_233 = vector.broadcast %add3A_232 : f32 to vector<16xf32>
        %add3A_234 = arith.addf %add3A_233, %exp3A : vector<16xf32>
        %div3A = arith.constant 1.000000e+00 : f32
        %div3A_235 = vector.broadcast %div3A : f32 to vector<16xf32>
        %div3A_236 = arith.divf %div3A_235, %add3A_234 : vector<16xf32>
        %mul3A_237 = arith.constant 16 : i32
        %mul3A_238 = arith.muli %scan3A_222, %mul3A_237 : i32
        %add3A_239 = arith.addi %mul3A_213, %mul3A_238 : i32
        %swap3A = arith.index_cast %add3A_239 : i32 to index
        %swap3A_240 = tpu.vector_load %arg20[%swap3A] {strides = array<i32>} : memref<10000xf32, #tpu.memory_space<vmem>>, vector<16xf32>,
        tpu.vector_store %arg20[%swap3A], %div3A_236 {strides = array<i32>} : memref<10000xf32, #tpu.memory_space<vmem>>, vector<16xf32>,
        %scan3A_241 = arith.constant 0 : i32
        scf.yield %scan3A_241 : i32
      }
      %scan3A_220 = arith.constant 5 : i32
      %scan3A_221 = arith.constant 0 : i32
      scf.yield %scan3A_221 : i32
    }
    %scan3A_63 = arith.constant 25 : i32
    "tpu.region"() ({
      %run_scoped3A = tpu.sem_alloc : memref<!tpu.dma_semaphore, #tpu.memory_space<semaphore_mem>>
      %dma_start3A_64 = tpu.memref_slice %arg6[%mul3A_2] : memref<320000xf32, #tpu.memory_space<hbm>> -> memref<10000xf32, #tpu.memory_space<hbm>>
      %dma_start3A_65 = tpu.memref_slice %arg6[%mul3A_2] : memref<320000xf32, #tpu.memory_space<hbm>> -> memref<10000xf32, #tpu.memory_space<hbm>>
      tpu.enqueue_dma source(%arg20 : memref<10000xf32, #tpu.memory_space<vmem>>) target(%dma_start3A_65 : memref<10000xf32, #tpu.memory_space<hbm>>) target_semaphore(%run_scoped3A : memref<!tpu.dma_semaphore, #tpu.memory_space<semaphore_mem>>)
      %dma_wait3A = tpu.memref_slice %arg6[%mul3A_2] : memref<320000xf32, #tpu.memory_space<hbm>> -> memref<10000xf32, #tpu.memory_space<hbm>>
      %dma_wait3A_66 = tpu.memref_slice %arg6[%mul3A_2] : memref<320000xf32, #tpu.memory_space<hbm>> -> memref<10000xf32, #tpu.memory_space<hbm>>
      tpu.wait_dma2 semaphore(%run_scoped3A : memref<!tpu.dma_semaphore, #tpu.memory_space<semaphore_mem>>) src(%arg20 : memref<10000xf32, #tpu.memory_space<vmem>>) dst(%dma_wait3A_66 : memref<10000xf32, #tpu.memory_space<hbm>>)
      tpu.yield
    }) : () -> ()
    return
  }
}

</mosaic_0001>

<sc_bundles>
// kernel: kernel.3.cloned.1.call-start
scs
__scs_entry_jumppad:
0x0: {  	(pc) =	sbr.rel $0x88, $3  }
0x1: {  	(tag) =	ssettag $0x0;
	lr =	simm.s32 $0x1  }
0x2: {  	[smem:$0x3F9D] =	sst lr;
	_ =	strace $0xD0000000  }
0x3: {  	_ = 	snop  }
0x4: {  	_ = 	snop  }
0x5: {  	_ = 	snop  }
0x6: {  	_ = 	snop  }
0x7: {  	_ = 	snop  }
__scs_overlays_trampoline_lowered:
0x8: {  	[smem:$0x3FAC] =	sst s0  }
0x9: {  	[smem:$0x3FAD] =	sst s1  }
0xa: {  	[smem:$0x3FAE] =	sst s2  }
0xb: {  	[smem:$0x3FAF] =	sst s3  }
0xc: {  	[smem:$0x3FB0] =	sst s4  }
0xd: {  	[smem:$0x3FB1] =	sst s5  }
0xe: {  	[smem:$0x3FB2] =	sst s6  }
0xf: {  	[smem:$0x3FB3] =	sst s7  }
0x10: {  	[smem:$0x3FB4] =	sst s8  }
0x11: {  	[smem:$0x3FB5] =	sst s9;
	s0 =	simm.s32 @!p0 $0x0  }
0x12: {  	s1 =	sld [smem:$0x3F9B];
	s0 =	simm.s32 @p0 $0x1  }
0x13: {  	[smem:$0x3FB6] =	sst s0;
	s0 =	simm.s32 @!p1 $0x0  }
0x14: {  	s2 =	sld [smem:$0x3F9A];
	s0 =	simm.s32 @p1 $0x1  }
0x15: {  	[smem:$0x3FB7] =	sst s0;
	s0 =	simm.s32 @!p2 $0x0  }
0x16: {  	s3 =	sld [smem:$0x3FDB];
	s0 =	simm.s32 @p2 $0x1  }
0x17: {  	s4 =	simm.s32 $0x1BF5;
	[smem:$0x3FB9] =	sst s0  }
0x18: {  	s0 =	sld [smem:$0x3F9C];
	_ =	swait.ge [sflag:s4], $0x0  }
0x19: {  	s7 =	sld [smem:$0x3F9D]  }
0x1a: {  	s8 =	sadd.s32 $0xFFFFE003, lr  }
0x1b: {  	s9 =	sadd.s32 $0xFFFFFEF7, lr;
	s5 =	simm.s32 $0xFFFFFFFF;
	p2 =	slt.u32 s8, $0xFFFFF086  }
0x1c: {  	p1 =	slt.u32 s9, $0xF7A;
	s5 =	simm.s32 @!p2 $0x0  }
0x1d: {  	s5 =	simm.s32 @p1 $0x1;
	p0 =	seq.s32 s7, s2  }
0x1e: {  	s7 =	smul.u32 @!p0 $0xF7A, s2;
	p2 =	seq.s32 @!p0 s5, $0x0  }
0x1f: {  	s9 =	smul.u32 $0xF7A, s1;
	s8 =	simm.s32 @!p0 $0x1BF5;
	p2 =	por !p2, p0  }
0x20: {  	[sflag:s8] =	ssyncset.s32 @!p0 $0xFFFFF086;
	s6 =	sadd.s32 @!p0 s3, s7;
	s7 =	simm.s32 @!p0 $0x108  }
0x21: {  	s3 =	sadd.s32 s3, s9;
	s6 =	sadd.s32 @!p0 $0x88, s6;
	s7 =	simm.s32 @p2 $0x1082  }
0x22: {  	[simem:s7], [sflag:s8] =	dma.local @!p0 [hbm:s6], $0xF7A  }
0x23: {  	s9 =	sor.u32 $0xD0000000, s2;
	s6 =	simm.s32 $0x108;
	_ =	swait.ge @!p0 [sflag:s8], $0x0  }
0x24: {  	s3 =	sadd.s32 $0x88, s3;
	s6 =	simm.s32 @!p1 $0x1082;
	[sflag:s4] =	ssyncset.s32 $0xFFFFF086  }
0x25: {  	[simem:s6], [sflag:s4] =	dma.local [hbm:s3], $0xF7A  }
0x26: {  	[smem:$0x3F9D] =	sst s1;
	(tag) =	ssettag s2;
	_ =	strace s9  }
0x27: {  	s1 =	sld [smem:$0x3FAD]  }
0x28: {  	s2 =	sld [smem:$0x3FAE]  }
0x29: {  	s4 =	sld [smem:$0x3FB0]  }
0x2a: {  	p0 =	seq.s32 s5, $0x0;
	s5 =	sld [smem:$0x3FB1]  }
0x2b: {  	s6 =	sld [smem:$0x3FB2]  }
0x2c: {  	s7 =	sld [smem:$0x3FB3]  }
0x2d: {  	s3 =	simm.s32 $0x108;
	s8 =	sld [smem:$0x3FB4]  }
0x2e: {  	s3 =	simm.s32 @!p0 $0x1082;
	s9 =	sld [smem:$0x3FB5]  }
0x2f: {  	lr =	sadd.s32 s0, s3;
	s0 =	sld [smem:$0x3FAC]  }
0x30: {  	s3 =	sld [smem:$0x3FAF]  }
0x31: {  	[smem:$0x3FB8] =	sst s10  }
0x32: {  	s10 =	sld [smem:$0x3FB6];
	_ =	sdelay $0x3  }
0x33: {  	p0 =	seq.s32 s10, $0x1;
	s10 =	sld [smem:$0x3FB8];
	_ =	sdelay $0x3  }
0x34: {  	[smem:$0x3FB8] =	sst s10  }
0x35: {  	s10 =	sld [smem:$0x3FB7];
	_ =	sdelay $0x3  }
0x36: {  	p1 =	seq.s32 s10, $0x1;
	s10 =	sld [smem:$0x3FB8];
	_ =	sdelay $0x3  }
0x37: {  	[smem:$0x3FB8] =	sst s10  }
0x38: {  	s10 =	sld [smem:$0x3FB9]  }
0x39: {  	_ = 	snop;
	(pc) =	sbr.ind lr, $3  }
0x3a: {  	_ = 	snop  }
0x3b: {  	_ = 	snop  }
0x3c: {  	p2 =	seq.s32 s10, $0x1;
	s10 =	sld [smem:$0x3FB8]  }
0x3d: {  	_ =	shalt  }
0x3e: {  	_ =	shalt  }
0x3f: {  	_ =	shalt  }
0x40: {  	_ =	shalt  }
0x41: {  	_ =	shalt  }
0x42: {  	_ =	shalt  }
0x43: {  	_ =	shalt  }
0x44: {  	_ =	shalt  }
0x45: {  	_ =	shalt  }
0x46: {  	_ =	shalt  }
0x47: {  	_ =	shalt  }
0x48: {  	_ =	shalt  }
0x49: {  	_ =	shalt  }
0x4a: {  	_ =	shalt  }
0x4b: {  	_ =	shalt  }
0x4c: {  	_ =	shalt  }
0x4d: {  	_ =	shalt  }
0x4e: {  	_ =	shalt  }
0x4f: {  	_ =	shalt  }
0x50: {  	_ =	shalt  }
0x51: {  	_ =	shalt  }
0x52: {  	_ =	shalt  }
0x53: {  	_ =	shalt  }
0x54: {  	_ =	shalt  }
0x55: {  	_ =	shalt  }
0x56: {  	_ =	shalt  }
0x57: {  	_ =	shalt  }
0x58: {  	_ =	shalt  }
0x59: {  	_ =	shalt  }
0x5a: {  	_ =	shalt  }
0x5b: {  	_ =	shalt  }
0x5c: {  	_ =	shalt  }
0x5d: {  	_ =	shalt  }
0x5e: {  	_ =	shalt  }
0x5f: {  	_ =	shalt  }
0x60: {  	_ =	shalt  }
0x61: {  	_ =	shalt  }
0x62: {  	_ =	shalt  }
0x63: {  	_ =	shalt  }
0x64: {  	_ =	shalt  }
0x65: {  	_ =	shalt  }
0x66: {  	_ =	shalt  }
0x67: {  	_ =	shalt  }
0x68: {  	_ =	shalt  }
0x69: {  	_ =	shalt  }
0x6a: {  	_ =	shalt  }
0x6b: {  	_ =	shalt  }
0x6c: {  	_ =	shalt  }
0x6d: {  	_ =	shalt  }
0x6e: {  	_ =	shalt  }
0x6f: {  	_ =	shalt  }
0x70: {  	_ =	shalt  }
0x71: {  	_ =	shalt  }
0x72: {  	_ =	shalt  }
0x73: {  	_ =	shalt  }
0x74: {  	_ =	shalt  }
0x75: {  	_ =	shalt  }
0x76: {  	_ =	shalt  }
0x77: {  	_ =	shalt  }
0x78: {  	_ =	shalt  }
0x79: {  	_ =	shalt  }
0x7a: {  	_ =	shalt  }
0x7b: {  	_ =	shalt  }
0x7c: {  	_ =	shalt  }
0x7d: {  	_ =	shalt  }
0x7e: {  	_ =	shalt  }
0x7f: {  	_ =	shalt  }
0x80: {  	_ =	shalt  }
0x81: {  	_ =	shalt  }
0x82: {  	_ =	shalt  }
0x83: {  	_ =	shalt  }
0x84: {  	_ =	shalt  }
0x85: {  	_ =	shalt  }
0x86: {  	_ =	shalt  }
0x87: {  	_ =	shalt  }
.Lfunc_end0:
.L_simem_size_0:
called_computation_lowered:
.L_overlay_start_0:
0x88: {  	s2 =	sld [smem:$0x3FD9]  }
0x89: {  	s3 =	sld [smem:$0x3FFE];
	_ =	sdelay $0x1  }
0x8a: {  	s1 =	srdreg.scid  }
0x8b: {  	s0 =	sand.u32 $0x1, s1  }
0x8c: {  	s17 =	sshll.u32 s0, $0xA;
	s2 =	sadd.s32 s3, s2  }
0x8d: {  	s2 =	sadd.s32 s2, s17  }
0x8e: {  	[smem:$0x3FC4] =	sst s2  }
0x8f: {  	_ = 	snop  }
0x90: {  	s2 =	sld [smem:$0x3FC8]  }
0x91: {  	s18 =	sld [smem:$0x3FC7]  }
0x92: {  	s4 =	sld [smem:$0x3FD0];
	(tm) =	ssettm $0x1  }
0x93: {  	s5 =	sld [smem:$0x3FFB];
	_ =	sdelay $0x3  }
0x94: {  	_ =	strace s5  }
0x95: {  	s5 =	sld [smem:$0x3FFC];
	_ =	sdelay $0x3  }
0x96: {  	_ =	strace s5  }
0x97: {  	s5 =	sld [smem:$0x3FFD];
	_ =	sdelay $0x3  }
0x98: {  	_ =	strace s5  }
0x99: {  	_ =	strace $0x8FFFFFFF  }
0x9a: {  	s19 =	sld [smem:$0x3FDB];
	_ =	sdelay $0x1  }
0x9b: {  	s6 =	simm.s32 $_scs_section_size  }
0x9c: {  	s7 =	simm.s32 $_size__tile_overlayer_lowered;
	s8 =	simm.s32 $_tile_overlayer_lowered  }
0x9d: {  	s22 =	simm.s32 $0x1BFF;
	s21 =	sshll.u32 s8, $0x1;
	s5 =	sadd.s32 s6, s19  }
0x9e: {  	s9 =	simm.s32 $0x0;
	s20 =	sshll.u32 s7, $0x1;
	s7 =	sadd.s32 s21, s5  }
0x9f: {  	[timem:s9], [sflag:s22] =	dma.local [hbm:s7], s20  }
0xa0: {  	_ =	swait.ge [sflag:s22], s20  }
0xa1: {  	s6 =	ssub.s32 $0x0, s20;
	[sflag:s22] =	ssyncset.done $0x0  }
0xa2: {  	[sflag:s22] =	ssyncadd.s32 s6;
	_ =	sdelay $0x1  }
0xa3: {  	s23 =	simm.s32 $0x1B8B  }
0xa4: {  	_ =	swait.ge [sflag:s23], $0x1  }
0xa5: {  	[sflag:s23] =	ssyncset.done $0x0  }
0xa6: {  	s25 =	simm.s32 $0x1B8E;
	s24 =	sld [smem:$0x3FFE];
	[sflag:s23] =	ssyncadd.s32 $0xFFFFFFFF  }
0xa7: {  	s26 =	simm.s32 $execute0_lowered;
	[smem:$0x3FD2] =	sst s25  }
0xa8: {  	s7 =	sshll.u32 s26, $0x1;
	_ =	strace $0x80000046;
	[dreg:$0x1] =	wrdreg $0xFFFFFFFF  }
0xa9: {  	s28 =	simm.s32 $_size_execute0_lowered;
	s5 =	sadd.s32 s5, s7;
	[dreg:$0x0] =	wrdreg $0x0  }
0xaa: {  	s7 =	sshll.u32 s28, $0x1;
	[dreg:$0x2] =	wrdreg s5  }
0xab: {  	[dreg:$0x3] =	wrdreg s7  }
0xac: {  	[dreg:$0x4] =	wrdreg $0xC0  }
0xad: {  	_ =	task [dreg:s9], $0x5FFFF  }
0xae: {  	[dreg:$0x1] =	wrdreg $0xFFFFFFFF  }
0xaf: {  	[dreg:$0x0] =	wrdreg $0x60  }
0xb0: {  	[dreg:$0x2] =	wrdreg s24  }
0xb1: {  	[dreg:$0x3] =	wrdreg s2  }
0xb2: {  	[dreg:$0x4] =	wrdreg s18  }
0xb3: {  	[dreg:$0x5] =	wrdreg s4  }
0xb4: {  	[dreg:$0x6] =	wrdreg $0x9  }
0xb5: {  	_ =	task.clear_ibuf [dreg:s9], $0x7FFFF;
	_ =	strace $0x90000046  }
0xb6: {  	s29 =	simm.s32 $0x9;
	_ =	strace $0x80000048  }
0xb7: {  	_ =	swait.ge [sflag:s29], $0x1  }
0xb8: {  	[sflag:s29] =	ssyncadd.s32 $0xFFFFFFFF  }
0xb9: {  	_ =	strace $0x90000048  }
0xba: {  	_ =	sfence  }
0xbb: {  	s30 =	sld [smem:$0x0];
	_ =	sdelay $0x2  }
0xbc: {  	s31 =	sshll.u32 s1, $0xD;
	s1 =	sshrl.u32 s1, $0x2  }
0xbd: {  	s3 =	sand.u32 $0x4000, s31;
	s1 =	sadd.s32 s1, s30  }
0xbe: {  	s0 =	sor.u32 s3, s0;
	s1 =	sshll.u32 s1, $0x11  }
0xbf: {  	s0 =	sor.u32 s1, s0  }
0xc0: {  	s0 =	sadd.s32 $0x8F2B, s0  }
0xc1: {  	[sflag:s0] =	ssyncadd.remote.s32 $0x1  }
0xc2: {  	_ =	sfence.sel $0xFFFF  }
0xc3: {  	[dreg:$0x0] =	wrdreg $0xFFFFFFFF;
	(pc) =	sbr.abs _section_cstart, $3  }
0xc4: {  	[dreg:$0x1] =	wrdreg $0xFFFFFFFF  }
0xc5: {  	_ =	task.clear_ibuf [dreg:s9], $0x2FFFF;
	_ =	strace $0x9FFFFFFF  }
0xc6: {  	(tm) =	ssettm $0x7FFFFFFF  }
0xc7: {  	_ =	shalt  }
tec
execute0_lowered:
.L_overlay_start_1:
0x0: {  	(tag) =	ssettag $0x1  }
0x1: {  	s1 =	rddreg [dreg:$0x0]  }
0x2: {  	s0 =	rddreg [dreg:$0x1]  }
0x3: {  	s2 =	rddreg [dreg:$0x2]  }
0x4: {  	s4 =	rddreg [dreg:$0x3];
	s3 =	srdreg.scid  }
0x5: {  	s6 =	stileid.u32;
	s10 =	simm.s32 $0xB;
	s13 =	simm.s32 $0x50  }
0x6: {  	s28 =	simm.s32 $0x1;
	s29 =	simm.s32 $0x6;
	s30 =	simm.s32 $0x5000  }
0x7: {  	s31 =	simm.s32 $0xB400;
	s12 =	simm.s32 $0x3;
	s14 =	simm.s32 $0x8  }
0x8: {  	s15 =	simm.s32 $0x4;
	s5 =	sand.u32 $0x1, s3;
	s6 =	sshll.u32 s6, $0x1  }
0x9: {  	s16 =	simm.s32 $0x9;
	s7 =	ssub.s32 $0x2, s5;
	s5 =	sor.u32 s5, s6  }
0xa: {  	s17 =	simm.s32 $0x5;
	s3 =	simm.s32 $0x0;
	s5 =	smul.u32 $0x4E2, s5  }
0xb: {  	s18 =	simm.s32 $0xA;
	s8 =	sadd.s32 $0x13A00, s1;
	[smem:$0x7FF] =	sst s3  }
0xc: {  	_ =	strace $0x80000047;
	[dreg:$0x5] =	wrdreg s8;
	s0 =	sadd.s32 s0, s5  }
0xd: {  	s22 =	sshrl.u32 s7, $0x1;
	s24 =	sadd.s32 s2, s5;
	[dreg:$0x6] =	wrdreg s0  }
0xe: {  	s23 =	ssub.s32 s7, s22;
	s25 =	sadd.s32 s4, s5;
	[dreg:$0x7] =	wrdreg s24  }
0xf: {  	s20 =	simm.s32 $0x0;
	s26 =	smax.u32 s23, $0x1;
	[dreg:$0x8] =	wrdreg s25  }
0x10: {  	v0 =	vlaneseq.u32;
	s2 =	simm.s32 $0x7;
	[dreg:$0x9] =	wrdreg s26;
	s0 =	simm.s32 $0x2  }
.LBB2_1:
0x11: {  	s4 =	rddreg [dreg:$0x6];
	s5 =	simm.s32 $0xC800  }
0x12: {  	[tilespmem:s5], [sflag:$0xB] =	stream.linear.gather [hbm4b:s4+s3], $0x2710, $0x38;
	[tilespmem:$0x13DB0] =	vst v63  }
0x13: {  	_ =	swait.ge [sflag:s10], $0x2710  }
0x14: {  	[sflag:s10] =	ssyncset.done $0x0  }
0x15: {  	s6 =	simm.s32 $0xEF10;
	s25 =	rddreg [dreg:$0x7];
	[sflag:s10] =	ssyncadd.s32 $0xFFFFD8F0  }
0x16: {  	[tilespmem:s6], [sflag:$0xB] =	stream.linear.gather [hbm4b:s25+s3], $0x2710, $0x38;
	[tilespmem:$0x13DB0] =	vst v63  }
0x17: {  	_ =	swait.ge [sflag:s10], $0x2710  }
0x18: {  	[sflag:s10] =	ssyncset.done $0x0  }
0x19: {  	s7 =	simm.s32 $0x11620;
	s26 =	rddreg [dreg:$0x5];
	[sflag:s10] =	ssyncadd.s32 $0xFFFFD8F0  }
0x1a: {  	[tilespmem:s7], [sflag:$0xB] =	stream.linear.gather [hbm4b:s26+s3], $0x80, $0x38;
	[tilespmem:$0x13DB0] =	vst v63  }
0x1b: {  	_ =	swait.ge [sflag:s10], $0x80  }
0x1c: {  	[sflag:s10] =	ssyncset.done $0x0  }
0x1d: {  	[sflag:s10] =	ssyncadd.s32 $0xFFFFFF80  }
0x1e: {  	v1 =	vld [tilespmem:$0x11620]  }
0x1f: {  	v2 =	vld [tilespmem:$0x11630]  }
0x20: {  	v3 =	vld [tilespmem:$0x11640]  }
0x21: {  	v4 =	vld [tilespmem:$0x11650]  }
0x22: {  	v5 =	vld [tilespmem:$0x11660]  }
0x23: {  	v6 =	vld [tilespmem:$0x11670]  }
0x24: {  	v7 =	vld [tilespmem:$0x11680]  }
0x25: {  	v8 =	vld [tilespmem:$0x11690];
	[tilespmem:s3], [sflag:$0x1] =	stream.indirect.gather [hbm4b:s1+s13], $0x40, s5, s13, $0xb8  }
0x26: {  	s5 =	simm.s32 $0x6400  }
0x27: {  	[tilespmem:s5], [sflag:$0x6] =	stream.indirect.gather [hbm4b:s1+s13], $0x40, s6, s13, $0xb8;
	[tilespmem:$0x13DB0] =	vst v63  }
0x28: {  	s7 =	simm.s32 $0x1400;
	s6 =	simm.s32 $0xC850  }
0x29: {  	[tilespmem:s7], [sflag:$0x2] =	stream.indirect.gather [hbm4b:s1+s13], $0x40, s6, s13, $0xb8;
	[tilespmem:$0x13DB0] =	vst v63  }
0x2a: {  	s8 =	simm.s32 $0xEF60;
	s9 =	simm.s32 $0x7800  }
0x2b: {  	[tilespmem:s9], [sflag:$0x7] =	stream.indirect.gather [hbm4b:s1+s13], $0x40, s8, s13, $0xb8;
	[tilespmem:$0x13DB0] =	vst v63  }
0x2c: {  	s11 =	simm.s32 $0xC8A0;
	s19 =	simm.s32 $0x2800  }
0x2d: {  	[tilespmem:s19], [sflag:$0x3] =	stream.indirect.gather [hbm4b:s1+s13], $0x40, s11, s13, $0xb8;
	[tilespmem:$0x13DB0] =	vst v63  }
0x2e: {  	s21 =	simm.s32 $0xEFB0;
	s22 =	simm.s32 $0x8C00  }
0x2f: {  	[tilespmem:s22], [sflag:$0x8] =	stream.indirect.gather [hbm4b:s1+s13], $0x40, s21, s13, $0xb8;
	[tilespmem:$0x13DB0] =	vst v63  }
0x30: {  	s23 =	simm.s32 $0xC8F0;
	s24 =	simm.s32 $0x3C00  }
0x31: {  	[tilespmem:s24], [sflag:$0x4] =	stream.indirect.gather [hbm4b:s1+s13], $0x40, s23, s13, $0xb8;
	[tilespmem:$0x13DB0] =	vst v63  }
0x32: {  	s25 =	simm.s32 $0xF000;
	s26 =	simm.s32 $0xA000;
	s21 =	simm.s32 $0x0  }
0x33: {  	[tilespmem:s26], [sflag:$0x9] =	stream.indirect.gather [hbm4b:s1+s13], $0x40, s25, s13, $0xb8;
	[tilespmem:$0x13DB0] =	vst v63  }
.LBB2_2:
0x34: {  	s4 =	smul.u32 $0x5, s21;
	_ =	swait.ge [sflag:s28], $0x1400  }
0x35: {  	[sflag:s28] =	ssyncset.done $0x0  }
0x36: {  	s11 =	smul.u32 $0x640, s21;
	[sflag:s28] =	ssyncadd.s32 $0xFFFFEC00;
	s22 =	sadd.s32 $0x4, s4  }
0x37: {  	_ =	swait.ge [sflag:s29], $0x1400;
	s4 =	smul.u32 $0x50, s22  }
0x38: {  	s23 =	simm.s32 $0x0;
	s25 =	simm.s32 $0x6480;
	[sflag:s29] =	ssyncset.done $0x0  }
0x39: {  	s24 =	sshra.s32 s11, $0x2;
	[sflag:s29] =	ssyncadd.s32 $0xFFFFEC00;
	s5 =	sadd.s32 $0xC800, s4  }
0x3a: {  	[tilespmem:s30], [sflag:$0x5] =	stream.indirect.gather [hbm4b:s1+s13], $0x40, s5, s13, $0xb8;
	[tilespmem:$0x13DB0] =	vst v63  }
0x3b: {  	s26 =	simm.s32 $0x80;
	s19 =	sadd.s32 $0x116A0, s24;
	s4 =	sadd.s32 $0xEF10, s4  }
0x3c: {  	v9 =	vmov s19;
	[tilespmem:s31], [sflag:$0xA] =	stream.indirect.gather [hbm4b:s1+s13], $0x40, s4, s13, $0xb8;
	[tilespmem:$0x13DB0] =	vst v63  }
.LBB2_3:
0x3d: {  	v10 =	vld [tilespmem:s26+$0x70]  }
0x3e: {  	v11 =	vld [tilespmem:s25+$0x70]  }
0x3f: {  	v12 =	vld [tilespmem:s26+$0x30]  }
0x40: {  	v13 =	vld [tilespmem:s25+$0x30]  }
0x41: {  	v14 =	vld [tilespmem:s26+$0xFFFFFFF0]  }
0x42: {  	v15 =	vld [tilespmem:s25+$0xFFFFFFF0]  }
0x43: {  	v16 =	vld [tilespmem:s26+$0x60]  }
0x44: {  	v17 =	vld [tilespmem:s25+$0x60]  }
0x45: {  	v18 =	vld [tilespmem:s26+$0xFFFFFFB0]  }
0x46: {  	v19 =	vld [tilespmem:s25+$0xFFFFFFB0]  }
0x47: {  	v20 =	vld [tilespmem:s26+$0x20]  }
0x48: {  	v21 =	vld [tilespmem:s25+$0x20]  }
0x49: {  	v22 =	vld [tilespmem:s26+$0xFFFFFFE0]  }
0x4a: {  	v23 =	vld [tilespmem:s25+$0xFFFFFFE0]  }
0x4b: {  	v24 =	vld [tilespmem:s26+$0x50]  }
0x4c: {  	v25 =	vld [tilespmem:s25+$0x50]  }
0x4d: {  	v26 =	vld [tilespmem:s26+$0xFFFFFFA0]  }
0x4e: {  	v27 =	vld [tilespmem:s25+$0xFFFFFFA0]  }
0x4f: {  	v28 =	vld [tilespmem:s26+$0x10]  }
0x50: {  	v29 =	vld [tilespmem:s25+$0x10]  }
0x51: {  	v30 =	vld [tilespmem:s26+$0xFFFFFFD0]  }
0x52: {  	v31 =	vld [tilespmem:s25+$0xFFFFFFD0]  }
0x53: {  	v32 =	vld [tilespmem:s26+$0x40]  }
0x54: {  	v33 =	vld [tilespmem:s25+$0x40]  }
0x55: {  	v34 =	vld [tilespmem:s26+$0xFFFFFF90]  }
0x56: {  	v35 =	vld [tilespmem:s25+$0xFFFFFF90]  }
0x57: {  	v36 =	vld [tilespmem:s26+$0x0];
	v11 =	vsub.bf16 v10, v11;
	v14 =	vsub.bf16 v14, v15  }
0x58: {  	v37 =	vld [tilespmem:s25+$0x0];
	v12 =	vsub.bf16 v12, v13;
	v13 =	vsub.bf16 v18, v19  }
0x59: {  	v16 =	vsub.bf16 v16, v17;
	v17 =	vsub.bf16 v22, v23  }
0x5a: {  	v20 =	vsub.bf16 v20, v21;
	v21 =	vsub.bf16 v26, v27  }
0x5b: {  	v22 =	vsub.bf16 v24, v25;
	v23 =	vsub.bf16 v30, v31  }
0x5c: {  	v24 =	vsub.bf16 v28, v29;
	v25 =	vsub.bf16 v32, v33  }
0x5d: {  	v10 =	vimm.f32 $0.0e+00;
	v26 =	vsub.bf16 v34, v35;
	v28 =	vsub.bf16 v36, v37  }
0x5e: {  	v14 =	vand.u32 $0x7FFF7FFF, v14;
	v29 =	vand.u32 $0x7FFF7FFF, v12;
	v16 =	vand.u32 $0x7FFF7FFF, v16  }
0x5f: {  	v30 =	vand.u32 $0x7FFF7FFF, v13;
	v17 =	vand.u32 $0x7FFF7FFF, v17;
	v20 =	vand.u32 $0x7FFF7FFF, v20  }
0x60: {  	v21 =	vand.u32 $0x7FFF7FFF, v21;
	v24 =	vand.u32 $0x7FFF7FFF, v24;
	v22 =	vand.u32 $0x7FFF7FFF, v22  }
0x61: {  	v58 =	vand.u32 $0x7FFF7FFF, v26;
	v26 =	vand.u32 $0x7FFF7FFF, v23;
	v25 =	vand.u32 $0x7FFF7FFF, v25  }
0x62: {  	v59 =	vand.u32 $0x7FFF7FFF, v28;
	v60 =	vunpack.i.u.bf16.f32 v14;
	v61 =	vunpack.i.l.bf16.f32 v14  }
0x63: {  	v62 =	vunpack.i.l.bf16.f32 v29;
	v14 =	vunpack.i.u.bf16.f32 v30;
	v13 =	vunpack.i.u.bf16.f32 v16  }
0x64: {  	v38 =	vld [tilespmem:s26+$0xFFFFFFC0];
	v63 =	vunpack.i.l.bf16.f32 v16;
	v39 =	vunpack.i.l.bf16.f32 v30;
	v41 =	vunpack.i.u.bf16.f32 v20  }
0x65: {  	v18 =	vld [tilespmem:s26+$0xFFFFFF80];
	v42 =	vunpack.i.l.bf16.f32 v20;
	v20 =	vunpack.i.u.bf16.f32 v17;
	v23 =	vunpack.i.l.bf16.f32 v17  }
0x66: {  	v19 =	vld [tilespmem:s25+$0xFFFFFF80];
	v16 =	vunpack.i.u.bf16.f32 v21;
	v43 =	vunpack.i.l.bf16.f32 v22;
	v28 =	vunpack.i.u.bf16.f32 v26  }
0x67: {  	v15 =	vld [tilespmem:s25+$0xFFFFFFC0];
	v31 =	vunpack.i.u.bf16.f32 v24;
	v44 =	vunpack.i.l.bf16.f32 v24;
	v45 =	vunpack.i.u.bf16.f32 v25  }
0x68: {  	v46 =	vunpack.i.l.bf16.f32 v25;
	v24 =	vunpack.i.u.bf16.f32 v58;
	v30 =	vunpack.i.l.bf16.f32 v58  }
0x69: {  	v36 =	vunpack.i.u.bf16.f32 v59;
	v25 =	vmul.f32 v62, v4;
	v17 =	vmul.f32 v63, v3  }
0x6a: {  	v40 =	vunpack.i.l.bf16.f32 v59;
	v32 =	vmul.f32 v42, v3;
	v33 =	vmul.f32 v41, v7  }
0x6b: {  	v35 =	vmul.f32 v44, v2;
	v18 =	vsub.bf16 v18, v19;
	v19 =	vand.u32 $0x7FFF7FFF, v11  }
0x6c: {  	v34 =	vmul.f32 v43, v2;
	v15 =	vsub.bf16 v38, v15;
	v11 =	vunpack.i.u.bf16.f32 v19  }
0x6d: {  	v12 =	vunpack.i.l.bf16.f32 v19;
	v19 =	vunpack.i.l.bf16.f32 v21;
	v21 =	vmul.f32 v61, v4  }
0x6e: {  	v27 =	vand.u32 $0x7FFF7FFF, v18;
	v38 =	vand.u32 $0x7FFF7FFF, v15;
	v18 =	vunpack.i.u.bf16.f32 v29  }
0x6f: {  	v15 =	vunpack.i.u.bf16.f32 v22;
	v29 =	vunpack.i.l.bf16.f32 v26;
	v22 =	vmul.f32 v60, v8  }
0x70: {  	s9 =	sadd.s32 $0x100, s26;
	v26 =	vmul.f32 v18, v8;
	v18 =	vmul.f32 v39, v4;
	v37 =	vunpack.i.u.bf16.f32 v38  }
0x71: {  	s11 =	simm.s32 $0x4;
	s4 =	smov.u32 s25;
	s19 =	simm.s32 $0x0;
	v41 =	vunpack.i.l.bf16.f32 v38;
	v38 =	vmul.f32 v46, v1;
	v39 =	vmul.f32 v45, v5  }
.LBB2_4:
0x72: {  	v42 =	vld [tilespmem:s9+$0x70];
	p0 =	sne.s32 s11, $0xC;
	v43 =	vunpack.i.u.bf16.f32 v27;
	v40 =	vmul.f32 v40, v1;
	v36 =	vmul.f32 v36, v5;
	s4 =	sadd.s32 $0x100, s4  }
0x73: {  	v27 =	vunpack.i.l.bf16.f32 v27;
	v41 =	vmul.f32 v41, v1;
	v37 =	vmul.f32 v37, v5;
	v44 =	vld [tilespmem:s4+$0x70]  }
0x74: {  	v27 =	vmul.f32 v27, v1;
	v38 =	vadd.f32 $0.0e+00, v38;
	v39 =	vadd.f32 $0.0e+00, v39;
	v45 =	vld [tilespmem:s9+$0x30]  }
0x75: {  	v43 =	vmul.f32 v43, v5;
	v40 =	vadd.f32 $0.0e+00, v40;
	v36 =	vadd.f32 $0.0e+00, v36;
	v46 =	vld [tilespmem:s4+$0x30]  }
0x76: {  	v31 =	vmul.f32 v31, v6;
	v41 =	vadd.f32 $0.0e+00, v41;
	v37 =	vadd.f32 $0.0e+00, v37;
	v47 =	vld [tilespmem:s9+$0xFFFFFFF0]  }
0x77: {  	v29 =	vmul.f32 v29, v2;
	v27 =	vadd.f32 $0.0e+00, v27;
	v43 =	vadd.f32 $0.0e+00, v43;
	v48 =	vld [tilespmem:s4+$0xFFFFFFF0]  }
0x78: {  	v28 =	vmul.f32 v28, v6;
	v35 =	vadd.f32 v35, v40;
	v31 =	vadd.f32 v31, v36;
	v49 =	vld [tilespmem:s9+$0x60]  }
0x79: {  	v30 =	vmul.f32 v30, v2;
	v34 =	vadd.f32 v34, v38;
	v29 =	vadd.f32 v29, v41;
	v36 =	vld [tilespmem:s4+$0x60]  }
0x7a: {  	v23 =	vmul.f32 v23, v3;
	v32 =	vadd.f32 v32, v35;
	v31 =	vadd.f32 v33, v31;
	v38 =	vld [tilespmem:s9+$0xFFFFFFB0]  }
0x7b: {  	v20 =	vmul.f32 v20, v7;
	v28 =	vadd.f32 v28, v37;
	v27 =	vadd.f32 v30, v27;
	v33 =	vld [tilespmem:s4+$0xFFFFFFB0]  }
0x7c: {  	v24 =	vmul.f32 v24, v6;
	v25 =	vadd.f32 v25, v32;
	v26 =	vadd.f32 v26, v31;
	v30 =	vld [tilespmem:s9+$0x20]  }
0x7d: {  	v19 =	vmul.f32 v19, v3;
	v23 =	vadd.f32 v23, v29;
	v20 =	vadd.f32 v20, v28;
	v31 =	vld [tilespmem:s4+$0x20]  }
0x7e: {  	v16 =	vmul.f32 v16, v7;
	v24 =	vadd.f32 v24, v43;
	v25 =	vadd.f32 v25, v26;
	v28 =	vld [tilespmem:s9+$0xFFFFFFE0]  }
0x7f: {  	v15 =	vmul.f32 v15, v6;
	v21 =	vadd.f32 v21, v23;
	v20 =	vadd.f32 v22, v20;
	v26 =	vld [tilespmem:s4+$0xFFFFFFE0]  }
0x80: {  	v14 =	vmul.f32 v14, v8;
	v19 =	vadd.f32 v19, v27;
	v16 =	vadd.f32 v16, v24;
	v22 =	vld [tilespmem:s9+$0x50];
	(xrf2) =	vadd.scan.msk.f32 $0xffff, v25  }
0x81: {  	v13 =	vmul.f32 v13, v7;
	v15 =	vadd.f32 v15, v39;
	v20 =	vadd.f32 v21, v20;
	v23 =	vld [tilespmem:s4+$0x50]  }
0x82: {  	v12 =	vmul.f32 v12, v4;
	v18 =	vadd.f32 v18, v19;
	v14 =	vadd.f32 v14, v16;
	v21 =	vld [tilespmem:s9+$0xFFFFFFA0]  }
0x83: {  	v11 =	vmul.f32 v11, v8;
	v17 =	vadd.f32 v17, v34;
	v13 =	vadd.f32 v13, v15;
	v16 =	vld [tilespmem:s4+$0xFFFFFFA0];
	(xrf2) =	vadd.scan.msk.f32 $0xffff, v20  }
0x84: {  	v14 =	vadd.f32 v18, v14;
	v15 =	vld [tilespmem:s9+$0x10]  }
0x85: {  	v12 =	vadd.f32 v12, v17;
	v11 =	vadd.f32 v11, v13;
	v18 =	vld [tilespmem:s4+$0x10]  }
0x86: {  	v13 =	vld [tilespmem:s9+$0xFFFFFFD0];
	(xrf2) =	vadd.scan.msk.f32 $0xffff, v14  }
0x87: {  	v11 =	vadd.f32 v12, v11;
	v14 =	vld [tilespmem:s4+$0xFFFFFFD0]  }
0x88: {  	v12 =	vld [tilespmem:s9+$0x40]  }
0x89: {  	v17 =	vld [tilespmem:s4+$0x40];
	(xrf2) =	vadd.scan.msk.f32 $0xffff, v11  }
0x8a: {  	v11 =	vld [tilespmem:s9+$0xFFFFFF90];
	v19, _, _ =	vpop (xrf2)  }
0x8b: {  	s5 =	sadd.s32 $0x2, s19;
	s6 =	sadd.s32 $0x3, s19;
	v20 =	vld [tilespmem:s4+$0xFFFFFF90]  }
0x8c: {  	s7 =	sadd.s32 $0x1, s19;
	v29 =	vmov s6;
	v27 =	vmov s5;
	v25 =	vmov s19;
	s19 =	smov.u32 s11;
	v24 =	vld [tilespmem:s9+$0x0]  }
0x8d: {  	v34 =	vsub.bf16 v42, v44;
	vm1 =	veq.s32 v25, v0;
	v25 =	vmov s7;
	v32 =	vld [tilespmem:s4+$0x0];
	v35, _, _ =	vpop (xrf2)  }
0x8e: {  	vm0 =	veq.s32 v29, v0;
	v40 =	vsub.bf16 v45, v46;
	v39 =	vsub.bf16 v47, v48;
	v37 =	vld [tilespmem:s9+$0xFFFFFFC0]  }
0x8f: {  	vm2 =	veq.s32 v27, v0;
	v36 =	vsub.bf16 v49, v36;
	v29 =	vsub.bf16 v38, v33;
	v33 =	vld [tilespmem:s4+$0xFFFFFFC0]  }
0x90: {  	vm3 =	veq.s32 v25, v0;
	v26 =	vsub.bf16 v28, v26;
	v28 =	vsub.bf16 v30, v31;
	v27 =	vld [tilespmem:s9+$0xFFFFFF80];
	v25, _, _ =	vpop (xrf2)  }
0x91: {  	v16 =	vsub.bf16 v21, v16;
	v21 =	vsub.bf16 v22, v23;
	v30 =	vld [tilespmem:s4+$0xFFFFFF80];
	v22 =	vbroadcast v25, $0xF  }
0x92: {  	v13 =	vsub.bf16 v13, v14;
	v14 =	vsub.bf16 v15, v18;
	v15 =	vbroadcast v35, $0xF  }
0x93: {  	v12 =	vsub.bf16 v12, v17;
	v17 =	vbroadcast v19, $0xF;
	v10 =	vsel vm1, v22, v10;
	v18, _, _ =	vpop (xrf2)  }
0x94: {  	v11 =	vsub.bf16 v11, v20;
	v10 =	vsel vm3, v15, v10;
	v15 =	vbroadcast v18, $0xF  }
0x95: {  	v19 =	vsub.bf16 v24, v32;
	v18 =	vsub.bf16 v37, v33;
	v10 =	vsel vm2, v17, v10  }
0x96: {  	v20 =	vand.u32 $0x7FFF7FFF, v34;
	v17 =	vsub.bf16 v27, v30;
	v10 =	vsel vm0, v15, v10  }
0x97: {  	v23 =	vand.u32 $0x7FFF7FFF, v36;
	v22 =	vand.u32 $0x7FFF7FFF, v40;
	v15 =	vand.u32 $0x7FFF7FFF, v39  }
0x98: {  	v25 =	vand.u32 $0x7FFF7FFF, v26;
	v26 =	vand.u32 $0x7FFF7FFF, v28;
	v24 =	vand.u32 $0x7FFF7FFF, v29  }
0x99: {  	v21 =	vand.u32 $0x7FFF7FFF, v21;
	v28 =	vand.u32 $0x7FFF7FFF, v16;
	v29 =	vand.u32 $0x7FFF7FFF, v14  }
0x9a: {  	v32 =	vand.u32 $0x7FFF7FFF, v13;
	v33 =	vand.u32 $0x7FFF7FFF, v12;
	v30 =	vand.u32 $0x7FFF7FFF, v11  }
0x9b: {  	v34 =	vand.u32 $0x7FFF7FFF, v19;
	v38 =	vand.u32 $0x7FFF7FFF, v18;
	v27 =	vand.u32 $0x7FFF7FFF, v17  }
0x9c: {  	v12 =	vunpack.i.l.bf16.f32 v20;
	v11 =	vunpack.i.u.bf16.f32 v20;
	v17 =	vunpack.i.u.bf16.f32 v22  }
0x9d: {  	v18 =	vunpack.i.u.bf16.f32 v15;
	v35 =	vunpack.i.l.bf16.f32 v15;
	v22 =	vunpack.i.l.bf16.f32 v22  }
0x9e: {  	v13 =	vunpack.i.u.bf16.f32 v23;
	v14 =	vunpack.i.u.bf16.f32 v24;
	v37 =	vunpack.i.l.bf16.f32 v23  }
0x9f: {  	v41 =	vunpack.i.l.bf16.f32 v26;
	v36 =	vunpack.i.l.bf16.f32 v24;
	v39 =	vunpack.i.u.bf16.f32 v26  }
0xa0: {  	v23 =	vunpack.i.l.bf16.f32 v25;
	v20 =	vunpack.i.u.bf16.f32 v25;
	v15 =	vunpack.i.u.bf16.f32 v21  }
0xa1: {  	v42 =	vunpack.i.l.bf16.f32 v21;
	v16 =	vunpack.i.u.bf16.f32 v28;
	v19 =	vunpack.i.l.bf16.f32 v28  }
0xa2: {  	v31 =	vunpack.i.u.bf16.f32 v29;
	v43 =	vunpack.i.l.bf16.f32 v29;
	v28 =	vunpack.i.u.bf16.f32 v32  }
0xa3: {  	v29 =	vunpack.i.l.bf16.f32 v32;
	v44 =	vunpack.i.u.bf16.f32 v33;
	v45 =	vunpack.i.l.bf16.f32 v33  }
0xa4: {  	v24 =	vunpack.i.u.bf16.f32 v30;
	v25 =	vmul.f32 v22, v4;
	v26 =	vmul.f32 v17, v8  }
.Ltmp0:
0xa5: {  	v30 =	vunpack.i.l.bf16.f32 v30;
	v21 =	vmul.f32 v35, v4;
	v22 =	vmul.f32 v18, v8;
	(pc) =	sbr.rel @p0 .LBB2_4-.Ltmp0, $4  }
0xa6: {  	v18 =	vmul.f32 v36, v4;
	v36 =	vunpack.i.u.bf16.f32 v34;
	v17 =	vmul.f32 v37, v3  }
0xa7: {  	v32 =	vmul.f32 v41, v3;
	v40 =	vunpack.i.l.bf16.f32 v34;
	v33 =	vmul.f32 v39, v7  }
0xa8: {  	v35 =	vmul.f32 v43, v2;
	v37 =	vunpack.i.u.bf16.f32 v38;
	v34 =	vmul.f32 v42, v2  }
0xa9: {  	s11 =	sadd.s32 $0x4, s11;
	s9 =	sadd.s32 $0x100, s9;
	v41 =	vunpack.i.l.bf16.f32 v38;
	v39 =	vmul.f32 v44, v5;
	v38 =	vmul.f32 v45, v1  }
0xaa: {  	v40 =	vmul.f32 v40, v1;
	v36 =	vmul.f32 v36, v5  }
0xab: {  	v42 =	vunpack.i.u.bf16.f32 v27;
	v41 =	vmul.f32 v41, v1;
	v37 =	vmul.f32 v37, v5  }
0xac: {  	v55 =	vunpack.i.l.bf16.f32 v27;
	v31 =	vmul.f32 v31, v6;
	v29 =	vmul.f32 v29, v2  }
0xad: {  	v27 =	vmul.f32 v55, v1;
	v38 =	vadd.f32 $0.0e+00, v38;
	v39 =	vadd.f32 $0.0e+00, v39  }
0xae: {  	v42 =	vmul.f32 v42, v5;
	v40 =	vadd.f32 $0.0e+00, v40;
	v36 =	vadd.f32 $0.0e+00, v36  }
0xaf: {  	v15 =	vmul.f32 v15, v6;
	v41 =	vadd.f32 $0.0e+00, v41;
	v37 =	vadd.f32 $0.0e+00, v37  }
0xb0: {  	v28 =	vmul.f32 v28, v6;
	v27 =	vadd.f32 $0.0e+00, v27;
	v42 =	vadd.f32 $0.0e+00, v42  }
0xb1: {  	v30 =	vmul.f32 v30, v2;
	v34 =	vadd.f32 v34, v38;
	v15 =	vadd.f32 v15, v39  }
0xb2: {  	v24 =	vmul.f32 v24, v6;
	v35 =	vadd.f32 v35, v40;
	v31 =	vadd.f32 v31, v36  }
0xb3: {  	v23 =	vmul.f32 v23, v3;
	v29 =	vadd.f32 v29, v41;
	v28 =	vadd.f32 v28, v37  }
0xb4: {  	v20 =	vmul.f32 v20, v7;
	v27 =	vadd.f32 v30, v27;
	v24 =	vadd.f32 v24, v42  }
0xb5: {  	v19 =	vmul.f32 v19, v3;
	v56 =	vadd.f32 v17, v34;
	v32 =	vadd.f32 v32, v35  }
0xb6: {  	v16 =	vmul.f32 v16, v7;
	v31 =	vadd.f32 v33, v31;
	v23 =	vadd.f32 v23, v29  }
0xb7: {  	v20 =	vadd.f32 v20, v28;
	v19 =	vadd.f32 v19, v27  }
0xb8: {  	v16 =	vadd.f32 v16, v24;
	v25 =	vadd.f32 v25, v32  }
0xb9: {  	v14 =	vmul.f32 v14, v8;
	v26 =	vadd.f32 v26, v31;
	v21 =	vadd.f32 v21, v23  }
0xba: {  	v13 =	vmul.f32 v13, v7;
	v20 =	vadd.f32 v22, v20;
	v18 =	vadd.f32 v18, v19  }
0xbb: {  	v12 =	vmul.f32 v12, v4;
	v14 =	vadd.f32 v14, v16;
	v25 =	vadd.f32 v25, v26  }
0xbc: {  	v11 =	vmul.f32 v11, v8;
	v13 =	vadd.f32 v13, v15;
	v20 =	vadd.f32 v21, v20  }
0xbd: {  	v14 =	vadd.f32 v18, v14;
	(xrf2) =	vadd.scan.msk.f32 $0xffff, v25  }
0xbe: {  	v12 =	vadd.f32 v12, v56;
	v11 =	vadd.f32 v11, v13;
	(xrf2) =	vadd.scan.msk.f32 $0xffff, v20  }
0xbf: {  	(xrf2) =	vadd.scan.msk.f32 $0xffff, v14  }
0xc0: {  	v11 =	vadd.f32 v12, v11;
	_ =	sdelay $0x1  }
0xc1: {  	(xrf2) =	vadd.scan.msk.f32 $0xffff, v11;
	_ =	sdelay $0x4  }
0xc2: {  	v11, _, _ =	vpop (xrf2)  }
0xc3: {  	v57, _, _ =	vpop (xrf2)  }
0xc4: {  	s4 =	sadd.s32 $0x2, s19;
	s5 =	sadd.s32 $0x3, s19;
	v58 =	vmov s19;
	v14, _, _ =	vpop (xrf2)  }
0xc5: {  	s6 =	sadd.s32 $0x1, s19;
	v59 =	vmov s4;
	v60 =	vmov s5;
	v14 =	vbroadcast v14, $0xF  }
0xc6: {  	vm0 =	veq.s32 v58, v0;
	v61 =	vmov s6;
	v12 =	vbroadcast v57, $0xF  }
0xc7: {  	vm1 =	veq.s32 v61, v0;
	v11 =	vbroadcast v11, $0xF;
	v62, _, _ =	vpop (xrf2);
	v10 =	vsel vm0, v14, v10  }
0xc8: {  	vm14 =	veq.s32 v59, v0;
	v63 =	vbroadcast v62, $0xF;
	v10 =	vsel vm1, v12, v10  }
0xc9: {  	vm15 =	veq.s32 v60, v0;
	v10 =	vsel vm14, v11, v10  }
0xca: {  	v10 =	vsel vm15, v63, v10  }
0xcb: {  	v10 =	vsub.f32 $0.0e+00, v10;
	_ =	sdelay $0x1  }
0xcc: {  	v10 =	vmul.f32 $1.442695020e+00, v10;
	_ =	sdelay $0x1  }
0xcd: {  	(erf) = vpow2.f32 v10;
	_ =	sdelay $0x8  }
0xce: {  	v10 =	vpop (erf)  }
0xcf: {  	v10 =	vadd.f32 $1.000000000e+00, v10;
	_ =	sdelay $0x1  }
0xd0: {  	(erf) = vrcp.f32 v10;
	_ =	sdelay $0x3  }
0xd1: {  	s19 =	sshll.u32 s23, $0x4;
	s23 =	sadd.s32 $0x1, s23  }
0xd2: {  	p0 =	sne.s32 s23, $0x5  }
.Ltmp1:
0xd3: {  	_ = 	snop;
	(pc) =	sbr.rel @p0 .LBB2_3-.Ltmp1, $3  }
0xd4: {  	_ =	sdelay $0x1  }
0xd5: {  	s4 =	sand.u32 $0x3FFFFFF0, s19;
	v10 =	vpop (erf)  }
0xd6: {  	s25 =	sadd.s32 $0x400, s25;
	s26 =	sadd.s32 $0x400, s26;
	[tilespmem:v9+s4+$0x0 ss:$0x1] =	vst.idx.msk $0xffff, v10  }
0xd7: {  	_ =	swait.ge [sflag:s0], $0x1400  }
0xd8: {  	[sflag:s0] =	ssyncset.done $0x0  }
0xd9: {  	p0 =	seq.s32 s21, $0x18;
	[sflag:s0] =	ssyncadd.s32 $0xFFFFEC00  }
0xda: {  	s23 =	smul.u32 @!p0 $0x190, s21;
	_ =	swait.ge [sflag:s2], $0x1400  }
0xdb: {  	s5 =	simm.s32 @!p0 $0x50;
	[sflag:s2] =	ssyncset.done $0x0  }
0xdc: {  	s6 =	simm.s32 @!p0 $0x0;
	s4 =	sadd.s32 @!p0 $0xC990, s23;
	[sflag:s2] =	ssyncadd.s32 $0xFFFFEC00  }
0xdd: {  	[tilespmem:s6], [sflag:$0x1] =	stream.indirect.gather @!p0 [hbm4b:s1+s5], $0x40, s4, s5, $0xb8;
	[tilespmem:$0x13DB0] =	vst v63  }
0xde: {  	s26 =	sadd.s32 $0x116F0, s24;
	s4 =	sadd.s32 @!p0 $0xF0A0, s23;
	s6 =	simm.s32 @!p0 $0x6400  }
0xdf: {  	[tilespmem:s6], [sflag:$0x6] =	stream.indirect.gather @!p0 [hbm4b:s1+s5], $0x40, s4, s5, $0xb8;
	[tilespmem:$0x13DB0] =	vst v63  }
0xe0: {  	s25 =	simm.s32 $0x0;
	s19 =	simm.s32 $0x1480;
	v9 =	vmov s26;
	s5 =	simm.s32 $0x7880  }
.LBB2_7:
0xe1: {  	v10 =	vld [tilespmem:s19+$0x70]  }
0xe2: {  	v11 =	vld [tilespmem:s5+$0x70]  }
0xe3: {  	v12 =	vld [tilespmem:s19+$0x30]  }
0xe4: {  	v13 =	vld [tilespmem:s5+$0x30]  }
0xe5: {  	v14 =	vld [tilespmem:s19+$0xFFFFFFF0]  }
0xe6: {  	v15 =	vld [tilespmem:s5+$0xFFFFFFF0]  }
0xe7: {  	v16 =	vld [tilespmem:s19+$0x60]  }
0xe8: {  	v17 =	vld [tilespmem:s5+$0x60]  }
0xe9: {  	v18 =	vld [tilespmem:s19+$0xFFFFFFB0]  }
0xea: {  	v19 =	vld [tilespmem:s5+$0xFFFFFFB0]  }
0xeb: {  	v20 =	vld [tilespmem:s19+$0x20]  }
0xec: {  	v21 =	vld [tilespmem:s5+$0x20]  }
0xed: {  	v22 =	vld [tilespmem:s19+$0xFFFFFFE0]  }
0xee: {  	v23 =	vld [tilespmem:s5+$0xFFFFFFE0]  }
0xef: {  	v24 =	vld [tilespmem:s19+$0x50]  }
0xf0: {  	v25 =	vld [tilespmem:s5+$0x50]  }
0xf1: {  	v26 =	vld [tilespmem:s19+$0xFFFFFFA0]  }
0xf2: {  	v27 =	vld [tilespmem:s5+$0xFFFFFFA0]  }
0xf3: {  	v28 =	vld [tilespmem:s19+$0x10]  }
0xf4: {  	v29 =	vld [tilespmem:s5+$0x10]  }
0xf5: {  	v30 =	vld [tilespmem:s19+$0xFFFFFFD0]  }
0xf6: {  	v31 =	vld [tilespmem:s5+$0xFFFFFFD0]  }
0xf7: {  	v32 =	vld [tilespmem:s19+$0x40]  }
0xf8: {  	v33 =	vld [tilespmem:s5+$0x40]  }
0xf9: {  	v34 =	vld [tilespmem:s19+$0xFFFFFF90]  }
0xfa: {  	v35 =	vld [tilespmem:s5+$0xFFFFFF90]  }
0xfb: {  	v36 =	vld [tilespmem:s19+$0x0];
	v11 =	vsub.bf16 v10, v11;
	v14 =	vsub.bf16 v14, v15  }
0xfc: {  	v37 =	vld [tilespmem:s5+$0x0];
	v12 =	vsub.bf16 v12, v13;
	v13 =	vsub.bf16 v18, v19  }
0xfd: {  	v16 =	vsub.bf16 v16, v17;
	v17 =	vsub.bf16 v22, v23  }
0xfe: {  	v20 =	vsub.bf16 v20, v21;
	v21 =	vsub.bf16 v26, v27  }
0xff: {  	v22 =	vsub.bf16 v24, v25;
	v23 =	vsub.bf16 v30, v31  }
0x100: {  	v24 =	vsub.bf16 v28, v29;
	v25 =	vsub.bf16 v32, v33  }
0x101: {  	v10 =	vimm.f32 $0.0e+00;
	v26 =	vsub.bf16 v34, v35;
	v28 =	vsub.bf16 v36, v37  }
0x102: {  	v14 =	vand.u32 $0x7FFF7FFF, v14;
	v29 =	vand.u32 $0x7FFF7FFF, v12;
	v16 =	vand.u32 $0x7FFF7FFF, v16  }
0x103: {  	v30 =	vand.u32 $0x7FFF7FFF, v13;
	v17 =	vand.u32 $0x7FFF7FFF, v17;
	v20 =	vand.u32 $0x7FFF7FFF, v20  }
0x104: {  	v21 =	vand.u32 $0x7FFF7FFF, v21;
	v24 =	vand.u32 $0x7FFF7FFF, v24;
	v22 =	vand.u32 $0x7FFF7FFF, v22  }
0x105: {  	v58 =	vand.u32 $0x7FFF7FFF, v26;
	v26 =	vand.u32 $0x7FFF7FFF, v23;
	v25 =	vand.u32 $0x7FFF7FFF, v25  }
0x106: {  	v59 =	vand.u32 $0x7FFF7FFF, v28;
	v60 =	vunpack.i.u.bf16.f32 v14;
	v61 =	vunpack.i.l.bf16.f32 v14  }
0x107: {  	v62 =	vunpack.i.l.bf16.f32 v29;
	v14 =	vunpack.i.u.bf16.f32 v30;
	v13 =	vunpack.i.u.bf16.f32 v16  }
0x108: {  	v38 =	vld [tilespmem:s19+$0xFFFFFFC0];
	v63 =	vunpack.i.l.bf16.f32 v16;
	v39 =	vunpack.i.l.bf16.f32 v30;
	v41 =	vunpack.i.u.bf16.f32 v20  }
0x109: {  	v18 =	vld [tilespmem:s19+$0xFFFFFF80];
	v42 =	vunpack.i.l.bf16.f32 v20;
	v20 =	vunpack.i.u.bf16.f32 v17;
	v23 =	vunpack.i.l.bf16.f32 v17  }
0x10a: {  	v19 =	vld [tilespmem:s5+$0xFFFFFF80];
	v16 =	vunpack.i.u.bf16.f32 v21;
	v43 =	vunpack.i.l.bf16.f32 v22;
	v28 =	vunpack.i.u.bf16.f32 v26  }
0x10b: {  	v15 =	vld [tilespmem:s5+$0xFFFFFFC0];
	v31 =	vunpack.i.u.bf16.f32 v24;
	v44 =	vunpack.i.l.bf16.f32 v24;
	v45 =	vunpack.i.u.bf16.f32 v25  }
0x10c: {  	v46 =	vunpack.i.l.bf16.f32 v25;
	v24 =	vunpack.i.u.bf16.f32 v58;
	v30 =	vunpack.i.l.bf16.f32 v58  }
0x10d: {  	v36 =	vunpack.i.u.bf16.f32 v59;
	v25 =	vmul.f32 v62, v4;
	v17 =	vmul.f32 v63, v3  }
0x10e: {  	v40 =	vunpack.i.l.bf16.f32 v59;
	v32 =	vmul.f32 v42, v3;
	v33 =	vmul.f32 v41, v7  }
0x10f: {  	v35 =	vmul.f32 v44, v2;
	v18 =	vsub.bf16 v18, v19;
	v19 =	vand.u32 $0x7FFF7FFF, v11  }
0x110: {  	v34 =	vmul.f32 v43, v2;
	v15 =	vsub.bf16 v38, v15;
	v11 =	vunpack.i.u.bf16.f32 v19  }
0x111: {  	v12 =	vunpack.i.l.bf16.f32 v19;
	v19 =	vunpack.i.l.bf16.f32 v21;
	v21 =	vmul.f32 v61, v4  }
0x112: {  	v27 =	vand.u32 $0x7FFF7FFF, v18;
	v38 =	vand.u32 $0x7FFF7FFF, v15;
	v18 =	vunpack.i.u.bf16.f32 v29  }
0x113: {  	v15 =	vunpack.i.u.bf16.f32 v22;
	v29 =	vunpack.i.l.bf16.f32 v26;
	v22 =	vmul.f32 v60, v8  }
0x114: {  	s11 =	sadd.s32 $0x100, s19;
	v26 =	vmul.f32 v18, v8;
	v18 =	vmul.f32 v39, v4;
	v37 =	vunpack.i.u.bf16.f32 v38  }
0x115: {  	s4 =	simm.s32 $0x4;
	s26 =	smov.u32 s5;
	s9 =	simm.s32 $0x0;
	v41 =	vunpack.i.l.bf16.f32 v38;
	v38 =	vmul.f32 v46, v1;
	v39 =	vmul.f32 v45, v5  }
.LBB2_8:
0x116: {  	v42 =	vld [tilespmem:s11+$0x70];
	p1 =	sne.s32 s4, $0xC;
	v43 =	vunpack.i.u.bf16.f32 v27;
	v40 =	vmul.f32 v40, v1;
	v36 =	vmul.f32 v36, v5;
	s26 =	sadd.s32 $0x100, s26  }
0x117: {  	v27 =	vunpack.i.l.bf16.f32 v27;
	v41 =	vmul.f32 v41, v1;
	v37 =	vmul.f32 v37, v5;
	v44 =	vld [tilespmem:s26+$0x70]  }
0x118: {  	v27 =	vmul.f32 v27, v1;
	v38 =	vadd.f32 $0.0e+00, v38;
	v39 =	vadd.f32 $0.0e+00, v39;
	v45 =	vld [tilespmem:s11+$0x30]  }
0x119: {  	v43 =	vmul.f32 v43, v5;
	v40 =	vadd.f32 $0.0e+00, v40;
	v36 =	vadd.f32 $0.0e+00, v36;
	v46 =	vld [tilespmem:s26+$0x30]  }
0x11a: {  	v31 =	vmul.f32 v31, v6;
	v41 =	vadd.f32 $0.0e+00, v41;
	v37 =	vadd.f32 $0.0e+00, v37;
	v47 =	vld [tilespmem:s11+$0xFFFFFFF0]  }
0x11b: {  	v29 =	vmul.f32 v29, v2;
	v27 =	vadd.f32 $0.0e+00, v27;
	v43 =	vadd.f32 $0.0e+00, v43;
	v48 =	vld [tilespmem:s26+$0xFFFFFFF0]  }
0x11c: {  	v28 =	vmul.f32 v28, v6;
	v35 =	vadd.f32 v35, v40;
	v31 =	vadd.f32 v31, v36;
	v49 =	vld [tilespmem:s11+$0x60]  }
0x11d: {  	v30 =	vmul.f32 v30, v2;
	v34 =	vadd.f32 v34, v38;
	v29 =	vadd.f32 v29, v41;
	v36 =	vld [tilespmem:s26+$0x60]  }
0x11e: {  	v23 =	vmul.f32 v23, v3;
	v32 =	vadd.f32 v32, v35;
	v31 =	vadd.f32 v33, v31;
	v38 =	vld [tilespmem:s11+$0xFFFFFFB0]  }
0x11f: {  	v20 =	vmul.f32 v20, v7;
	v28 =	vadd.f32 v28, v37;
	v27 =	vadd.f32 v30, v27;
	v33 =	vld [tilespmem:s26+$0xFFFFFFB0]  }
0x120: {  	v24 =	vmul.f32 v24, v6;
	v25 =	vadd.f32 v25, v32;
	v26 =	vadd.f32 v26, v31;
	v30 =	vld [tilespmem:s11+$0x20]  }
0x121: {  	v19 =	vmul.f32 v19, v3;
	v23 =	vadd.f32 v23, v29;
	v20 =	vadd.f32 v20, v28;
	v31 =	vld [tilespmem:s26+$0x20]  }
0x122: {  	v16 =	vmul.f32 v16, v7;
	v24 =	vadd.f32 v24, v43;
	v25 =	vadd.f32 v25, v26;
	v28 =	vld [tilespmem:s11+$0xFFFFFFE0]  }
0x123: {  	v15 =	vmul.f32 v15, v6;
	v21 =	vadd.f32 v21, v23;
	v20 =	vadd.f32 v22, v20;
	v26 =	vld [tilespmem:s26+$0xFFFFFFE0]  }
0x124: {  	v14 =	vmul.f32 v14, v8;
	v19 =	vadd.f32 v19, v27;
	v16 =	vadd.f32 v16, v24;
	v22 =	vld [tilespmem:s11+$0x50];
	(xrf2) =	vadd.scan.msk.f32 $0xffff, v25  }
0x125: {  	v13 =	vmul.f32 v13, v7;
	v15 =	vadd.f32 v15, v39;
	v20 =	vadd.f32 v21, v20;
	v23 =	vld [tilespmem:s26+$0x50]  }
0x126: {  	v12 =	vmul.f32 v12, v4;
	v18 =	vadd.f32 v18, v19;
	v14 =	vadd.f32 v14, v16;
	v21 =	vld [tilespmem:s11+$0xFFFFFFA0]  }
0x127: {  	v11 =	vmul.f32 v11, v8;
	v17 =	vadd.f32 v17, v34;
	v13 =	vadd.f32 v13, v15;
	v16 =	vld [tilespmem:s26+$0xFFFFFFA0];
	(xrf2) =	vadd.scan.msk.f32 $0xffff, v20  }
0x128: {  	v14 =	vadd.f32 v18, v14;
	v15 =	vld [tilespmem:s11+$0x10]  }
0x129: {  	v12 =	vadd.f32 v12, v17;
	v11 =	vadd.f32 v11, v13;
	v18 =	vld [tilespmem:s26+$0x10]  }
0x12a: {  	v13 =	vld [tilespmem:s11+$0xFFFFFFD0];
	(xrf2) =	vadd.scan.msk.f32 $0xffff, v14  }
0x12b: {  	v11 =	vadd.f32 v12, v11;
	v14 =	vld [tilespmem:s26+$0xFFFFFFD0]  }
0x12c: {  	v12 =	vld [tilespmem:s11+$0x40]  }
0x12d: {  	v17 =	vld [tilespmem:s26+$0x40];
	(xrf2) =	vadd.scan.msk.f32 $0xffff, v11  }
0x12e: {  	v11 =	vld [tilespmem:s11+$0xFFFFFF90];
	v19, _, _ =	vpop (xrf2)  }
0x12f: {  	s6 =	sadd.s32 $0x2, s9;
	s7 =	sadd.s32 $0x3, s9;
	v20 =	vld [tilespmem:s26+$0xFFFFFF90]  }
0x130: {  	s8 =	sadd.s32 $0x1, s9;
	v29 =	vmov s7;
	v27 =	vmov s6;
	v25 =	vmov s9;
	s9 =	smov.u32 s4;
	v24 =	vld [tilespmem:s11+$0x0]  }
0x131: {  	v34 =	vsub.bf16 v42, v44;
	vm1 =	veq.s32 v25, v0;
	v25 =	vmov s8;
	v32 =	vld [tilespmem:s26+$0x0];
	v35, _, _ =	vpop (xrf2)  }
0x132: {  	vm0 =	veq.s32 v29, v0;
	v40 =	vsub.bf16 v45, v46;
	v39 =	vsub.bf16 v47, v48;
	v37 =	vld [tilespmem:s11+$0xFFFFFFC0]  }
0x133: {  	vm2 =	veq.s32 v27, v0;
	v36 =	vsub.bf16 v49, v36;
	v29 =	vsub.bf16 v38, v33;
	v33 =	vld [tilespmem:s26+$0xFFFFFFC0]  }
0x134: {  	vm3 =	veq.s32 v25, v0;
	v26 =	vsub.bf16 v28, v26;
	v28 =	vsub.bf16 v30, v31;
	v27 =	vld [tilespmem:s11+$0xFFFFFF80];
	v25, _, _ =	vpop (xrf2)  }
0x135: {  	v16 =	vsub.bf16 v21, v16;
	v21 =	vsub.bf16 v22, v23;
	v30 =	vld [tilespmem:s26+$0xFFFFFF80];
	v22 =	vbroadcast v25, $0xF  }
0x136: {  	v13 =	vsub.bf16 v13, v14;
	v14 =	vsub.bf16 v15, v18;
	v15 =	vbroadcast v35, $0xF  }
0x137: {  	v12 =	vsub.bf16 v12, v17;
	v17 =	vbroadcast v19, $0xF;
	v10 =	vsel vm1, v22, v10;
	v18, _, _ =	vpop (xrf2)  }
0x138: {  	v11 =	vsub.bf16 v11, v20;
	v10 =	vsel vm3, v15, v10;
	v15 =	vbroadcast v18, $0xF  }
0x139: {  	v19 =	vsub.bf16 v24, v32;
	v18 =	vsub.bf16 v37, v33;
	v10 =	vsel vm2, v17, v10  }
0x13a: {  	v20 =	vand.u32 $0x7FFF7FFF, v34;
	v17 =	vsub.bf16 v27, v30;
	v10 =	vsel vm0, v15, v10  }
0x13b: {  	v23 =	vand.u32 $0x7FFF7FFF, v36;
	v22 =	vand.u32 $0x7FFF7FFF, v40;
	v15 =	vand.u32 $0x7FFF7FFF, v39  }
0x13c: {  	v25 =	vand.u32 $0x7FFF7FFF, v26;
	v26 =	vand.u32 $0x7FFF7FFF, v28;
	v24 =	vand.u32 $0x7FFF7FFF, v29  }
0x13d: {  	v21 =	vand.u32 $0x7FFF7FFF, v21;
	v28 =	vand.u32 $0x7FFF7FFF, v16;
	v29 =	vand.u32 $0x7FFF7FFF, v14  }
0x13e: {  	v32 =	vand.u32 $0x7FFF7FFF, v13;
	v33 =	vand.u32 $0x7FFF7FFF, v12;
	v30 =	vand.u32 $0x7FFF7FFF, v11  }
0x13f: {  	v34 =	vand.u32 $0x7FFF7FFF, v19;
	v38 =	vand.u32 $0x7FFF7FFF, v18;
	v27 =	vand.u32 $0x7FFF7FFF, v17  }
0x140: {  	v12 =	vunpack.i.l.bf16.f32 v20;
	v11 =	vunpack.i.u.bf16.f32 v20;
	v17 =	vunpack.i.u.bf16.f32 v22  }
0x141: {  	v18 =	vunpack.i.u.bf16.f32 v15;
	v35 =	vunpack.i.l.bf16.f32 v15;
	v22 =	vunpack.i.l.bf16.f32 v22  }
0x142: {  	v13 =	vunpack.i.u.bf16.f32 v23;
	v14 =	vunpack.i.u.bf16.f32 v24;
	v37 =	vunpack.i.l.bf16.f32 v23  }
0x143: {  	v41 =	vunpack.i.l.bf16.f32 v26;
	v36 =	vunpack.i.l.bf16.f32 v24;
	v39 =	vunpack.i.u.bf16.f32 v26  }
0x144: {  	v23 =	vunpack.i.l.bf16.f32 v25;
	v20 =	vunpack.i.u.bf16.f32 v25;
	v15 =	vunpack.i.u.bf16.f32 v21  }
0x145: {  	v42 =	vunpack.i.l.bf16.f32 v21;
	v16 =	vunpack.i.u.bf16.f32 v28;
	v19 =	vunpack.i.l.bf16.f32 v28  }
0x146: {  	v31 =	vunpack.i.u.bf16.f32 v29;
	v43 =	vunpack.i.l.bf16.f32 v29;
	v28 =	vunpack.i.u.bf16.f32 v32  }
0x147: {  	v29 =	vunpack.i.l.bf16.f32 v32;
	v44 =	vunpack.i.u.bf16.f32 v33;
	v45 =	vunpack.i.l.bf16.f32 v33  }
0x148: {  	v24 =	vunpack.i.u.bf16.f32 v30;
	v25 =	vmul.f32 v22, v4;
	v26 =	vmul.f32 v17, v8  }
.Ltmp2:
0x149: {  	v30 =	vunpack.i.l.bf16.f32 v30;
	v21 =	vmul.f32 v35, v4;
	v22 =	vmul.f32 v18, v8;
	(pc) =	sbr.rel @p1 .LBB2_8-.Ltmp2, $4  }
0x14a: {  	v18 =	vmul.f32 v36, v4;
	v36 =	vunpack.i.u.bf16.f32 v34;
	v17 =	vmul.f32 v37, v3  }
0x14b: {  	v32 =	vmul.f32 v41, v3;
	v40 =	vunpack.i.l.bf16.f32 v34;
	v33 =	vmul.f32 v39, v7  }
0x14c: {  	v35 =	vmul.f32 v43, v2;
	v37 =	vunpack.i.u.bf16.f32 v38;
	v34 =	vmul.f32 v42, v2  }
0x14d: {  	s4 =	sadd.s32 $0x4, s4;
	s11 =	sadd.s32 $0x100, s11;
	v41 =	vunpack.i.l.bf16.f32 v38;
	v39 =	vmul.f32 v44, v5;
	v38 =	vmul.f32 v45, v1  }
0x14e: {  	v40 =	vmul.f32 v40, v1;
	v36 =	vmul.f32 v36, v5  }
0x14f: {  	v42 =	vunpack.i.u.bf16.f32 v27;
	v41 =	vmul.f32 v41, v1;
	v37 =	vmul.f32 v37, v5  }
0x150: {  	v55 =	vunpack.i.l.bf16.f32 v27;
	v31 =	vmul.f32 v31, v6;
	v29 =	vmul.f32 v29, v2  }
0x151: {  	v27 =	vmul.f32 v55, v1;
	v38 =	vadd.f32 $0.0e+00, v38;
	v39 =	vadd.f32 $0.0e+00, v39  }
0x152: {  	v42 =	vmul.f32 v42, v5;
	v40 =	vadd.f32 $0.0e+00, v40;
	v36 =	vadd.f32 $0.0e+00, v36  }
0x153: {  	v15 =	vmul.f32 v15, v6;
	v41 =	vadd.f32 $0.0e+00, v41;
	v37 =	vadd.f32 $0.0e+00, v37  }
0x154: {  	v28 =	vmul.f32 v28, v6;
	v27 =	vadd.f32 $0.0e+00, v27;
	v42 =	vadd.f32 $0.0e+00, v42  }
0x155: {  	v30 =	vmul.f32 v30, v2;
	v34 =	vadd.f32 v34, v38;
	v15 =	vadd.f32 v15, v39  }
0x156: {  	v24 =	vmul.f32 v24, v6;
	v35 =	vadd.f32 v35, v40;
	v31 =	vadd.f32 v31, v36  }
0x157: {  	v23 =	vmul.f32 v23, v3;
	v29 =	vadd.f32 v29, v41;
	v28 =	vadd.f32 v28, v37  }
0x158: {  	v20 =	vmul.f32 v20, v7;
	v27 =	vadd.f32 v30, v27;
	v24 =	vadd.f32 v24, v42  }
0x159: {  	v19 =	vmul.f32 v19, v3;
	v56 =	vadd.f32 v17, v34;
	v32 =	vadd.f32 v32, v35  }
0x15a: {  	v16 =	vmul.f32 v16, v7;
	v31 =	vadd.f32 v33, v31;
	v23 =	vadd.f32 v23, v29  }
0x15b: {  	v20 =	vadd.f32 v20, v28;
	v19 =	vadd.f32 v19, v27  }
0x15c: {  	v16 =	vadd.f32 v16, v24;
	v25 =	vadd.f32 v25, v32  }
0x15d: {  	v14 =	vmul.f32 v14, v8;
	v26 =	vadd.f32 v26, v31;
	v21 =	vadd.f32 v21, v23  }
0x15e: {  	v13 =	vmul.f32 v13, v7;
	v20 =	vadd.f32 v22, v20;
	v18 =	vadd.f32 v18, v19  }
0x15f: {  	v12 =	vmul.f32 v12, v4;
	v14 =	vadd.f32 v14, v16;
	v25 =	vadd.f32 v25, v26  }
0x160: {  	v11 =	vmul.f32 v11, v8;
	v13 =	vadd.f32 v13, v15;
	v20 =	vadd.f32 v21, v20  }
0x161: {  	v14 =	vadd.f32 v18, v14;
	(xrf2) =	vadd.scan.msk.f32 $0xffff, v25  }
0x162: {  	v12 =	vadd.f32 v12, v56;
	v11 =	vadd.f32 v11, v13;
	(xrf2) =	vadd.scan.msk.f32 $0xffff, v20  }
0x163: {  	(xrf2) =	vadd.scan.msk.f32 $0xffff, v14  }
0x164: {  	v11 =	vadd.f32 v12, v11;
	_ =	sdelay $0x1  }
0x165: {  	(xrf2) =	vadd.scan.msk.f32 $0xffff, v11;
	_ =	sdelay $0x4  }
0x166: {  	v11, _, _ =	vpop (xrf2)  }
0x167: {  	v57, _, _ =	vpop (xrf2)  }
0x168: {  	s4 =	sadd.s32 $0x2, s9;
	s6 =	sadd.s32 $0x3, s9;
	v58 =	vmov s9;
	v14, _, _ =	vpop (xrf2)  }
0x169: {  	s7 =	sadd.s32 $0x1, s9;
	v59 =	vmov s4;
	v60 =	vmov s6;
	v14 =	vbroadcast v14, $0xF  }
0x16a: {  	vm0 =	veq.s32 v58, v0;
	v61 =	vmov s7;
	v12 =	vbroadcast v57, $0xF  }
0x16b: {  	vm1 =	veq.s32 v61, v0;
	v11 =	vbroadcast v11, $0xF;
	v62, _, _ =	vpop (xrf2);
	v10 =	vsel vm0, v14, v10  }
0x16c: {  	vm14 =	veq.s32 v59, v0;
	v63 =	vbroadcast v62, $0xF;
	v10 =	vsel vm1, v12, v10  }
0x16d: {  	vm15 =	veq.s32 v60, v0;
	v10 =	vsel vm14, v11, v10  }
0x16e: {  	v10 =	vsel vm15, v63, v10  }
0x16f: {  	v10 =	vsub.f32 $0.0e+00, v10;
	_ =	sdelay $0x1  }
0x170: {  	v10 =	vmul.f32 $1.442695020e+00, v10;
	_ =	sdelay $0x1  }
0x171: {  	(erf) = vpow2.f32 v10;
	_ =	sdelay $0x8  }
0x172: {  	v10 =	vpop (erf)  }
0x173: {  	v10 =	vadd.f32 $1.000000000e+00, v10;
	_ =	sdelay $0x1  }
0x174: {  	(erf) = vrcp.f32 v10;
	_ =	sdelay $0x3  }
0x175: {  	s26 =	sshll.u32 s25, $0x4;
	s25 =	sadd.s32 $0x1, s25  }
0x176: {  	p1 =	sne.s32 s25, $0x5  }
.Ltmp3:
0x177: {  	_ = 	snop;
	(pc) =	sbr.rel @p1 .LBB2_7-.Ltmp3, $3  }
0x178: {  	_ =	sdelay $0x1  }
0x179: {  	s4 =	sand.u32 $0x3FFFFFF0, s26;
	v10 =	vpop (erf)  }
0x17a: {  	s5 =	sadd.s32 $0x400, s5;
	s19 =	sadd.s32 $0x400, s19;
	[tilespmem:v9+s4+$0x0 ss:$0x1] =	vst.idx.msk $0xffff, v10  }
0x17b: {  	_ =	swait.ge [sflag:s12], $0x1400  }
0x17c: {  	[sflag:s12] =	ssyncset.done $0x0  }
0x17d: {  	[sflag:s12] =	ssyncadd.s32 $0xFFFFEC00  }
0x17e: {  	s4 =	sadd.s32 @!p0 $0xC9E0, s23;
	s5 =	simm.s32 @!p0 $0x50;
	_ =	swait.ge [sflag:s14], $0x1400  }
0x17f: {  	s6 =	simm.s32 @!p0 $0x1400;
	s11 =	sadd.s32 $0x11740, s24;
	[sflag:s14] =	ssyncset.done $0x0  }
0x180: {  	s25 =	simm.s32 $0x0;
	s26 =	simm.s32 $0x8C80;
	[sflag:s14] =	ssyncadd.s32 $0xFFFFEC00  }
0x181: {  	[tilespmem:s6], [sflag:$0x2] =	stream.indirect.gather @!p0 [hbm4b:s1+s5], $0x40, s4, s5, $0xb8;
	[tilespmem:$0x13DB0] =	vst v63  }
0x182: {  	s19 =	simm.s32 $0x2880;
	s4 =	sadd.s32 @!p0 $0xF0F0, s23;
	s6 =	simm.s32 @!p0 $0x7800  }
0x183: {  	v9 =	vmov s11;
	[tilespmem:s6], [sflag:$0x7] =	stream.indirect.gather @!p0 [hbm4b:s1+s5], $0x40, s4, s5, $0xb8;
	[tilespmem:$0x13DB0] =	vst v63  }
.LBB2_11:
0x184: {  	v10 =	vld [tilespmem:s19+$0x70]  }
0x185: {  	v11 =	vld [tilespmem:s26+$0x70]  }
0x186: {  	v12 =	vld [tilespmem:s19+$0x30]  }
0x187: {  	v13 =	vld [tilespmem:s26+$0x30]  }
0x188: {  	v14 =	vld [tilespmem:s19+$0xFFFFFFF0]  }
0x189: {  	v15 =	vld [tilespmem:s26+$0xFFFFFFF0]  }
0x18a: {  	v16 =	vld [tilespmem:s19+$0x60]  }
0x18b: {  	v17 =	vld [tilespmem:s26+$0x60]  }
0x18c: {  	v18 =	vld [tilespmem:s19+$0xFFFFFFB0]  }
0x18d: {  	v19 =	vld [tilespmem:s26+$0xFFFFFFB0]  }
0x18e: {  	v20 =	vld [tilespmem:s19+$0x20]  }
0x18f: {  	v21 =	vld [tilespmem:s26+$0x20]  }
0x190: {  	v22 =	vld [tilespmem:s19+$0xFFFFFFE0]  }
0x191: {  	v23 =	vld [tilespmem:s26+$0xFFFFFFE0]  }
0x192: {  	v24 =	vld [tilespmem:s19+$0x50]  }
0x193: {  	v25 =	vld [tilespmem:s26+$0x50]  }
0x194: {  	v26 =	vld [tilespmem:s19+$0xFFFFFFA0]  }
0x195: {  	v27 =	vld [tilespmem:s26+$0xFFFFFFA0]  }
0x196: {  	v28 =	vld [tilespmem:s19+$0x10]  }
0x197: {  	v29 =	vld [tilespmem:s26+$0x10]  }
0x198: {  	v30 =	vld [tilespmem:s19+$0xFFFFFFD0]  }
0x199: {  	v31 =	vld [tilespmem:s26+$0xFFFFFFD0]  }
0x19a: {  	v32 =	vld [tilespmem:s19+$0x40]  }
0x19b: {  	v33 =	vld [tilespmem:s26+$0x40]  }
0x19c: {  	v34 =	vld [tilespmem:s19+$0xFFFFFF90]  }
0x19d: {  	v35 =	vld [tilespmem:s26+$0xFFFFFF90]  }
0x19e: {  	v36 =	vld [tilespmem:s19+$0x0];
	v11 =	vsub.bf16 v10, v11;
	v14 =	vsub.bf16 v14, v15  }
0x19f: {  	v37 =	vld [tilespmem:s26+$0x0];
	v12 =	vsub.bf16 v12, v13;
	v13 =	vsub.bf16 v18, v19  }
0x1a0: {  	v16 =	vsub.bf16 v16, v17;
	v17 =	vsub.bf16 v22, v23  }
0x1a1: {  	v20 =	vsub.bf16 v20, v21;
	v21 =	vsub.bf16 v26, v27  }
0x1a2: {  	v22 =	vsub.bf16 v24, v25;
	v23 =	vsub.bf16 v30, v31  }
0x1a3: {  	v24 =	vsub.bf16 v28, v29;
	v25 =	vsub.bf16 v32, v33  }
0x1a4: {  	v10 =	vimm.f32 $0.0e+00;
	v26 =	vsub.bf16 v34, v35;
	v28 =	vsub.bf16 v36, v37  }
0x1a5: {  	v14 =	vand.u32 $0x7FFF7FFF, v14;
	v29 =	vand.u32 $0x7FFF7FFF, v12;
	v16 =	vand.u32 $0x7FFF7FFF, v16  }
0x1a6: {  	v30 =	vand.u32 $0x7FFF7FFF, v13;
	v17 =	vand.u32 $0x7FFF7FFF, v17;
	v20 =	vand.u32 $0x7FFF7FFF, v20  }
0x1a7: {  	v21 =	vand.u32 $0x7FFF7FFF, v21;
	v24 =	vand.u32 $0x7FFF7FFF, v24;
	v22 =	vand.u32 $0x7FFF7FFF, v22  }
0x1a8: {  	v58 =	vand.u32 $0x7FFF7FFF, v26;
	v26 =	vand.u32 $0x7FFF7FFF, v23;
	v25 =	vand.u32 $0x7FFF7FFF, v25  }
0x1a9: {  	v59 =	vand.u32 $0x7FFF7FFF, v28;
	v60 =	vunpack.i.u.bf16.f32 v14;
	v61 =	vunpack.i.l.bf16.f32 v14  }
0x1aa: {  	v62 =	vunpack.i.l.bf16.f32 v29;
	v14 =	vunpack.i.u.bf16.f32 v30;
	v13 =	vunpack.i.u.bf16.f32 v16  }
0x1ab: {  	v38 =	vld [tilespmem:s19+$0xFFFFFFC0];
	v63 =	vunpack.i.l.bf16.f32 v16;
	v39 =	vunpack.i.l.bf16.f32 v30;
	v41 =	vunpack.i.u.bf16.f32 v20  }
0x1ac: {  	v18 =	vld [tilespmem:s19+$0xFFFFFF80];
	v42 =	vunpack.i.l.bf16.f32 v20;
	v20 =	vunpack.i.u.bf16.f32 v17;
	v23 =	vunpack.i.l.bf16.f32 v17  }
0x1ad: {  	v19 =	vld [tilespmem:s26+$0xFFFFFF80];
	v16 =	vunpack.i.u.bf16.f32 v21;
	v43 =	vunpack.i.l.bf16.f32 v22;
	v28 =	vunpack.i.u.bf16.f32 v26  }
0x1ae: {  	v15 =	vld [tilespmem:s26+$0xFFFFFFC0];
	v31 =	vunpack.i.u.bf16.f32 v24;
	v44 =	vunpack.i.l.bf16.f32 v24;
	v45 =	vunpack.i.u.bf16.f32 v25  }
0x1af: {  	v46 =	vunpack.i.l.bf16.f32 v25;
	v24 =	vunpack.i.u.bf16.f32 v58;
	v30 =	vunpack.i.l.bf16.f32 v58  }
0x1b0: {  	v36 =	vunpack.i.u.bf16.f32 v59;
	v25 =	vmul.f32 v62, v4;
	v17 =	vmul.f32 v63, v3  }
0x1b1: {  	v40 =	vunpack.i.l.bf16.f32 v59;
	v32 =	vmul.f32 v42, v3;
	v33 =	vmul.f32 v41, v7  }
0x1b2: {  	v35 =	vmul.f32 v44, v2;
	v18 =	vsub.bf16 v18, v19;
	v19 =	vand.u32 $0x7FFF7FFF, v11  }
0x1b3: {  	v34 =	vmul.f32 v43, v2;
	v15 =	vsub.bf16 v38, v15;
	v11 =	vunpack.i.u.bf16.f32 v19  }
0x1b4: {  	v12 =	vunpack.i.l.bf16.f32 v19;
	v19 =	vunpack.i.l.bf16.f32 v21;
	v21 =	vmul.f32 v61, v4  }
0x1b5: {  	v27 =	vand.u32 $0x7FFF7FFF, v18;
	v38 =	vand.u32 $0x7FFF7FFF, v15;
	v18 =	vunpack.i.u.bf16.f32 v29  }
0x1b6: {  	v15 =	vunpack.i.u.bf16.f32 v22;
	v29 =	vunpack.i.l.bf16.f32 v26;
	v22 =	vmul.f32 v60, v8  }
0x1b7: {  	s11 =	sadd.s32 $0x100, s19;
	v26 =	vmul.f32 v18, v8;
	v18 =	vmul.f32 v39, v4;
	v37 =	vunpack.i.u.bf16.f32 v38  }
0x1b8: {  	s4 =	simm.s32 $0x4;
	s5 =	smov.u32 s26;
	s9 =	simm.s32 $0x0;
	v41 =	vunpack.i.l.bf16.f32 v38;
	v38 =	vmul.f32 v46, v1;
	v39 =	vmul.f32 v45, v5  }
.LBB2_12:
0x1b9: {  	v42 =	vld [tilespmem:s11+$0x70];
	p1 =	sne.s32 s4, $0xC;
	v43 =	vunpack.i.u.bf16.f32 v27;
	v40 =	vmul.f32 v40, v1;
	v36 =	vmul.f32 v36, v5;
	s5 =	sadd.s32 $0x100, s5  }
0x1ba: {  	v27 =	vunpack.i.l.bf16.f32 v27;
	v41 =	vmul.f32 v41, v1;
	v37 =	vmul.f32 v37, v5;
	v44 =	vld [tilespmem:s5+$0x70]  }
0x1bb: {  	v27 =	vmul.f32 v27, v1;
	v38 =	vadd.f32 $0.0e+00, v38;
	v39 =	vadd.f32 $0.0e+00, v39;
	v45 =	vld [tilespmem:s11+$0x30]  }
0x1bc: {  	v43 =	vmul.f32 v43, v5;
	v40 =	vadd.f32 $0.0e+00, v40;
	v36 =	vadd.f32 $0.0e+00, v36;
	v46 =	vld [tilespmem:s5+$0x30]  }
0x1bd: {  	v31 =	vmul.f32 v31, v6;
	v41 =	vadd.f32 $0.0e+00, v41;
	v37 =	vadd.f32 $0.0e+00, v37;
	v47 =	vld [tilespmem:s11+$0xFFFFFFF0]  }
0x1be: {  	v29 =	vmul.f32 v29, v2;
	v27 =	vadd.f32 $0.0e+00, v27;
	v43 =	vadd.f32 $0.0e+00, v43;
	v48 =	vld [tilespmem:s5+$0xFFFFFFF0]  }
0x1bf: {  	v28 =	vmul.f32 v28, v6;
	v35 =	vadd.f32 v35, v40;
	v31 =	vadd.f32 v31, v36;
	v49 =	vld [tilespmem:s11+$0x60]  }
0x1c0: {  	v30 =	vmul.f32 v30, v2;
	v34 =	vadd.f32 v34, v38;
	v29 =	vadd.f32 v29, v41;
	v36 =	vld [tilespmem:s5+$0x60]  }
0x1c1: {  	v23 =	vmul.f32 v23, v3;
	v32 =	vadd.f32 v32, v35;
	v31 =	vadd.f32 v33, v31;
	v38 =	vld [tilespmem:s11+$0xFFFFFFB0]  }
0x1c2: {  	v20 =	vmul.f32 v20, v7;
	v28 =	vadd.f32 v28, v37;
	v27 =	vadd.f32 v30, v27;
	v33 =	vld [tilespmem:s5+$0xFFFFFFB0]  }
0x1c3: {  	v24 =	vmul.f32 v24, v6;
	v25 =	vadd.f32 v25, v32;
	v26 =	vadd.f32 v26, v31;
	v30 =	vld [tilespmem:s11+$0x20]  }
0x1c4: {  	v19 =	vmul.f32 v19, v3;
	v23 =	vadd.f32 v23, v29;
	v20 =	vadd.f32 v20, v28;
	v31 =	vld [tilespmem:s5+$0x20]  }
0x1c5: {  	v16 =	vmul.f32 v16, v7;
	v24 =	vadd.f32 v24, v43;
	v25 =	vadd.f32 v25, v26;
	v28 =	vld [tilespmem:s11+$0xFFFFFFE0]  }
0x1c6: {  	v15 =	vmul.f32 v15, v6;
	v21 =	vadd.f32 v21, v23;
	v20 =	vadd.f32 v22, v20;
	v26 =	vld [tilespmem:s5+$0xFFFFFFE0]  }
0x1c7: {  	v14 =	vmul.f32 v14, v8;
	v19 =	vadd.f32 v19, v27;
	v16 =	vadd.f32 v16, v24;
	v22 =	vld [tilespmem:s11+$0x50];
	(xrf2) =	vadd.scan.msk.f32 $0xffff, v25  }
0x1c8: {  	v13 =	vmul.f32 v13, v7;
	v15 =	vadd.f32 v15, v39;
	v20 =	vadd.f32 v21, v20;
	v23 =	vld [tilespmem:s5+$0x50]  }
0x1c9: {  	v12 =	vmul.f32 v12, v4;
	v18 =	vadd.f32 v18, v19;
	v14 =	vadd.f32 v14, v16;
	v21 =	vld [tilespmem:s11+$0xFFFFFFA0]  }
0x1ca: {  	v11 =	vmul.f32 v11, v8;
	v17 =	vadd.f32 v17, v34;
	v13 =	vadd.f32 v13, v15;
	v16 =	vld [tilespmem:s5+$0xFFFFFFA0];
	(xrf2) =	vadd.scan.msk.f32 $0xffff, v20  }
0x1cb: {  	v14 =	vadd.f32 v18, v14;
	v15 =	vld [tilespmem:s11+$0x10]  }
0x1cc: {  	v12 =	vadd.f32 v12, v17;
	v11 =	vadd.f32 v11, v13;
	v18 =	vld [tilespmem:s5+$0x10]  }
0x1cd: {  	v13 =	vld [tilespmem:s11+$0xFFFFFFD0];
	(xrf2) =	vadd.scan.msk.f32 $0xffff, v14  }
0x1ce: {  	v11 =	vadd.f32 v12, v11;
	v14 =	vld [tilespmem:s5+$0xFFFFFFD0]  }
0x1cf: {  	v12 =	vld [tilespmem:s11+$0x40]  }
0x1d0: {  	v17 =	vld [tilespmem:s5+$0x40];
	(xrf2) =	vadd.scan.msk.f32 $0xffff, v11  }
0x1d1: {  	v11 =	vld [tilespmem:s11+$0xFFFFFF90];
	v19, _, _ =	vpop (xrf2)  }
0x1d2: {  	s6 =	sadd.s32 $0x2, s9;
	s7 =	sadd.s32 $0x3, s9;
	v20 =	vld [tilespmem:s5+$0xFFFFFF90]  }
0x1d3: {  	s8 =	sadd.s32 $0x1, s9;
	v29 =	vmov s7;
	v27 =	vmov s6;
	v25 =	vmov s9;
	s9 =	smov.u32 s4;
	v24 =	vld [tilespmem:s11+$0x0]  }
0x1d4: {  	v34 =	vsub.bf16 v42, v44;
	vm1 =	veq.s32 v25, v0;
	v25 =	vmov s8;
	v32 =	vld [tilespmem:s5+$0x0];
	v35, _, _ =	vpop (xrf2)  }
0x1d5: {  	vm0 =	veq.s32 v29, v0;
	v40 =	vsub.bf16 v45, v46;
	v39 =	vsub.bf16 v47, v48;
	v37 =	vld [tilespmem:s11+$0xFFFFFFC0]  }
0x1d6: {  	vm2 =	veq.s32 v27, v0;
	v36 =	vsub.bf16 v49, v36;
	v29 =	vsub.bf16 v38, v33;
	v33 =	vld [tilespmem:s5+$0xFFFFFFC0]  }
0x1d7: {  	vm3 =	veq.s32 v25, v0;
	v26 =	vsub.bf16 v28, v26;
	v28 =	vsub.bf16 v30, v31;
	v27 =	vld [tilespmem:s11+$0xFFFFFF80];
	v25, _, _ =	vpop (xrf2)  }
0x1d8: {  	v16 =	vsub.bf16 v21, v16;
	v21 =	vsub.bf16 v22, v23;
	v30 =	vld [tilespmem:s5+$0xFFFFFF80];
	v22 =	vbroadcast v25, $0xF  }
0x1d9: {  	v13 =	vsub.bf16 v13, v14;
	v14 =	vsub.bf16 v15, v18;
	v15 =	vbroadcast v35, $0xF  }
0x1da: {  	v12 =	vsub.bf16 v12, v17;
	v17 =	vbroadcast v19, $0xF;
	v10 =	vsel vm1, v22, v10;
	v18, _, _ =	vpop (xrf2)  }
0x1db: {  	v11 =	vsub.bf16 v11, v20;
	v10 =	vsel vm3, v15, v10;
	v15 =	vbroadcast v18, $0xF  }
0x1dc: {  	v19 =	vsub.bf16 v24, v32;
	v18 =	vsub.bf16 v37, v33;
	v10 =	vsel vm2, v17, v10  }
0x1dd: {  	v20 =	vand.u32 $0x7FFF7FFF, v34;
	v17 =	vsub.bf16 v27, v30;
	v10 =	vsel vm0, v15, v10  }
0x1de: {  	v23 =	vand.u32 $0x7FFF7FFF, v36;
	v22 =	vand.u32 $0x7FFF7FFF, v40;
	v15 =	vand.u32 $0x7FFF7FFF, v39  }
0x1df: {  	v25 =	vand.u32 $0x7FFF7FFF, v26;
	v26 =	vand.u32 $0x7FFF7FFF, v28;
	v24 =	vand.u32 $0x7FFF7FFF, v29  }
0x1e0: {  	v21 =	vand.u32 $0x7FFF7FFF, v21;
	v28 =	vand.u32 $0x7FFF7FFF, v16;
	v29 =	vand.u32 $0x7FFF7FFF, v14  }
0x1e1: {  	v32 =	vand.u32 $0x7FFF7FFF, v13;
	v33 =	vand.u32 $0x7FFF7FFF, v12;
	v30 =	vand.u32 $0x7FFF7FFF, v11  }
0x1e2: {  	v34 =	vand.u32 $0x7FFF7FFF, v19;
	v38 =	vand.u32 $0x7FFF7FFF, v18;
	v27 =	vand.u32 $0x7FFF7FFF, v17  }
0x1e3: {  	v12 =	vunpack.i.l.bf16.f32 v20;
	v11 =	vunpack.i.u.bf16.f32 v20;
	v17 =	vunpack.i.u.bf16.f32 v22  }
0x1e4: {  	v18 =	vunpack.i.u.bf16.f32 v15;
	v35 =	vunpack.i.l.bf16.f32 v15;
	v22 =	vunpack.i.l.bf16.f32 v22  }
0x1e5: {  	v13 =	vunpack.i.u.bf16.f32 v23;
	v14 =	vunpack.i.u.bf16.f32 v24;
	v37 =	vunpack.i.l.bf16.f32 v23  }
0x1e6: {  	v41 =	vunpack.i.l.bf16.f32 v26;
	v36 =	vunpack.i.l.bf16.f32 v24;
	v39 =	vunpack.i.u.bf16.f32 v26  }
0x1e7: {  	v23 =	vunpack.i.l.bf16.f32 v25;
	v20 =	vunpack.i.u.bf16.f32 v25;
	v15 =	vunpack.i.u.bf16.f32 v21  }
0x1e8: {  	v42 =	vunpack.i.l.bf16.f32 v21;
	v16 =	vunpack.i.u.bf16.f32 v28;
	v19 =	vunpack.i.l.bf16.f32 v28  }
0x1e9: {  	v31 =	vunpack.i.u.bf16.f32 v29;
	v43 =	vunpack.i.l.bf16.f32 v29;
	v28 =	vunpack.i.u.bf16.f32 v32  }
0x1ea: {  	v29 =	vunpack.i.l.bf16.f32 v32;
	v44 =	vunpack.i.u.bf16.f32 v33;
	v45 =	vunpack.i.l.bf16.f32 v33  }
0x1eb: {  	v24 =	vunpack.i.u.bf16.f32 v30;
	v25 =	vmul.f32 v22, v4;
	v26 =	vmul.f32 v17, v8  }
.Ltmp4:
0x1ec: {  	v30 =	vunpack.i.l.bf16.f32 v30;
	v21 =	vmul.f32 v35, v4;
	v22 =	vmul.f32 v18, v8;
	(pc) =	sbr.rel @p1 .LBB2_12-.Ltmp4, $4  }
0x1ed: {  	v18 =	vmul.f32 v36, v4;
	v36 =	vunpack.i.u.bf16.f32 v34;
	v17 =	vmul.f32 v37, v3  }
0x1ee: {  	v32 =	vmul.f32 v41, v3;
	v40 =	vunpack.i.l.bf16.f32 v34;
	v33 =	vmul.f32 v39, v7  }
0x1ef: {  	v35 =	vmul.f32 v43, v2;
	v37 =	vunpack.i.u.bf16.f32 v38;
	v34 =	vmul.f32 v42, v2  }
0x1f0: {  	s4 =	sadd.s32 $0x4, s4;
	s11 =	sadd.s32 $0x100, s11;
	v41 =	vunpack.i.l.bf16.f32 v38;
	v39 =	vmul.f32 v44, v5;
	v38 =	vmul.f32 v45, v1  }
0x1f1: {  	v40 =	vmul.f32 v40, v1;
	v36 =	vmul.f32 v36, v5  }
0x1f2: {  	v42 =	vunpack.i.u.bf16.f32 v27;
	v41 =	vmul.f32 v41, v1;
	v37 =	vmul.f32 v37, v5  }
0x1f3: {  	v55 =	vunpack.i.l.bf16.f32 v27;
	v31 =	vmul.f32 v31, v6;
	v29 =	vmul.f32 v29, v2  }
0x1f4: {  	v27 =	vmul.f32 v55, v1;
	v38 =	vadd.f32 $0.0e+00, v38;
	v39 =	vadd.f32 $0.0e+00, v39  }
0x1f5: {  	v42 =	vmul.f32 v42, v5;
	v40 =	vadd.f32 $0.0e+00, v40;
	v36 =	vadd.f32 $0.0e+00, v36  }
0x1f6: {  	v15 =	vmul.f32 v15, v6;
	v41 =	vadd.f32 $0.0e+00, v41;
	v37 =	vadd.f32 $0.0e+00, v37  }
0x1f7: {  	v28 =	vmul.f32 v28, v6;
	v27 =	vadd.f32 $0.0e+00, v27;
	v42 =	vadd.f32 $0.0e+00, v42  }
0x1f8: {  	v30 =	vmul.f32 v30, v2;
	v34 =	vadd.f32 v34, v38;
	v15 =	vadd.f32 v15, v39  }
0x1f9: {  	v24 =	vmul.f32 v24, v6;
	v35 =	vadd.f32 v35, v40;
	v31 =	vadd.f32 v31, v36  }
0x1fa: {  	v23 =	vmul.f32 v23, v3;
	v29 =	vadd.f32 v29, v41;
	v28 =	vadd.f32 v28, v37  }
0x1fb: {  	v20 =	vmul.f32 v20, v7;
	v27 =	vadd.f32 v30, v27;
	v24 =	vadd.f32 v24, v42  }
0x1fc: {  	v19 =	vmul.f32 v19, v3;
	v56 =	vadd.f32 v17, v34;
	v32 =	vadd.f32 v32, v35  }
0x1fd: {  	v16 =	vmul.f32 v16, v7;
	v31 =	vadd.f32 v33, v31;
	v23 =	vadd.f32 v23, v29  }
0x1fe: {  	v20 =	vadd.f32 v20, v28;
	v19 =	vadd.f32 v19, v27  }
0x1ff: {  	v16 =	vadd.f32 v16, v24;
	v25 =	vadd.f32 v25, v32  }
0x200: {  	v14 =	vmul.f32 v14, v8;
	v26 =	vadd.f32 v26, v31;
	v21 =	vadd.f32 v21, v23  }
0x201: {  	v13 =	vmul.f32 v13, v7;
	v20 =	vadd.f32 v22, v20;
	v18 =	vadd.f32 v18, v19  }
0x202: {  	v12 =	vmul.f32 v12, v4;
	v14 =	vadd.f32 v14, v16;
	v25 =	vadd.f32 v25, v26  }
0x203: {  	v11 =	vmul.f32 v11, v8;
	v13 =	vadd.f32 v13, v15;
	v20 =	vadd.f32 v21, v20  }
0x204: {  	v14 =	vadd.f32 v18, v14;
	(xrf2) =	vadd.scan.msk.f32 $0xffff, v25  }
0x205: {  	v12 =	vadd.f32 v12, v56;
	v11 =	vadd.f32 v11, v13;
	(xrf2) =	vadd.scan.msk.f32 $0xffff, v20  }
0x206: {  	(xrf2) =	vadd.scan.msk.f32 $0xffff, v14  }
0x207: {  	v11 =	vadd.f32 v12, v11;
	_ =	sdelay $0x1  }
0x208: {  	(xrf2) =	vadd.scan.msk.f32 $0xffff, v11;
	_ =	sdelay $0x4  }
0x209: {  	v11, _, _ =	vpop (xrf2)  }
0x20a: {  	v57, _, _ =	vpop (xrf2)  }
0x20b: {  	s4 =	sadd.s32 $0x2, s9;
	s5 =	sadd.s32 $0x3, s9;
	v58 =	vmov s9;
	v14, _, _ =	vpop (xrf2)  }
0x20c: {  	s6 =	sadd.s32 $0x1, s9;
	v59 =	vmov s4;
	v60 =	vmov s5;
	v14 =	vbroadcast v14, $0xF  }
0x20d: {  	vm0 =	veq.s32 v58, v0;
	v61 =	vmov s6;
	v12 =	vbroadcast v57, $0xF  }
0x20e: {  	vm1 =	veq.s32 v61, v0;
	v11 =	vbroadcast v11, $0xF;
	v62, _, _ =	vpop (xrf2);
	v10 =	vsel vm0, v14, v10  }
0x20f: {  	vm14 =	veq.s32 v59, v0;
	v63 =	vbroadcast v62, $0xF;
	v10 =	vsel vm1, v12, v10  }
0x210: {  	vm15 =	veq.s32 v60, v0;
	v10 =	vsel vm14, v11, v10  }
0x211: {  	v10 =	vsel vm15, v63, v10  }
0x212: {  	v10 =	vsub.f32 $0.0e+00, v10;
	_ =	sdelay $0x1  }
0x213: {  	v10 =	vmul.f32 $1.442695020e+00, v10;
	_ =	sdelay $0x1  }
0x214: {  	(erf) = vpow2.f32 v10;
	_ =	sdelay $0x8  }
0x215: {  	v10 =	vpop (erf)  }
0x216: {  	v10 =	vadd.f32 $1.000000000e+00, v10;
	_ =	sdelay $0x1  }
0x217: {  	(erf) = vrcp.f32 v10;
	_ =	sdelay $0x3  }
0x218: {  	s11 =	sshll.u32 s25, $0x4;
	s25 =	sadd.s32 $0x1, s25  }
0x219: {  	p1 =	sne.s32 s25, $0x5  }
.Ltmp5:
0x21a: {  	_ = 	snop;
	(pc) =	sbr.rel @p1 .LBB2_11-.Ltmp5, $3  }
0x21b: {  	_ =	sdelay $0x1  }
0x21c: {  	s4 =	sand.u32 $0x3FFFFFF0, s11;
	v10 =	vpop (erf)  }
0x21d: {  	s26 =	sadd.s32 $0x400, s26;
	s19 =	sadd.s32 $0x400, s19;
	[tilespmem:v9+s4+$0x0 ss:$0x1] =	vst.idx.msk $0xffff, v10  }
0x21e: {  	_ =	swait.ge [sflag:s15], $0x1400  }
0x21f: {  	[sflag:s15] =	ssyncset.done $0x0  }
0x220: {  	[sflag:s15] =	ssyncadd.s32 $0xFFFFEC00  }
0x221: {  	s4 =	sadd.s32 @!p0 $0xCA30, s23;
	s5 =	simm.s32 @!p0 $0x50;
	_ =	swait.ge [sflag:s16], $0x1400  }
0x222: {  	s6 =	simm.s32 @!p0 $0x2800;
	s26 =	sadd.s32 $0x11790, s24;
	[sflag:s16] =	ssyncset.done $0x0  }
0x223: {  	s24 =	simm.s32 $0x0;
	s25 =	simm.s32 $0xA080;
	[sflag:s16] =	ssyncadd.s32 $0xFFFFEC00  }
0x224: {  	[tilespmem:s6], [sflag:$0x3] =	stream.indirect.gather @!p0 [hbm4b:s1+s5], $0x40, s4, s5, $0xb8;
	[tilespmem:$0x13DB0] =	vst v63  }
0x225: {  	s19 =	simm.s32 $0x3C80;
	s4 =	sadd.s32 @!p0 $0xF140, s23;
	s6 =	simm.s32 @!p0 $0x8C00  }
0x226: {  	v9 =	vmov s26;
	[tilespmem:s6], [sflag:$0x8] =	stream.indirect.gather @!p0 [hbm4b:s1+s5], $0x40, s4, s5, $0xb8;
	[tilespmem:$0x13DB0] =	vst v63  }
.LBB2_15:
0x227: {  	v10 =	vld [tilespmem:s19+$0x70]  }
0x228: {  	v11 =	vld [tilespmem:s25+$0x70]  }
0x229: {  	v12 =	vld [tilespmem:s19+$0x30]  }
0x22a: {  	v13 =	vld [tilespmem:s25+$0x30]  }
0x22b: {  	v14 =	vld [tilespmem:s19+$0xFFFFFFF0]  }
0x22c: {  	v15 =	vld [tilespmem:s25+$0xFFFFFFF0]  }
0x22d: {  	v16 =	vld [tilespmem:s19+$0x60]  }
0x22e: {  	v17 =	vld [tilespmem:s25+$0x60]  }
0x22f: {  	v18 =	vld [tilespmem:s19+$0xFFFFFFB0]  }
0x230: {  	v19 =	vld [tilespmem:s25+$0xFFFFFFB0]  }
0x231: {  	v20 =	vld [tilespmem:s19+$0x20]  }
0x232: {  	v21 =	vld [tilespmem:s25+$0x20]  }
0x233: {  	v22 =	vld [tilespmem:s19+$0xFFFFFFE0]  }
0x234: {  	v23 =	vld [tilespmem:s25+$0xFFFFFFE0]  }
0x235: {  	v24 =	vld [tilespmem:s19+$0x50]  }
0x236: {  	v25 =	vld [tilespmem:s25+$0x50]  }
0x237: {  	v26 =	vld [tilespmem:s19+$0xFFFFFFA0]  }
0x238: {  	v27 =	vld [tilespmem:s25+$0xFFFFFFA0]  }
0x239: {  	v28 =	vld [tilespmem:s19+$0x10]  }
0x23a: {  	v29 =	vld [tilespmem:s25+$0x10]  }
0x23b: {  	v30 =	vld [tilespmem:s19+$0xFFFFFFD0]  }
0x23c: {  	v31 =	vld [tilespmem:s25+$0xFFFFFFD0]  }
0x23d: {  	v32 =	vld [tilespmem:s19+$0x40]  }
0x23e: {  	v33 =	vld [tilespmem:s25+$0x40]  }
0x23f: {  	v34 =	vld [tilespmem:s19+$0xFFFFFF90]  }
0x240: {  	v35 =	vld [tilespmem:s25+$0xFFFFFF90]  }
0x241: {  	v36 =	vld [tilespmem:s19+$0x0];
	v11 =	vsub.bf16 v10, v11;
	v14 =	vsub.bf16 v14, v15  }
0x242: {  	v37 =	vld [tilespmem:s25+$0x0];
	v12 =	vsub.bf16 v12, v13;
	v13 =	vsub.bf16 v18, v19  }
0x243: {  	v16 =	vsub.bf16 v16, v17;
	v17 =	vsub.bf16 v22, v23  }
0x244: {  	v20 =	vsub.bf16 v20, v21;
	v21 =	vsub.bf16 v26, v27  }
0x245: {  	v22 =	vsub.bf16 v24, v25;
	v23 =	vsub.bf16 v30, v31  }
0x246: {  	v24 =	vsub.bf16 v28, v29;
	v25 =	vsub.bf16 v32, v33  }
0x247: {  	v10 =	vimm.f32 $0.0e+00;
	v26 =	vsub.bf16 v34, v35;
	v28 =	vsub.bf16 v36, v37  }
0x248: {  	v14 =	vand.u32 $0x7FFF7FFF, v14;
	v29 =	vand.u32 $0x7FFF7FFF, v12;
	v16 =	vand.u32 $0x7FFF7FFF, v16  }
0x249: {  	v30 =	vand.u32 $0x7FFF7FFF, v13;
	v17 =	vand.u32 $0x7FFF7FFF, v17;
	v20 =	vand.u32 $0x7FFF7FFF, v20  }
0x24a: {  	v21 =	vand.u32 $0x7FFF7FFF, v21;
	v24 =	vand.u32 $0x7FFF7FFF, v24;
	v22 =	vand.u32 $0x7FFF7FFF, v22  }
0x24b: {  	v58 =	vand.u32 $0x7FFF7FFF, v26;
	v26 =	vand.u32 $0x7FFF7FFF, v23;
	v25 =	vand.u32 $0x7FFF7FFF, v25  }
0x24c: {  	v59 =	vand.u32 $0x7FFF7FFF, v28;
	v60 =	vunpack.i.u.bf16.f32 v14;
	v61 =	vunpack.i.l.bf16.f32 v14  }
0x24d: {  	v62 =	vunpack.i.l.bf16.f32 v29;
	v14 =	vunpack.i.u.bf16.f32 v30;
	v13 =	vunpack.i.u.bf16.f32 v16  }
0x24e: {  	v38 =	vld [tilespmem:s19+$0xFFFFFFC0];
	v63 =	vunpack.i.l.bf16.f32 v16;
	v39 =	vunpack.i.l.bf16.f32 v30;
	v41 =	vunpack.i.u.bf16.f32 v20  }
0x24f: {  	v18 =	vld [tilespmem:s19+$0xFFFFFF80];
	v42 =	vunpack.i.l.bf16.f32 v20;
	v20 =	vunpack.i.u.bf16.f32 v17;
	v23 =	vunpack.i.l.bf16.f32 v17  }
0x250: {  	v19 =	vld [tilespmem:s25+$0xFFFFFF80];
	v16 =	vunpack.i.u.bf16.f32 v21;
	v43 =	vunpack.i.l.bf16.f32 v22;
	v28 =	vunpack.i.u.bf16.f32 v26  }
0x251: {  	v15 =	vld [tilespmem:s25+$0xFFFFFFC0];
	v31 =	vunpack.i.u.bf16.f32 v24;
	v44 =	vunpack.i.l.bf16.f32 v24;
	v45 =	vunpack.i.u.bf16.f32 v25  }
0x252: {  	v46 =	vunpack.i.l.bf16.f32 v25;
	v24 =	vunpack.i.u.bf16.f32 v58;
	v30 =	vunpack.i.l.bf16.f32 v58  }
0x253: {  	v36 =	vunpack.i.u.bf16.f32 v59;
	v25 =	vmul.f32 v62, v4;
	v17 =	vmul.f32 v63, v3  }
0x254: {  	v40 =	vunpack.i.l.bf16.f32 v59;
	v32 =	vmul.f32 v42, v3;
	v33 =	vmul.f32 v41, v7  }
0x255: {  	v35 =	vmul.f32 v44, v2;
	v18 =	vsub.bf16 v18, v19;
	v19 =	vand.u32 $0x7FFF7FFF, v11  }
0x256: {  	v34 =	vmul.f32 v43, v2;
	v15 =	vsub.bf16 v38, v15;
	v11 =	vunpack.i.u.bf16.f32 v19  }
0x257: {  	v12 =	vunpack.i.l.bf16.f32 v19;
	v19 =	vunpack.i.l.bf16.f32 v21;
	v21 =	vmul.f32 v61, v4  }
0x258: {  	v27 =	vand.u32 $0x7FFF7FFF, v18;
	v38 =	vand.u32 $0x7FFF7FFF, v15;
	v18 =	vunpack.i.u.bf16.f32 v29  }
0x259: {  	v15 =	vunpack.i.u.bf16.f32 v22;
	v29 =	vunpack.i.l.bf16.f32 v26;
	v22 =	vmul.f32 v60, v8  }
0x25a: {  	s11 =	sadd.s32 $0x100, s19;
	v26 =	vmul.f32 v18, v8;
	v18 =	vmul.f32 v39, v4;
	v37 =	vunpack.i.u.bf16.f32 v38  }
0x25b: {  	s4 =	simm.s32 $0x4;
	s5 =	smov.u32 s25;
	s9 =	simm.s32 $0x0;
	v41 =	vunpack.i.l.bf16.f32 v38;
	v38 =	vmul.f32 v46, v1;
	v39 =	vmul.f32 v45, v5  }
.LBB2_16:
0x25c: {  	v42 =	vld [tilespmem:s11+$0x70];
	p1 =	sne.s32 s4, $0xC;
	v43 =	vunpack.i.u.bf16.f32 v27;
	v40 =	vmul.f32 v40, v1;
	v36 =	vmul.f32 v36, v5;
	s5 =	sadd.s32 $0x100, s5  }
0x25d: {  	v27 =	vunpack.i.l.bf16.f32 v27;
	v41 =	vmul.f32 v41, v1;
	v37 =	vmul.f32 v37, v5;
	v44 =	vld [tilespmem:s5+$0x70]  }
0x25e: {  	v27 =	vmul.f32 v27, v1;
	v38 =	vadd.f32 $0.0e+00, v38;
	v39 =	vadd.f32 $0.0e+00, v39;
	v45 =	vld [tilespmem:s11+$0x30]  }
0x25f: {  	v43 =	vmul.f32 v43, v5;
	v40 =	vadd.f32 $0.0e+00, v40;
	v36 =	vadd.f32 $0.0e+00, v36;
	v46 =	vld [tilespmem:s5+$0x30]  }
0x260: {  	v31 =	vmul.f32 v31, v6;
	v41 =	vadd.f32 $0.0e+00, v41;
	v37 =	vadd.f32 $0.0e+00, v37;
	v47 =	vld [tilespmem:s11+$0xFFFFFFF0]  }
0x261: {  	v29 =	vmul.f32 v29, v2;
	v27 =	vadd.f32 $0.0e+00, v27;
	v43 =	vadd.f32 $0.0e+00, v43;
	v48 =	vld [tilespmem:s5+$0xFFFFFFF0]  }
0x262: {  	v28 =	vmul.f32 v28, v6;
	v35 =	vadd.f32 v35, v40;
	v31 =	vadd.f32 v31, v36;
	v49 =	vld [tilespmem:s11+$0x60]  }
0x263: {  	v30 =	vmul.f32 v30, v2;
	v34 =	vadd.f32 v34, v38;
	v29 =	vadd.f32 v29, v41;
	v36 =	vld [tilespmem:s5+$0x60]  }
0x264: {  	v23 =	vmul.f32 v23, v3;
	v32 =	vadd.f32 v32, v35;
	v31 =	vadd.f32 v33, v31;
	v38 =	vld [tilespmem:s11+$0xFFFFFFB0]  }
0x265: {  	v20 =	vmul.f32 v20, v7;
	v28 =	vadd.f32 v28, v37;
	v27 =	vadd.f32 v30, v27;
	v33 =	vld [tilespmem:s5+$0xFFFFFFB0]  }
0x266: {  	v24 =	vmul.f32 v24, v6;
	v25 =	vadd.f32 v25, v32;
	v26 =	vadd.f32 v26, v31;
	v30 =	vld [tilespmem:s11+$0x20]  }
0x267: {  	v19 =	vmul.f32 v19, v3;
	v23 =	vadd.f32 v23, v29;
	v20 =	vadd.f32 v20, v28;
	v31 =	vld [tilespmem:s5+$0x20]  }
0x268: {  	v16 =	vmul.f32 v16, v7;
	v24 =	vadd.f32 v24, v43;
	v25 =	vadd.f32 v25, v26;
	v28 =	vld [tilespmem:s11+$0xFFFFFFE0]  }
0x269: {  	v15 =	vmul.f32 v15, v6;
	v21 =	vadd.f32 v21, v23;
	v20 =	vadd.f32 v22, v20;
	v26 =	vld [tilespmem:s5+$0xFFFFFFE0]  }
0x26a: {  	v14 =	vmul.f32 v14, v8;
	v19 =	vadd.f32 v19, v27;
	v16 =	vadd.f32 v16, v24;
	v22 =	vld [tilespmem:s11+$0x50];
	(xrf2) =	vadd.scan.msk.f32 $0xffff, v25  }
0x26b: {  	v13 =	vmul.f32 v13, v7;
	v15 =	vadd.f32 v15, v39;
	v20 =	vadd.f32 v21, v20;
	v23 =	vld [tilespmem:s5+$0x50]  }
0x26c: {  	v12 =	vmul.f32 v12, v4;
	v18 =	vadd.f32 v18, v19;
	v14 =	vadd.f32 v14, v16;
	v21 =	vld [tilespmem:s11+$0xFFFFFFA0]  }
0x26d: {  	v11 =	vmul.f32 v11, v8;
	v17 =	vadd.f32 v17, v34;
	v13 =	vadd.f32 v13, v15;
	v16 =	vld [tilespmem:s5+$0xFFFFFFA0];
	(xrf2) =	vadd.scan.msk.f32 $0xffff, v20  }
0x26e: {  	v14 =	vadd.f32 v18, v14;
	v15 =	vld [tilespmem:s11+$0x10]  }
0x26f: {  	v12 =	vadd.f32 v12, v17;
	v11 =	vadd.f32 v11, v13;
	v18 =	vld [tilespmem:s5+$0x10]  }
0x270: {  	v13 =	vld [tilespmem:s11+$0xFFFFFFD0];
	(xrf2) =	vadd.scan.msk.f32 $0xffff, v14  }
0x271: {  	v11 =	vadd.f32 v12, v11;
	v14 =	vld [tilespmem:s5+$0xFFFFFFD0]  }
0x272: {  	v12 =	vld [tilespmem:s11+$0x40]  }
0x273: {  	v17 =	vld [tilespmem:s5+$0x40];
	(xrf2) =	vadd.scan.msk.f32 $0xffff, v11  }
0x274: {  	v11 =	vld [tilespmem:s11+$0xFFFFFF90];
	v19, _, _ =	vpop (xrf2)  }
0x275: {  	s6 =	sadd.s32 $0x2, s9;
	s7 =	sadd.s32 $0x3, s9;
	v20 =	vld [tilespmem:s5+$0xFFFFFF90]  }
0x276: {  	s8 =	sadd.s32 $0x1, s9;
	v29 =	vmov s7;
	v27 =	vmov s6;
	v25 =	vmov s9;
	s9 =	smov.u32 s4;
	v24 =	vld [tilespmem:s11+$0x0]  }
0x277: {  	v34 =	vsub.bf16 v42, v44;
	vm1 =	veq.s32 v25, v0;
	v25 =	vmov s8;
	v32 =	vld [tilespmem:s5+$0x0];
	v35, _, _ =	vpop (xrf2)  }
0x278: {  	vm0 =	veq.s32 v29, v0;
	v40 =	vsub.bf16 v45, v46;
	v39 =	vsub.bf16 v47, v48;
	v37 =	vld [tilespmem:s11+$0xFFFFFFC0]  }
0x279: {  	vm2 =	veq.s32 v27, v0;
	v36 =	vsub.bf16 v49, v36;
	v29 =	vsub.bf16 v38, v33;
	v33 =	vld [tilespmem:s5+$0xFFFFFFC0]  }
0x27a: {  	vm3 =	veq.s32 v25, v0;
	v26 =	vsub.bf16 v28, v26;
	v28 =	vsub.bf16 v30, v31;
	v27 =	vld [tilespmem:s11+$0xFFFFFF80];
	v25, _, _ =	vpop (xrf2)  }
0x27b: {  	v16 =	vsub.bf16 v21, v16;
	v21 =	vsub.bf16 v22, v23;
	v30 =	vld [tilespmem:s5+$0xFFFFFF80];
	v22 =	vbroadcast v25, $0xF  }
0x27c: {  	v13 =	vsub.bf16 v13, v14;
	v14 =	vsub.bf16 v15, v18;
	v15 =	vbroadcast v35, $0xF  }
0x27d: {  	v12 =	vsub.bf16 v12, v17;
	v17 =	vbroadcast v19, $0xF;
	v10 =	vsel vm1, v22, v10;
	v18, _, _ =	vpop (xrf2)  }
0x27e: {  	v11 =	vsub.bf16 v11, v20;
	v10 =	vsel vm3, v15, v10;
	v15 =	vbroadcast v18, $0xF  }
0x27f: {  	v19 =	vsub.bf16 v24, v32;
	v18 =	vsub.bf16 v37, v33;
	v10 =	vsel vm2, v17, v10  }
0x280: {  	v20 =	vand.u32 $0x7FFF7FFF, v34;
	v17 =	vsub.bf16 v27, v30;
	v10 =	vsel vm0, v15, v10  }
0x281: {  	v23 =	vand.u32 $0x7FFF7FFF, v36;
	v22 =	vand.u32 $0x7FFF7FFF, v40;
	v15 =	vand.u32 $0x7FFF7FFF, v39  }
0x282: {  	v25 =	vand.u32 $0x7FFF7FFF, v26;
	v26 =	vand.u32 $0x7FFF7FFF, v28;
	v24 =	vand.u32 $0x7FFF7FFF, v29  }
0x283: {  	v21 =	vand.u32 $0x7FFF7FFF, v21;
	v28 =	vand.u32 $0x7FFF7FFF, v16;
	v29 =	vand.u32 $0x7FFF7FFF, v14  }
0x284: {  	v32 =	vand.u32 $0x7FFF7FFF, v13;
	v33 =	vand.u32 $0x7FFF7FFF, v12;
	v30 =	vand.u32 $0x7FFF7FFF, v11  }
0x285: {  	v34 =	vand.u32 $0x7FFF7FFF, v19;
	v38 =	vand.u32 $0x7FFF7FFF, v18;
	v27 =	vand.u32 $0x7FFF7FFF, v17  }
0x286: {  	v12 =	vunpack.i.l.bf16.f32 v20;
	v11 =	vunpack.i.u.bf16.f32 v20;
	v17 =	vunpack.i.u.bf16.f32 v22  }
0x287: {  	v18 =	vunpack.i.u.bf16.f32 v15;
	v35 =	vunpack.i.l.bf16.f32 v15;
	v22 =	vunpack.i.l.bf16.f32 v22  }
0x288: {  	v13 =	vunpack.i.u.bf16.f32 v23;
	v14 =	vunpack.i.u.bf16.f32 v24;
	v37 =	vunpack.i.l.bf16.f32 v23  }
0x289: {  	v41 =	vunpack.i.l.bf16.f32 v26;
	v36 =	vunpack.i.l.bf16.f32 v24;
	v39 =	vunpack.i.u.bf16.f32 v26  }
0x28a: {  	v23 =	vunpack.i.l.bf16.f32 v25;
	v20 =	vunpack.i.u.bf16.f32 v25;
	v15 =	vunpack.i.u.bf16.f32 v21  }
0x28b: {  	v42 =	vunpack.i.l.bf16.f32 v21;
	v16 =	vunpack.i.u.bf16.f32 v28;
	v19 =	vunpack.i.l.bf16.f32 v28  }
0x28c: {  	v31 =	vunpack.i.u.bf16.f32 v29;
	v43 =	vunpack.i.l.bf16.f32 v29;
	v28 =	vunpack.i.u.bf16.f32 v32  }
0x28d: {  	v29 =	vunpack.i.l.bf16.f32 v32;
	v44 =	vunpack.i.u.bf16.f32 v33;
	v45 =	vunpack.i.l.bf16.f32 v33  }
0x28e: {  	v24 =	vunpack.i.u.bf16.f32 v30;
	v25 =	vmul.f32 v22, v4;
	v26 =	vmul.f32 v17, v8  }
.Ltmp6:
0x28f: {  	v30 =	vunpack.i.l.bf16.f32 v30;
	v21 =	vmul.f32 v35, v4;
	v22 =	vmul.f32 v18, v8;
	(pc) =	sbr.rel @p1 .LBB2_16-.Ltmp6, $4  }
0x290: {  	v18 =	vmul.f32 v36, v4;
	v36 =	vunpack.i.u.bf16.f32 v34;
	v17 =	vmul.f32 v37, v3  }
0x291: {  	v32 =	vmul.f32 v41, v3;
	v40 =	vunpack.i.l.bf16.f32 v34;
	v33 =	vmul.f32 v39, v7  }
0x292: {  	v35 =	vmul.f32 v43, v2;
	v37 =	vunpack.i.u.bf16.f32 v38;
	v34 =	vmul.f32 v42, v2  }
0x293: {  	s4 =	sadd.s32 $0x4, s4;
	s11 =	sadd.s32 $0x100, s11;
	v41 =	vunpack.i.l.bf16.f32 v38;
	v39 =	vmul.f32 v44, v5;
	v38 =	vmul.f32 v45, v1  }
0x294: {  	v40 =	vmul.f32 v40, v1;
	v36 =	vmul.f32 v36, v5  }
0x295: {  	v42 =	vunpack.i.u.bf16.f32 v27;
	v41 =	vmul.f32 v41, v1;
	v37 =	vmul.f32 v37, v5  }
0x296: {  	v55 =	vunpack.i.l.bf16.f32 v27;
	v31 =	vmul.f32 v31, v6;
	v29 =	vmul.f32 v29, v2  }
0x297: {  	v27 =	vmul.f32 v55, v1;
	v38 =	vadd.f32 $0.0e+00, v38;
	v39 =	vadd.f32 $0.0e+00, v39  }
0x298: {  	v42 =	vmul.f32 v42, v5;
	v40 =	vadd.f32 $0.0e+00, v40;
	v36 =	vadd.f32 $0.0e+00, v36  }
0x299: {  	v15 =	vmul.f32 v15, v6;
	v41 =	vadd.f32 $0.0e+00, v41;
	v37 =	vadd.f32 $0.0e+00, v37  }
0x29a: {  	v28 =	vmul.f32 v28, v6;
	v27 =	vadd.f32 $0.0e+00, v27;
	v42 =	vadd.f32 $0.0e+00, v42  }
0x29b: {  	v30 =	vmul.f32 v30, v2;
	v34 =	vadd.f32 v34, v38;
	v15 =	vadd.f32 v15, v39  }
0x29c: {  	v24 =	vmul.f32 v24, v6;
	v35 =	vadd.f32 v35, v40;
	v31 =	vadd.f32 v31, v36  }
0x29d: {  	v23 =	vmul.f32 v23, v3;
	v29 =	vadd.f32 v29, v41;
	v28 =	vadd.f32 v28, v37  }
0x29e: {  	v20 =	vmul.f32 v20, v7;
	v27 =	vadd.f32 v30, v27;
	v24 =	vadd.f32 v24, v42  }
0x29f: {  	v19 =	vmul.f32 v19, v3;
	v56 =	vadd.f32 v17, v34;
	v32 =	vadd.f32 v32, v35  }
0x2a0: {  	v16 =	vmul.f32 v16, v7;
	v31 =	vadd.f32 v33, v31;
	v23 =	vadd.f32 v23, v29  }
0x2a1: {  	v20 =	vadd.f32 v20, v28;
	v19 =	vadd.f32 v19, v27  }
0x2a2: {  	v16 =	vadd.f32 v16, v24;
	v25 =	vadd.f32 v25, v32  }
0x2a3: {  	v14 =	vmul.f32 v14, v8;
	v26 =	vadd.f32 v26, v31;
	v21 =	vadd.f32 v21, v23  }
0x2a4: {  	v13 =	vmul.f32 v13, v7;
	v20 =	vadd.f32 v22, v20;
	v18 =	vadd.f32 v18, v19  }
0x2a5: {  	v12 =	vmul.f32 v12, v4;
	v14 =	vadd.f32 v14, v16;
	v25 =	vadd.f32 v25, v26  }
0x2a6: {  	v11 =	vmul.f32 v11, v8;
	v13 =	vadd.f32 v13, v15;
	v20 =	vadd.f32 v21, v20  }
0x2a7: {  	v14 =	vadd.f32 v18, v14;
	(xrf2) =	vadd.scan.msk.f32 $0xffff, v25  }
0x2a8: {  	v12 =	vadd.f32 v12, v56;
	v11 =	vadd.f32 v11, v13;
	(xrf2) =	vadd.scan.msk.f32 $0xffff, v20  }
0x2a9: {  	(xrf2) =	vadd.scan.msk.f32 $0xffff, v14  }
0x2aa: {  	v11 =	vadd.f32 v12, v11;
	_ =	sdelay $0x1  }
0x2ab: {  	(xrf2) =	vadd.scan.msk.f32 $0xffff, v11;
	_ =	sdelay $0x4  }
0x2ac: {  	v11, _, _ =	vpop (xrf2)  }
0x2ad: {  	v57, _, _ =	vpop (xrf2)  }
0x2ae: {  	s4 =	sadd.s32 $0x2, s9;
	s5 =	sadd.s32 $0x3, s9;
	v58 =	vmov s9;
	v14, _, _ =	vpop (xrf2)  }
0x2af: {  	s6 =	sadd.s32 $0x1, s9;
	v59 =	vmov s4;
	v60 =	vmov s5;
	v14 =	vbroadcast v14, $0xF  }
0x2b0: {  	vm0 =	veq.s32 v58, v0;
	v61 =	vmov s6;
	v12 =	vbroadcast v57, $0xF  }
0x2b1: {  	vm1 =	veq.s32 v61, v0;
	v11 =	vbroadcast v11, $0xF;
	v62, _, _ =	vpop (xrf2);
	v10 =	vsel vm0, v14, v10  }
0x2b2: {  	vm14 =	veq.s32 v59, v0;
	v63 =	vbroadcast v62, $0xF;
	v10 =	vsel vm1, v12, v10  }
0x2b3: {  	vm15 =	veq.s32 v60, v0;
	v10 =	vsel vm14, v11, v10  }
0x2b4: {  	v10 =	vsel vm15, v63, v10  }
0x2b5: {  	v10 =	vsub.f32 $0.0e+00, v10;
	_ =	sdelay $0x1  }
0x2b6: {  	v10 =	vmul.f32 $1.442695020e+00, v10;
	_ =	sdelay $0x1  }
0x2b7: {  	(erf) = vpow2.f32 v10;
	_ =	sdelay $0x8  }
0x2b8: {  	v10 =	vpop (erf)  }
0x2b9: {  	v10 =	vadd.f32 $1.000000000e+00, v10;
	_ =	sdelay $0x1  }
0x2ba: {  	(erf) = vrcp.f32 v10;
	_ =	sdelay $0x3  }
0x2bb: {  	s26 =	sshll.u32 s24, $0x4;
	s24 =	sadd.s32 $0x1, s24  }
0x2bc: {  	p1 =	sne.s32 s24, $0x5  }
.Ltmp7:
0x2bd: {  	_ = 	snop;
	(pc) =	sbr.rel @p1 .LBB2_15-.Ltmp7, $3  }
0x2be: {  	_ =	sdelay $0x1  }
0x2bf: {  	s4 =	sand.u32 $0x3FFFFFF0, s26;
	v10 =	vpop (erf)  }
0x2c0: {  	s25 =	sadd.s32 $0x400, s25;
	s19 =	sadd.s32 $0x400, s19;
	[tilespmem:v9+s4+$0x0 ss:$0x1] =	vst.idx.msk $0xffff, v10  }
0x2c1: {  	_ =	swait.ge [sflag:s17], $0x1400  }
0x2c2: {  	[sflag:s17] =	ssyncset.done $0x0  }
0x2c3: {  	[sflag:s17] =	ssyncadd.s32 $0xFFFFEC00  }
0x2c4: {  	_ =	swait.ge [sflag:s18], $0x1400  }
0x2c5: {  	s4 =	sadd.s32 @!p0 $0xCA80, s23;
	s5 =	simm.s32 @!p0 $0x50;
	[sflag:s18] =	ssyncset.done $0x0  }
0x2c6: {  	s6 =	simm.s32 @!p0 $0x3C00;
	s7 =	smul.u32 $0x140, s22;
	[sflag:s18] =	ssyncadd.s32 $0xFFFFEC00  }
0x2c7: {  	[tilespmem:s6], [sflag:$0x4] =	stream.indirect.gather @!p0 [hbm4b:s1+s5], $0x40, s4, s5, $0xb8;
	[tilespmem:$0x13DB0] =	vst v63  }
0x2c8: {  	s26 =	sshra.s32 s7, $0x2;
	s4 =	sadd.s32 @!p0 $0xF190, s23;
	s6 =	simm.s32 @!p0 $0xA000  }
0x2c9: {  	[tilespmem:s6], [sflag:$0x9] =	stream.indirect.gather @!p0 [hbm4b:s1+s5], $0x40, s4, s5, $0xb8;
	[tilespmem:$0x13DB0] =	vst v63  }
0x2ca: {  	s4 =	sadd.s32 $0x116A0, s26  }
0x2cb: {  	s22 =	simm.s32 $0x0;
	s19 =	simm.s32 $0x5080;
	s23 =	simm.s32 $0xB480;
	v9 =	vmov s4  }
.LBB2_19:
0x2cc: {  	v10 =	vld [tilespmem:s19+$0x70]  }
0x2cd: {  	v11 =	vld [tilespmem:s23+$0x70]  }
0x2ce: {  	v12 =	vld [tilespmem:s19+$0x30]  }
0x2cf: {  	v13 =	vld [tilespmem:s23+$0x30]  }
0x2d0: {  	v14 =	vld [tilespmem:s19+$0xFFFFFFF0]  }
0x2d1: {  	v15 =	vld [tilespmem:s23+$0xFFFFFFF0]  }
0x2d2: {  	v16 =	vld [tilespmem:s19+$0x60]  }
0x2d3: {  	v17 =	vld [tilespmem:s23+$0x60]  }
0x2d4: {  	v18 =	vld [tilespmem:s19+$0xFFFFFFB0]  }
0x2d5: {  	v19 =	vld [tilespmem:s23+$0xFFFFFFB0]  }
0x2d6: {  	v20 =	vld [tilespmem:s19+$0x20]  }
0x2d7: {  	v21 =	vld [tilespmem:s23+$0x20]  }
0x2d8: {  	v22 =	vld [tilespmem:s19+$0xFFFFFFE0]  }
0x2d9: {  	v23 =	vld [tilespmem:s23+$0xFFFFFFE0]  }
0x2da: {  	v24 =	vld [tilespmem:s19+$0x50]  }
0x2db: {  	v25 =	vld [tilespmem:s23+$0x50]  }
0x2dc: {  	v26 =	vld [tilespmem:s19+$0xFFFFFFA0]  }
0x2dd: {  	v27 =	vld [tilespmem:s23+$0xFFFFFFA0]  }
0x2de: {  	v28 =	vld [tilespmem:s19+$0x10]  }
0x2df: {  	v29 =	vld [tilespmem:s23+$0x10]  }
0x2e0: {  	v30 =	vld [tilespmem:s19+$0xFFFFFFD0]  }
0x2e1: {  	v31 =	vld [tilespmem:s23+$0xFFFFFFD0]  }
0x2e2: {  	v32 =	vld [tilespmem:s19+$0x40]  }
0x2e3: {  	v33 =	vld [tilespmem:s23+$0x40]  }
0x2e4: {  	v34 =	vld [tilespmem:s19+$0xFFFFFF90]  }
0x2e5: {  	v35 =	vld [tilespmem:s23+$0xFFFFFF90]  }
0x2e6: {  	v36 =	vld [tilespmem:s19+$0x0];
	v11 =	vsub.bf16 v10, v11;
	v14 =	vsub.bf16 v14, v15  }
0x2e7: {  	v37 =	vld [tilespmem:s23+$0x0];
	v12 =	vsub.bf16 v12, v13;
	v13 =	vsub.bf16 v18, v19  }
0x2e8: {  	v16 =	vsub.bf16 v16, v17;
	v17 =	vsub.bf16 v22, v23  }
0x2e9: {  	v20 =	vsub.bf16 v20, v21;
	v21 =	vsub.bf16 v26, v27  }
0x2ea: {  	v22 =	vsub.bf16 v24, v25;
	v23 =	vsub.bf16 v30, v31  }
0x2eb: {  	v24 =	vsub.bf16 v28, v29;
	v25 =	vsub.bf16 v32, v33  }
0x2ec: {  	v10 =	vimm.f32 $0.0e+00;
	v26 =	vsub.bf16 v34, v35;
	v28 =	vsub.bf16 v36, v37  }
0x2ed: {  	v14 =	vand.u32 $0x7FFF7FFF, v14;
	v29 =	vand.u32 $0x7FFF7FFF, v12;
	v16 =	vand.u32 $0x7FFF7FFF, v16  }
0x2ee: {  	v30 =	vand.u32 $0x7FFF7FFF, v13;
	v17 =	vand.u32 $0x7FFF7FFF, v17;
	v20 =	vand.u32 $0x7FFF7FFF, v20  }
0x2ef: {  	v21 =	vand.u32 $0x7FFF7FFF, v21;
	v24 =	vand.u32 $0x7FFF7FFF, v24;
	v22 =	vand.u32 $0x7FFF7FFF, v22  }
0x2f0: {  	v58 =	vand.u32 $0x7FFF7FFF, v26;
	v26 =	vand.u32 $0x7FFF7FFF, v23;
	v25 =	vand.u32 $0x7FFF7FFF, v25  }
0x2f1: {  	v59 =	vand.u32 $0x7FFF7FFF, v28;
	v60 =	vunpack.i.u.bf16.f32 v14;
	v61 =	vunpack.i.l.bf16.f32 v14  }
0x2f2: {  	v62 =	vunpack.i.l.bf16.f32 v29;
	v14 =	vunpack.i.u.bf16.f32 v30;
	v13 =	vunpack.i.u.bf16.f32 v16  }
0x2f3: {  	v38 =	vld [tilespmem:s19+$0xFFFFFFC0];
	v63 =	vunpack.i.l.bf16.f32 v16;
	v39 =	vunpack.i.l.bf16.f32 v30;
	v41 =	vunpack.i.u.bf16.f32 v20  }
0x2f4: {  	v18 =	vld [tilespmem:s19+$0xFFFFFF80];
	v42 =	vunpack.i.l.bf16.f32 v20;
	v20 =	vunpack.i.u.bf16.f32 v17;
	v23 =	vunpack.i.l.bf16.f32 v17  }
0x2f5: {  	v19 =	vld [tilespmem:s23+$0xFFFFFF80];
	v16 =	vunpack.i.u.bf16.f32 v21;
	v43 =	vunpack.i.l.bf16.f32 v22;
	v28 =	vunpack.i.u.bf16.f32 v26  }
0x2f6: {  	v15 =	vld [tilespmem:s23+$0xFFFFFFC0];
	v31 =	vunpack.i.u.bf16.f32 v24;
	v44 =	vunpack.i.l.bf16.f32 v24;
	v45 =	vunpack.i.u.bf16.f32 v25  }
0x2f7: {  	v46 =	vunpack.i.l.bf16.f32 v25;
	v24 =	vunpack.i.u.bf16.f32 v58;
	v30 =	vunpack.i.l.bf16.f32 v58  }
0x2f8: {  	v36 =	vunpack.i.u.bf16.f32 v59;
	v25 =	vmul.f32 v62, v4;
	v17 =	vmul.f32 v63, v3  }
0x2f9: {  	v40 =	vunpack.i.l.bf16.f32 v59;
	v32 =	vmul.f32 v42, v3;
	v33 =	vmul.f32 v41, v7  }
0x2fa: {  	v35 =	vmul.f32 v44, v2;
	v18 =	vsub.bf16 v18, v19;
	v19 =	vand.u32 $0x7FFF7FFF, v11  }
0x2fb: {  	v34 =	vmul.f32 v43, v2;
	v15 =	vsub.bf16 v38, v15;
	v11 =	vunpack.i.u.bf16.f32 v19  }
0x2fc: {  	v12 =	vunpack.i.l.bf16.f32 v19;
	v19 =	vunpack.i.l.bf16.f32 v21;
	v21 =	vmul.f32 v61, v4  }
0x2fd: {  	v27 =	vand.u32 $0x7FFF7FFF, v18;
	v38 =	vand.u32 $0x7FFF7FFF, v15;
	v18 =	vunpack.i.u.bf16.f32 v29  }
0x2fe: {  	v15 =	vunpack.i.u.bf16.f32 v22;
	v29 =	vunpack.i.l.bf16.f32 v26;
	v22 =	vmul.f32 v60, v8  }
0x2ff: {  	s11 =	sadd.s32 $0x100, s19;
	v26 =	vmul.f32 v18, v8;
	v18 =	vmul.f32 v39, v4;
	v37 =	vunpack.i.u.bf16.f32 v38  }
0x300: {  	s4 =	simm.s32 $0x4;
	s5 =	smov.u32 s23;
	s9 =	simm.s32 $0x0;
	v41 =	vunpack.i.l.bf16.f32 v38;
	v38 =	vmul.f32 v46, v1;
	v39 =	vmul.f32 v45, v5  }
.LBB2_20:
0x301: {  	v42 =	vld [tilespmem:s11+$0x70];
	p0 =	sne.s32 s4, $0xC;
	v43 =	vunpack.i.u.bf16.f32 v27;
	v40 =	vmul.f32 v40, v1;
	v36 =	vmul.f32 v36, v5;
	s5 =	sadd.s32 $0x100, s5  }
0x302: {  	v27 =	vunpack.i.l.bf16.f32 v27;
	v41 =	vmul.f32 v41, v1;
	v37 =	vmul.f32 v37, v5;
	v44 =	vld [tilespmem:s5+$0x70]  }
0x303: {  	v27 =	vmul.f32 v27, v1;
	v38 =	vadd.f32 $0.0e+00, v38;
	v39 =	vadd.f32 $0.0e+00, v39;
	v45 =	vld [tilespmem:s11+$0x30]  }
0x304: {  	v43 =	vmul.f32 v43, v5;
	v40 =	vadd.f32 $0.0e+00, v40;
	v36 =	vadd.f32 $0.0e+00, v36;
	v46 =	vld [tilespmem:s5+$0x30]  }
0x305: {  	v31 =	vmul.f32 v31, v6;
	v41 =	vadd.f32 $0.0e+00, v41;
	v37 =	vadd.f32 $0.0e+00, v37;
	v47 =	vld [tilespmem:s11+$0xFFFFFFF0]  }
0x306: {  	v29 =	vmul.f32 v29, v2;
	v27 =	vadd.f32 $0.0e+00, v27;
	v43 =	vadd.f32 $0.0e+00, v43;
	v48 =	vld [tilespmem:s5+$0xFFFFFFF0]  }
0x307: {  	v28 =	vmul.f32 v28, v6;
	v35 =	vadd.f32 v35, v40;
	v31 =	vadd.f32 v31, v36;
	v49 =	vld [tilespmem:s11+$0x60]  }
0x308: {  	v30 =	vmul.f32 v30, v2;
	v34 =	vadd.f32 v34, v38;
	v29 =	vadd.f32 v29, v41;
	v36 =	vld [tilespmem:s5+$0x60]  }
0x309: {  	v23 =	vmul.f32 v23, v3;
	v32 =	vadd.f32 v32, v35;
	v31 =	vadd.f32 v33, v31;
	v38 =	vld [tilespmem:s11+$0xFFFFFFB0]  }
0x30a: {  	v20 =	vmul.f32 v20, v7;
	v28 =	vadd.f32 v28, v37;
	v27 =	vadd.f32 v30, v27;
	v33 =	vld [tilespmem:s5+$0xFFFFFFB0]  }
0x30b: {  	v24 =	vmul.f32 v24, v6;
	v25 =	vadd.f32 v25, v32;
	v26 =	vadd.f32 v26, v31;
	v30 =	vld [tilespmem:s11+$0x20]  }
0x30c: {  	v19 =	vmul.f32 v19, v3;
	v23 =	vadd.f32 v23, v29;
	v20 =	vadd.f32 v20, v28;
	v31 =	vld [tilespmem:s5+$0x20]  }
0x30d: {  	v16 =	vmul.f32 v16, v7;
	v24 =	vadd.f32 v24, v43;
	v25 =	vadd.f32 v25, v26;
	v28 =	vld [tilespmem:s11+$0xFFFFFFE0]  }
0x30e: {  	v15 =	vmul.f32 v15, v6;
	v21 =	vadd.f32 v21, v23;
	v20 =	vadd.f32 v22, v20;
	v26 =	vld [tilespmem:s5+$0xFFFFFFE0]  }
0x30f: {  	v14 =	vmul.f32 v14, v8;
	v19 =	vadd.f32 v19, v27;
	v16 =	vadd.f32 v16, v24;
	v22 =	vld [tilespmem:s11+$0x50];
	(xrf2) =	vadd.scan.msk.f32 $0xffff, v25  }
0x310: {  	v13 =	vmul.f32 v13, v7;
	v15 =	vadd.f32 v15, v39;
	v20 =	vadd.f32 v21, v20;
	v23 =	vld [tilespmem:s5+$0x50]  }
0x311: {  	v12 =	vmul.f32 v12, v4;
	v18 =	vadd.f32 v18, v19;
	v14 =	vadd.f32 v14, v16;
	v21 =	vld [tilespmem:s11+$0xFFFFFFA0]  }
0x312: {  	v11 =	vmul.f32 v11, v8;
	v17 =	vadd.f32 v17, v34;
	v13 =	vadd.f32 v13, v15;
	v16 =	vld [tilespmem:s5+$0xFFFFFFA0];
	(xrf2) =	vadd.scan.msk.f32 $0xffff, v20  }
0x313: {  	v14 =	vadd.f32 v18, v14;
	v15 =	vld [tilespmem:s11+$0x10]  }
0x314: {  	v12 =	vadd.f32 v12, v17;
	v11 =	vadd.f32 v11, v13;
	v18 =	vld [tilespmem:s5+$0x10]  }
0x315: {  	v13 =	vld [tilespmem:s11+$0xFFFFFFD0];
	(xrf2) =	vadd.scan.msk.f32 $0xffff, v14  }
0x316: {  	v11 =	vadd.f32 v12, v11;
	v14 =	vld [tilespmem:s5+$0xFFFFFFD0]  }
0x317: {  	v12 =	vld [tilespmem:s11+$0x40]  }
0x318: {  	v17 =	vld [tilespmem:s5+$0x40];
	(xrf2) =	vadd.scan.msk.f32 $0xffff, v11  }
0x319: {  	v11 =	vld [tilespmem:s11+$0xFFFFFF90];
	v19, _, _ =	vpop (xrf2)  }
0x31a: {  	s6 =	sadd.s32 $0x2, s9;
	s7 =	sadd.s32 $0x3, s9;
	v20 =	vld [tilespmem:s5+$0xFFFFFF90]  }
0x31b: {  	s8 =	sadd.s32 $0x1, s9;
	v29 =	vmov s7;
	v27 =	vmov s6;
	v25 =	vmov s9;
	s9 =	smov.u32 s4;
	v24 =	vld [tilespmem:s11+$0x0]  }
0x31c: {  	v34 =	vsub.bf16 v42, v44;
	vm1 =	veq.s32 v25, v0;
	v25 =	vmov s8;
	v32 =	vld [tilespmem:s5+$0x0];
	v35, _, _ =	vpop (xrf2)  }
0x31d: {  	vm0 =	veq.s32 v29, v0;
	v40 =	vsub.bf16 v45, v46;
	v39 =	vsub.bf16 v47, v48;
	v37 =	vld [tilespmem:s11+$0xFFFFFFC0]  }
0x31e: {  	vm2 =	veq.s32 v27, v0;
	v36 =	vsub.bf16 v49, v36;
	v29 =	vsub.bf16 v38, v33;
	v33 =	vld [tilespmem:s5+$0xFFFFFFC0]  }
0x31f: {  	vm3 =	veq.s32 v25, v0;
	v26 =	vsub.bf16 v28, v26;
	v28 =	vsub.bf16 v30, v31;
	v27 =	vld [tilespmem:s11+$0xFFFFFF80];
	v25, _, _ =	vpop (xrf2)  }
0x320: {  	v16 =	vsub.bf16 v21, v16;
	v21 =	vsub.bf16 v22, v23;
	v30 =	vld [tilespmem:s5+$0xFFFFFF80];
	v22 =	vbroadcast v25, $0xF  }
0x321: {  	v13 =	vsub.bf16 v13, v14;
	v14 =	vsub.bf16 v15, v18;
	v15 =	vbroadcast v35, $0xF  }
0x322: {  	v12 =	vsub.bf16 v12, v17;
	v17 =	vbroadcast v19, $0xF;
	v10 =	vsel vm1, v22, v10;
	v18, _, _ =	vpop (xrf2)  }
0x323: {  	v11 =	vsub.bf16 v11, v20;
	v10 =	vsel vm3, v15, v10;
	v15 =	vbroadcast v18, $0xF  }
0x324: {  	v19 =	vsub.bf16 v24, v32;
	v18 =	vsub.bf16 v37, v33;
	v10 =	vsel vm2, v17, v10  }
0x325: {  	v20 =	vand.u32 $0x7FFF7FFF, v34;
	v17 =	vsub.bf16 v27, v30;
	v10 =	vsel vm0, v15, v10  }
0x326: {  	v23 =	vand.u32 $0x7FFF7FFF, v36;
	v22 =	vand.u32 $0x7FFF7FFF, v40;
	v15 =	vand.u32 $0x7FFF7FFF, v39  }
0x327: {  	v25 =	vand.u32 $0x7FFF7FFF, v26;
	v26 =	vand.u32 $0x7FFF7FFF, v28;
	v24 =	vand.u32 $0x7FFF7FFF, v29  }
0x328: {  	v21 =	vand.u32 $0x7FFF7FFF, v21;
	v28 =	vand.u32 $0x7FFF7FFF, v16;
	v29 =	vand.u32 $0x7FFF7FFF, v14  }
0x329: {  	v32 =	vand.u32 $0x7FFF7FFF, v13;
	v33 =	vand.u32 $0x7FFF7FFF, v12;
	v30 =	vand.u32 $0x7FFF7FFF, v11  }
0x32a: {  	v34 =	vand.u32 $0x7FFF7FFF, v19;
	v38 =	vand.u32 $0x7FFF7FFF, v18;
	v27 =	vand.u32 $0x7FFF7FFF, v17  }
0x32b: {  	v12 =	vunpack.i.l.bf16.f32 v20;
	v11 =	vunpack.i.u.bf16.f32 v20;
	v17 =	vunpack.i.u.bf16.f32 v22  }
0x32c: {  	v18 =	vunpack.i.u.bf16.f32 v15;
	v35 =	vunpack.i.l.bf16.f32 v15;
	v22 =	vunpack.i.l.bf16.f32 v22  }
0x32d: {  	v13 =	vunpack.i.u.bf16.f32 v23;
	v14 =	vunpack.i.u.bf16.f32 v24;
	v37 =	vunpack.i.l.bf16.f32 v23  }
0x32e: {  	v41 =	vunpack.i.l.bf16.f32 v26;
	v36 =	vunpack.i.l.bf16.f32 v24;
	v39 =	vunpack.i.u.bf16.f32 v26  }
0x32f: {  	v23 =	vunpack.i.l.bf16.f32 v25;
	v20 =	vunpack.i.u.bf16.f32 v25;
	v15 =	vunpack.i.u.bf16.f32 v21  }
0x330: {  	v42 =	vunpack.i.l.bf16.f32 v21;
	v16 =	vunpack.i.u.bf16.f32 v28;
	v19 =	vunpack.i.l.bf16.f32 v28  }
0x331: {  	v31 =	vunpack.i.u.bf16.f32 v29;
	v43 =	vunpack.i.l.bf16.f32 v29;
	v28 =	vunpack.i.u.bf16.f32 v32  }
0x332: {  	v29 =	vunpack.i.l.bf16.f32 v32;
	v44 =	vunpack.i.u.bf16.f32 v33;
	v45 =	vunpack.i.l.bf16.f32 v33  }
0x333: {  	v24 =	vunpack.i.u.bf16.f32 v30;
	v25 =	vmul.f32 v22, v4;
	v26 =	vmul.f32 v17, v8  }
.Ltmp8:
0x334: {  	v30 =	vunpack.i.l.bf16.f32 v30;
	v21 =	vmul.f32 v35, v4;
	v22 =	vmul.f32 v18, v8;
	(pc) =	sbr.rel @p0 .LBB2_20-.Ltmp8, $4  }
0x335: {  	v18 =	vmul.f32 v36, v4;
	v36 =	vunpack.i.u.bf16.f32 v34;
	v17 =	vmul.f32 v37, v3  }
0x336: {  	v32 =	vmul.f32 v41, v3;
	v40 =	vunpack.i.l.bf16.f32 v34;
	v33 =	vmul.f32 v39, v7  }
0x337: {  	v35 =	vmul.f32 v43, v2;
	v37 =	vunpack.i.u.bf16.f32 v38;
	v34 =	vmul.f32 v42, v2  }
0x338: {  	s4 =	sadd.s32 $0x4, s4;
	s11 =	sadd.s32 $0x100, s11;
	v41 =	vunpack.i.l.bf16.f32 v38;
	v39 =	vmul.f32 v44, v5;
	v38 =	vmul.f32 v45, v1  }
0x339: {  	v40 =	vmul.f32 v40, v1;
	v36 =	vmul.f32 v36, v5  }
0x33a: {  	v42 =	vunpack.i.u.bf16.f32 v27;
	v41 =	vmul.f32 v41, v1;
	v37 =	vmul.f32 v37, v5  }
0x33b: {  	v55 =	vunpack.i.l.bf16.f32 v27;
	v31 =	vmul.f32 v31, v6;
	v29 =	vmul.f32 v29, v2  }
0x33c: {  	v27 =	vmul.f32 v55, v1;
	v38 =	vadd.f32 $0.0e+00, v38;
	v39 =	vadd.f32 $0.0e+00, v39  }
0x33d: {  	v42 =	vmul.f32 v42, v5;
	v40 =	vadd.f32 $0.0e+00, v40;
	v36 =	vadd.f32 $0.0e+00, v36  }
0x33e: {  	v15 =	vmul.f32 v15, v6;
	v41 =	vadd.f32 $0.0e+00, v41;
	v37 =	vadd.f32 $0.0e+00, v37  }
0x33f: {  	v28 =	vmul.f32 v28, v6;
	v27 =	vadd.f32 $0.0e+00, v27;
	v42 =	vadd.f32 $0.0e+00, v42  }
0x340: {  	v30 =	vmul.f32 v30, v2;
	v34 =	vadd.f32 v34, v38;
	v15 =	vadd.f32 v15, v39  }
0x341: {  	v24 =	vmul.f32 v24, v6;
	v35 =	vadd.f32 v35, v40;
	v31 =	vadd.f32 v31, v36  }
0x342: {  	v23 =	vmul.f32 v23, v3;
	v29 =	vadd.f32 v29, v41;
	v28 =	vadd.f32 v28, v37  }
0x343: {  	v20 =	vmul.f32 v20, v7;
	v27 =	vadd.f32 v30, v27;
	v24 =	vadd.f32 v24, v42  }
0x344: {  	v19 =	vmul.f32 v19, v3;
	v56 =	vadd.f32 v17, v34;
	v32 =	vadd.f32 v32, v35  }
0x345: {  	v16 =	vmul.f32 v16, v7;
	v31 =	vadd.f32 v33, v31;
	v23 =	vadd.f32 v23, v29  }
0x346: {  	v20 =	vadd.f32 v20, v28;
	v19 =	vadd.f32 v19, v27  }
0x347: {  	v16 =	vadd.f32 v16, v24;
	v25 =	vadd.f32 v25, v32  }
0x348: {  	v14 =	vmul.f32 v14, v8;
	v26 =	vadd.f32 v26, v31;
	v21 =	vadd.f32 v21, v23  }
0x349: {  	v13 =	vmul.f32 v13, v7;
	v20 =	vadd.f32 v22, v20;
	v18 =	vadd.f32 v18, v19  }
0x34a: {  	v12 =	vmul.f32 v12, v4;
	v14 =	vadd.f32 v14, v16;
	v25 =	vadd.f32 v25, v26  }
0x34b: {  	v11 =	vmul.f32 v11, v8;
	v13 =	vadd.f32 v13, v15;
	v20 =	vadd.f32 v21, v20  }
0x34c: {  	v14 =	vadd.f32 v18, v14;
	(xrf2) =	vadd.scan.msk.f32 $0xffff, v25  }
0x34d: {  	v12 =	vadd.f32 v12, v56;
	v11 =	vadd.f32 v11, v13;
	(xrf2) =	vadd.scan.msk.f32 $0xffff, v20  }
0x34e: {  	(xrf2) =	vadd.scan.msk.f32 $0xffff, v14  }
0x34f: {  	v11 =	vadd.f32 v12, v11;
	_ =	sdelay $0x1  }
0x350: {  	(xrf2) =	vadd.scan.msk.f32 $0xffff, v11;
	_ =	sdelay $0x4  }
0x351: {  	v11, _, _ =	vpop (xrf2)  }
0x352: {  	v57, _, _ =	vpop (xrf2)  }
0x353: {  	s4 =	sadd.s32 $0x2, s9;
	s5 =	sadd.s32 $0x3, s9;
	v58 =	vmov s9;
	v14, _, _ =	vpop (xrf2)  }
0x354: {  	s6 =	sadd.s32 $0x1, s9;
	v59 =	vmov s4;
	v60 =	vmov s5;
	v14 =	vbroadcast v14, $0xF  }
0x355: {  	vm0 =	veq.s32 v58, v0;
	v61 =	vmov s6;
	v12 =	vbroadcast v57, $0xF  }
0x356: {  	vm1 =	veq.s32 v61, v0;
	v11 =	vbroadcast v11, $0xF;
	v62, _, _ =	vpop (xrf2);
	v10 =	vsel vm0, v14, v10  }
0x357: {  	vm14 =	veq.s32 v59, v0;
	v63 =	vbroadcast v62, $0xF;
	v10 =	vsel vm1, v12, v10  }
0x358: {  	vm15 =	veq.s32 v60, v0;
	v10 =	vsel vm14, v11, v10  }
0x359: {  	v10 =	vsel vm15, v63, v10  }
0x35a: {  	v10 =	vsub.f32 $0.0e+00, v10;
	_ =	sdelay $0x1  }
0x35b: {  	v10 =	vmul.f32 $1.442695020e+00, v10;
	_ =	sdelay $0x1  }
0x35c: {  	(erf) = vpow2.f32 v10;
	_ =	sdelay $0x8  }
0x35d: {  	v10 =	vpop (erf)  }
0x35e: {  	v10 =	vadd.f32 $1.000000000e+00, v10;
	_ =	sdelay $0x1  }
0x35f: {  	(erf) = vrcp.f32 v10;
	_ =	sdelay $0x3  }
0x360: {  	s26 =	sshll.u32 s22, $0x4;
	s22 =	sadd.s32 $0x1, s22  }
0x361: {  	p0 =	sne.s32 s22, $0x5  }
.Ltmp9:
0x362: {  	_ = 	snop;
	(pc) =	sbr.rel @p0 .LBB2_19-.Ltmp9, $3  }
0x363: {  	_ =	sdelay $0x1  }
0x364: {  	s4 =	sand.u32 $0x3FFFFFF0, s26;
	v10 =	vpop (erf)  }
0x365: {  	s23 =	sadd.s32 $0x400, s23;
	s19 =	sadd.s32 $0x400, s19;
	[tilespmem:v9+s4+$0x0 ss:$0x1] =	vst.idx.msk $0xffff, v10  }
0x366: {  	s21 =	sadd.s32 $0x1, s21  }
0x367: {  	p0 =	sne.s32 s21, $0x19  }
.Ltmp10:
0x368: {  	_ = 	snop;
	(pc) =	sbr.rel @p0 .LBB2_2-.Ltmp10, $1  }
0x369: {  	_ =	sdelay $0x3  }
0x36a: {  	s4 =	rddreg [dreg:$0x8];
	s5 =	simm.s32 $0x116A0  }
0x36b: {  	[hbm4b:s4+s3] =	stream.linear.scatter [tilespmem:s5], [sflag:$0xB], $0x2710, $0x38;
	[tilespmem:$0x13DB0] =	vst v63  }
0x36c: {  	_ =	swait.ge [sflag:s10], $0x2710  }
0x36d: {  	s20 =	sadd.s32 $0x1, s20;
	s26 =	rddreg [dreg:$0x9]  }
0x36e: {  	p0 =	sne.s32 s20, s26  }
.Ltmp11:
0x36f: {  	_ = 	snop;
	(pc) =	sbr.rel @p0 .LBB2_1-.Ltmp11, $3  }
0x370: {  	_ =	sdelay $0x1  }
0x371: {  	[sflag:s10] =	ssyncset.done $0x0  }
0x372: {  	[sflag:s10] =	ssyncadd.s32 $0xFFFFD8F0  }
0x373: {  	_ =	sfence.sel $0x180000  }
0x374: {  	[bflag:$0x0] =	sbarrier.arrive $0xFFFF  }
0x375: {  	_ =	strace $0x90000047  }
0x376: {  	s0 =	stileid.u32;
	[bflag:$0x2] =	sbarrier.arrive $0xFFFF  }
0x377: {  	p0 =	sne.s32 s0, $0x0;
	s0 =	rddreg [dreg:$0x4]  }
0x378: {  	s0 =	sadd.s32 @!p0 $0x100000, s0  }
0x379: {  	[sflag:s0] =	ssyncadd.tile.s32 @!p0 $0x1;
	_ =	shalt  }
.Lfunc_end2:
_tile_overlayer_lowered:
.L_overlay_start_2:
0x37a: {  	(tag) =	ssettag $0x2  }
0x37b: {  	s0 =	rddreg [dreg:$0x0];
	s2 =	stileid.u32  }
0x37c: {  	s1 =	rddreg [dreg:$0x1];
	p0 =	sne.s32 s2, $0x0  }
0x37d: {  	s3 =	rddreg [dreg:$0x2];
	[bflag:$0x3] =	sbarrier.arrive $0xFFFF;
	s2 =	simm.s32 @!p0 $0x1C0B  }
0x37e: {  	[timem:s3], [sflag:s2] =	dma.local @!p0 [hbm:s0], s1  }
0x37f: {  	s0 =	simm.s32 @!p0 $0xB  }
0x380: {  	_ =	swait.ge @!p0 [sflag:s0], s1  }
0x381: {  	s1 =	ssub.s32 @!p0 $0x0, s1;
	[sflag:s0] =	ssyncset.done @!p0 $0x0  }
0x382: {  	[sflag:s0] =	ssyncadd.s32 @!p0 s1  }
0x383: {  	[bflag:$0x3] =	sbarrier.arrive $0xFFFF  }
0x384: {  	_ =	shalt  }

</sc_bundles>
